<compile_context>
chip_gen: v7x
topology: tpu7x:2x2x1
jax: 0.10.2.dev20260603
libtpu: 0.0.44.dev20260713+nightly
codegen_flags: <defaults>
</compile_context>

<pallas_src>
import functools

import jax
import jax.numpy as jnp
from jax import lax
from jax.experimental import pallas as pl
from jax.experimental.pallas import tpu as pltpu
from jax.experimental.pallas import tpu_sc as plsc

N_NODES = 10000
N_EDGES = 320000
F_IN = 128
F_HID = 256
F_OUT = 128

NPAD = 10240
PAD_NODE = N_NODES
NC = 2
NS = 16
NW = NC * NS
CHUNK = 128
CHUNKS = 80
EPAD = NW * CHUNKS * CHUNK
RPT = NPAD // NS

_mesh = plsc.VectorSubcoreMesh(core_axis_name="c", subcore_axis_name="s")


@functools.partial(
    pl.kernel,
    out_type=jax.ShapeDtypeStruct((NC, 2, NPAD), jnp.float32),
    mesh=_mesh,
    scratch_types=[
        pltpu.VMEM((CHUNKS, CHUNK), jnp.int32),
        pltpu.VMEM((CHUNKS, CHUNK), jnp.int32),
        pltpu.VMEM((CHUNK,), jnp.float32),
        pltpu.VMEM_SHARED((NPAD,), jnp.float32),
        pltpu.VMEM_SHARED((NPAD,), jnp.float32),
        pltpu.SemaphoreType.DMA,
        pltpu.SemaphoreType.DMA,
    ],
)
def _deg_kernel(src_hbm, dst_hbm, zeros_hbm, out_hbm,
                src_v, dst_v, ones_v, acc_out, acc_in, dsem0, dsem1):
    cid = lax.axis_index("c")
    sid = lax.axis_index("s")
    wid = sid * NC + cid
    pltpu.sync_copy(src_hbm.at[wid], src_v)
    pltpu.sync_copy(dst_hbm.at[wid], dst_v)
    for i in range(CHUNK // 16):
        ones_v[pl.ds(16 * i, 16)] = jnp.ones((16,), jnp.float32)
    pltpu.sync_copy(zeros_hbm.at[pl.ds(sid * RPT, RPT)],
                    acc_out.at[pl.ds(sid * RPT, RPT)])
    pltpu.sync_copy(zeros_hbm.at[pl.ds(sid * RPT, RPT)],
                    acc_in.at[pl.ds(sid * RPT, RPT)])
    plsc.subcore_barrier()

    @pl.loop(0, CHUNKS)
    def _(c):
        pltpu.async_copy(ones_v, acc_out.at[src_v.at[c]], dsem0, add=True)
        pltpu.async_copy(ones_v, acc_in.at[dst_v.at[c]], dsem1, add=True)

    @pl.loop(0, CHUNKS)
    def _(c):
        pltpu.make_async_copy(ones_v, acc_out.at[src_v.at[c]], dsem0).wait()
        pltpu.make_async_copy(ones_v, acc_in.at[dst_v.at[c]], dsem1).wait()

    plsc.subcore_barrier()
    pltpu.sync_copy(acc_out.at[pl.ds(sid * RPT, RPT)],
                    out_hbm.at[cid, 0, pl.ds(sid * RPT, RPT)])
    pltpu.sync_copy(acc_in.at[pl.ds(sid * RPT, RPT)],
                    out_hbm.at[cid, 1, pl.ds(sid * RPT, RPT)])


FH = 64


def _agg_phase_body(h, cid, sid, table_hbm, zeros_hbm, out_hbm,
                    src_v, dst_v, rows_v, acc, tab_s, sems):
    pltpu.sync_copy(zeros_hbm.at[pl.ds(sid * RPT, RPT)],
                    acc.at[pl.ds(sid * RPT, RPT)])
    pltpu.sync_copy(table_hbm.at[h, pl.ds(sid * RPT, RPT)],
                    tab_s.at[pl.ds(sid * RPT, RPT)])
    plsc.subcore_barrier()

    pltpu.async_copy(tab_s.at[src_v.at[0]], rows_v.at[0], sems[0])

    @pl.loop(0, CHUNKS, step=2)
    def _(c):
        for b in range(2):
            cc = c + b
            nxt = cc + 1

            @pl.when(nxt < CHUNKS)
            def _():
                pltpu.async_copy(tab_s.at[src_v.at[nxt]],
                                 rows_v.at[1 - b], sems[1 - b])

            pltpu.make_async_copy(tab_s.at[src_v.at[cc]],
                                  rows_v.at[b], sems[b]).wait()
            pltpu.sync_copy(rows_v.at[b], acc.at[dst_v.at[cc]], add=True)

    plsc.subcore_barrier()
    pltpu.sync_copy(acc.at[pl.ds(sid * RPT, RPT)],
                    out_hbm.at[cid, h, pl.ds(sid * RPT, RPT)])


_AGG_SCRATCH = [
    pltpu.VMEM((CHUNKS, CHUNK), jnp.int32),
    pltpu.VMEM((CHUNKS, CHUNK), jnp.int32),
    pltpu.VMEM((2, CHUNK, FH), jnp.float32),
    pltpu.VMEM_SHARED((NPAD, FH), jnp.float32),
    pltpu.VMEM_SHARED((NPAD, FH), jnp.float32),
    pltpu.SemaphoreType.DMA,
    pltpu.SemaphoreType.DMA,
]


@functools.partial(
    pl.kernel,
    out_type=jax.ShapeDtypeStruct((NC, 2, NPAD, FH), jnp.float32),
    mesh=_mesh,
    scratch_types=list(_AGG_SCRATCH),
    compiler_params=pltpu.CompilerParams(use_tc_tiling_on_sc=False),
)
def _agg_kernel(table_hbm, src_hbm, dst_hbm, zeros_hbm, out_hbm,
                src_v, dst_v, rows_v, acc, tab_s, sem0, sem1):
    cid = lax.axis_index("c")
    sid = lax.axis_index("s")
    wid = sid * NC + cid
    pltpu.sync_copy(src_hbm.at[wid], src_v)
    pltpu.sync_copy(dst_hbm.at[wid], dst_v)
    for h in range(2):
        _agg_phase_body(h, cid, sid, table_hbm, zeros_hbm, out_hbm,
                        src_v, dst_v, rows_v, acc, tab_s, (sem0, sem1))


def _prep_body(dp_ref, x_ref, m1_ref, a_ref, b_ref):
    dp = dp_ref[...]
    out_deg = jnp.transpose(dp[0:1] + dp[2:3])
    in_deg = jnp.transpose(dp[1:2] + dp[3:4])
    a = lax.rsqrt(jnp.maximum(out_deg, 1.0))
    b = lax.rsqrt(jnp.maximum(in_deg, 1.0))
    a_ref[...] = a
    b_ref[...] = b
    m1 = x_ref[...] * a[:N_NODES]
    m1_ref[0, :N_NODES] = m1[:, :FH]
    m1_ref[1, :N_NODES] = m1[:, FH:]
    m1_ref[0, N_NODES:] = jnp.zeros((NPAD - N_NODES, FH), jnp.float32)
    m1_ref[1, N_NODES:] = jnp.zeros((NPAD - N_NODES, FH), jnp.float32)


_prep_call = pl.pallas_call(
    _prep_body,
    out_shape=[
        jax.ShapeDtypeStruct((2, NPAD, FH), jnp.float32),
        jax.ShapeDtypeStruct((NPAD, 1), jnp.float32),
        jax.ShapeDtypeStruct((NPAD, 1), jnp.float32),
    ],
)

BM = 1024


def _mid_body(p, a, b, W1, b1, W2, m2):
    agg = jnp.concatenate([p[0, 0] + p[1, 0], p[0, 1] + p[1, 1]], axis=1)
    agg = agg * b[...]
    h = jnp.dot(agg, W1[...], preferred_element_type=jnp.float32) + b1[...]
    h = jnp.where(h >= 0, h, 0.01 * h)
    g = jnp.dot(h, W2[...], preferred_element_type=jnp.float32)
    g = g * a[...]
    m2[0] = g[:, :FH]
    m2[1] = g[:, FH:]


_mid_call = pl.pallas_call(
    _mid_body,
    grid=(NPAD // BM,),
    in_specs=[
        pl.BlockSpec((NC, 2, BM, FH), lambda i: (0, 0, i, 0)),
        pl.BlockSpec((BM, 1), lambda i: (i, 0)),
        pl.BlockSpec((BM, 1), lambda i: (i, 0)),
        pl.BlockSpec((F_IN, F_HID), lambda i: (0, 0)),
        pl.BlockSpec((1, F_HID), lambda i: (0, 0)),
        pl.BlockSpec((F_HID, F_OUT), lambda i: (0, 0)),
    ],
    out_specs=pl.BlockSpec((2, BM, FH), lambda i: (0, i, 0)),
    out_shape=jax.ShapeDtypeStruct((2, NPAD, FH), jnp.float32),
)


def _fin_body(q, b, b2, out):
    z = jnp.concatenate([q[0, 0, :N_NODES] + q[1, 0, :N_NODES],
                         q[0, 1, :N_NODES] + q[1, 1, :N_NODES]], axis=1)
    z = z * b[:N_NODES] + b2[...]
    out[...] = jax.nn.sigmoid(z)


_fin_call = pl.pallas_call(
    _fin_body,
    out_shape=jax.ShapeDtypeStruct((N_NODES, F_OUT), jnp.float32),
)


def kernel(x, edge_index, W1, b1, W2, b2):
    src = edge_index[0].astype(jnp.int32)
    dst = edge_index[1].astype(jnp.int32)
    pad = jnp.full((EPAD - N_EDGES,), PAD_NODE, jnp.int32)
    src3 = jnp.concatenate([src, pad]).reshape(NW, CHUNKS, CHUNK)
    dst3 = jnp.concatenate([dst, pad]).reshape(NW, CHUNKS, CHUNK)
    zrow = jnp.zeros((NPAD, FH), jnp.float32)
    zvec = jnp.zeros((NPAD,), jnp.float32)

    degp = _deg_kernel(src3, dst3, zvec)
    m1, a2, b2d = _prep_call(degp.reshape(2 * NC, NPAD), x)
    p = _agg_kernel(m1, src3, dst3, zrow)
    m2 = _mid_call(p, a2, b2d, W1, b1.reshape(1, F_HID), W2)
    q = _agg_kernel(m2, src3, dst3, zrow)
    return _fin_call(q, b2d, b2.reshape(1, F_OUT))

# --- scband reference (transcript-rebuilt; emitter-appended) ---
"""Pipeline reference for scband-gcn-23227183136823 (READ-ONLY COPY).

The authoritative reference and input builder live on the scoring server;
editing this copy changes nothing except your own understanding.
"""

import jax, jax.numpy as jnp
import numpy as np

N_NODES = 10000
N_EDGES = 320000
IN_FEATS = 128
HIDDEN_FEATS = 256
OUT_FEATS = 128


def setup_inputs(seed: int = 0) -> dict:
    key = jax.random.key(seed)
    k_x, k_e, k_w1, k_b1, k_w2, k_b2 = jax.random.split(key, 6)
    x = jax.random.normal(k_x, (N_NODES, IN_FEATS), dtype=jnp.float32)
    edge_index = jax.random.randint(k_e, (2, N_EDGES), 0, N_NODES, dtype=jnp.int64)
    # Glorot-style init like dgl GraphConv
    lim1 = float(np.sqrt(6.0 / (IN_FEATS + HIDDEN_FEATS)))
    W1 = jax.random.uniform(k_w1, (IN_FEATS, HIDDEN_FEATS), minval=-lim1, maxval=lim1, dtype=jnp.float32)
    b1 = jnp.zeros((HIDDEN_FEATS,), dtype=jnp.float32)
    lim2 = float(np.sqrt(6.0 / (HIDDEN_FEATS + OUT_FEATS)))
    W2 = jax.random.uniform(k_w2, (HIDDEN_FEATS, OUT_FEATS), minval=-lim2, maxval=lim2, dtype=jnp.float32)
    b2 = jnp.zeros((OUT_FEATS,), dtype=jnp.float32)
    return {"x": x, "edge_index": edge_index, "W1": W1, "b1": b1, "W2": W2, "b2": b2}


def _graph_conv(h, src, dst, out_deg_inv_sqrt, in_deg_inv_sqrt, W, b, n_nodes):
    # dgl GraphConv with norm='both':
    #  h <- h * D_out^{-1/2}; aggregate copy_u sum; h <- h * D_in^{-1/2}; h @ W + b
    h = h * out_deg_inv_sqrt[:, None]
    msgs = jnp.take(h, src, axis=0)
    agg = jax.ops.segment_sum(msgs, dst, num_segments=n_nodes)
    agg = agg * in_deg_inv_sqrt[:, None]
    return agg @ W + b


def reference(x, edge_index, W1, b1, W2, b2):
    n_nodes = x.shape[0]
    src = edge_index[0]
    dst = edge_index[1]
    ones = jnp.ones((src.shape[0],), dtype=jnp.float32)
    out_deg = jax.ops.segment_sum(ones, src, num_segments=n_nodes)
    in_deg = jax.ops.segment_sum(ones, dst, num_segments=n_nodes)
    out_deg_inv_sqrt = jnp.clip(out_deg, 1.0, None) ** -0.5
    in_deg_inv_sqrt = jnp.clip(in_deg, 1.0, None) ** -0.5
    h = _graph_conv(x, src, dst, out_deg_inv_sqrt, in_deg_inv_sqrt, W1, b1, n_nodes)
    h = jax.nn.leaky_relu(h, negative_slope=0.01)
    h = _graph_conv(h, src, dst, out_deg_inv_sqrt, in_deg_inv_sqrt, W2, b2, n_nodes)
    h = jax.nn.sigmoid(h)
    return h

if __name__ == "__main__":
    import jax
    _d = setup_inputs()
    print(jax.jit(kernel)(*tuple(_d.values())))

</pallas_src>

<mosaic_0001>
#map = affine_map<(d0, d1) -> (0, 0, 0)>
#map1 = affine_map<(d0, d1) -> (0, 0)>
#map2 = affine_map<(d0, d1) -> (0, 0, 0, 0)>
module attributes {stable_mosaic.version = 14 : i64} {
  func.func @_agg_kernel(%arg0: i32, %arg1: i32, %arg2: memref<2x10240x64xf32, #tpu.memory_space<hbm>>, %arg3: memref<32x80x128xi32, #tpu.memory_space<hbm>>, %arg4: memref<32x80x128xi32, #tpu.memory_space<hbm>>, %arg5: memref<10240x64xf32, #tpu.memory_space<hbm>>, %arg6: memref<2x2x10240x64xf32, #tpu.memory_space<hbm>>, %arg7: memref<80x128xi32, #tpu.memory_space<vmem>>, %arg8: memref<80x128xi32, #tpu.memory_space<vmem>>, %arg9: memref<2x128x64xf32, #tpu.memory_space<vmem>>, %arg10: memref<10240x64xf32, #tpu.memory_space<vmem_shared>>, %arg11: memref<10240x64xf32, #tpu.memory_space<vmem_shared>>, %arg12: memref<!tpu.dma_semaphore, #tpu.memory_space<semaphore_mem>>, %arg13: memref<!tpu.dma_semaphore, #tpu.memory_space<semaphore_mem>>) attributes {dimension_semantics = [#tpu.dimension_semantics<core_parallel>, #tpu.dimension_semantics<subcore_parallel>], iteration_bounds = array<i64: 2, 16>, scalar_prefetch = 0 : i64, scratch_operands = 7 : i64, tpu.core_type = #tpu.core_type<sc_vector_subcore>, window_params = [{transform_indices = #map}, {transform_indices = #map}, {transform_indices = #map}, {transform_indices = #map1}, {transform_indices = #map2}]} {
    %mul3A = arith.constant 2 : i32
    %mul3A_0 = arith.muli %arg1, %mul3A : i32
    %add3A = arith.addi %mul3A_0, %arg0 : i32
    "tpu.region"() ({
      %run_scoped3A_63 = tpu.sem_alloc : memref<!tpu.dma_semaphore, #tpu.memory_space<semaphore_mem>>
      %dma_start3A_64 = arith.constant 0 : i32
      %dma_start3A_65 = arith.constant 0 : i32
      %dma_start3A_66 = tpu.memref_slice %arg3[%add3A, %dma_start3A_64, %dma_start3A_65] : memref<32x80x128xi32, #tpu.memory_space<hbm>> -> memref<1x80x128xi32, #tpu.memory_space<hbm>>
      %dma_start3A_67 = tpu.memref_squeeze %dma_start3A_66 : memref<1x80x128xi32, #tpu.memory_space<hbm>> -> memref<80x128xi32, #tpu.memory_space<hbm>>
      %dma_start3A_68 = arith.constant 0 : i32
      %dma_start3A_69 = arith.constant 0 : i32
      %dma_start3A_70 = tpu.memref_slice %arg3[%add3A, %dma_start3A_68, %dma_start3A_69] : memref<32x80x128xi32, #tpu.memory_space<hbm>> -> memref<1x80x128xi32, #tpu.memory_space<hbm>>
      %dma_start3A_71 = tpu.memref_squeeze %dma_start3A_70 : memref<1x80x128xi32, #tpu.memory_space<hbm>> -> memref<80x128xi32, #tpu.memory_space<hbm>>
      tpu.enqueue_dma source(%dma_start3A_71 : memref<80x128xi32, #tpu.memory_space<hbm>>) target(%arg7 : memref<80x128xi32, #tpu.memory_space<vmem>>) target_semaphore(%run_scoped3A_63 : memref<!tpu.dma_semaphore, #tpu.memory_space<semaphore_mem>>)
      %dma_wait3A = arith.constant 0 : i32
      %dma_wait3A_72 = arith.constant 0 : i32
      %dma_wait3A_73 = tpu.memref_slice %arg3[%add3A, %dma_wait3A, %dma_wait3A_72] : memref<32x80x128xi32, #tpu.memory_space<hbm>> -> memref<1x80x128xi32, #tpu.memory_space<hbm>>
      %dma_wait3A_74 = tpu.memref_squeeze %dma_wait3A_73 : memref<1x80x128xi32, #tpu.memory_space<hbm>> -> memref<80x128xi32, #tpu.memory_space<hbm>>
      %dma_wait3A_75 = arith.constant 0 : i32
      %dma_wait3A_76 = arith.constant 0 : i32
      %dma_wait3A_77 = tpu.memref_slice %arg3[%add3A, %dma_wait3A_75, %dma_wait3A_76] : memref<32x80x128xi32, #tpu.memory_space<hbm>> -> memref<1x80x128xi32, #tpu.memory_space<hbm>>
      %dma_wait3A_78 = tpu.memref_squeeze %dma_wait3A_77 : memref<1x80x128xi32, #tpu.memory_space<hbm>> -> memref<80x128xi32, #tpu.memory_space<hbm>>
      tpu.wait_dma2 semaphore(%run_scoped3A_63 : memref<!tpu.dma_semaphore, #tpu.memory_space<semaphore_mem>>) src(%dma_wait3A_78 : memref<80x128xi32, #tpu.memory_space<hbm>>) dst(%arg7 : memref<80x128xi32, #tpu.memory_space<vmem>>)
      tpu.yield
    }) : () -> ()
    "tpu.region"() ({
      %run_scoped3A_63 = tpu.sem_alloc : memref<!tpu.dma_semaphore, #tpu.memory_space<semaphore_mem>>
      %dma_start3A_64 = arith.constant 0 : i32
      %dma_start3A_65 = arith.constant 0 : i32
      %dma_start3A_66 = tpu.memref_slice %arg4[%add3A, %dma_start3A_64, %dma_start3A_65] : memref<32x80x128xi32, #tpu.memory_space<hbm>> -> memref<1x80x128xi32, #tpu.memory_space<hbm>>
      %dma_start3A_67 = tpu.memref_squeeze %dma_start3A_66 : memref<1x80x128xi32, #tpu.memory_space<hbm>> -> memref<80x128xi32, #tpu.memory_space<hbm>>
      %dma_start3A_68 = arith.constant 0 : i32
      %dma_start3A_69 = arith.constant 0 : i32
      %dma_start3A_70 = tpu.memref_slice %arg4[%add3A, %dma_start3A_68, %dma_start3A_69] : memref<32x80x128xi32, #tpu.memory_space<hbm>> -> memref<1x80x128xi32, #tpu.memory_space<hbm>>
      %dma_start3A_71 = tpu.memref_squeeze %dma_start3A_70 : memref<1x80x128xi32, #tpu.memory_space<hbm>> -> memref<80x128xi32, #tpu.memory_space<hbm>>
      tpu.enqueue_dma source(%dma_start3A_71 : memref<80x128xi32, #tpu.memory_space<hbm>>) target(%arg8 : memref<80x128xi32, #tpu.memory_space<vmem>>) target_semaphore(%run_scoped3A_63 : memref<!tpu.dma_semaphore, #tpu.memory_space<semaphore_mem>>)
      %dma_wait3A = arith.constant 0 : i32
      %dma_wait3A_72 = arith.constant 0 : i32
      %dma_wait3A_73 = tpu.memref_slice %arg4[%add3A, %dma_wait3A, %dma_wait3A_72] : memref<32x80x128xi32, #tpu.memory_space<hbm>> -> memref<1x80x128xi32, #tpu.memory_space<hbm>>
      %dma_wait3A_74 = tpu.memref_squeeze %dma_wait3A_73 : memref<1x80x128xi32, #tpu.memory_space<hbm>> -> memref<80x128xi32, #tpu.memory_space<hbm>>
      %dma_wait3A_75 = arith.constant 0 : i32
      %dma_wait3A_76 = arith.constant 0 : i32
      %dma_wait3A_77 = tpu.memref_slice %arg4[%add3A, %dma_wait3A_75, %dma_wait3A_76] : memref<32x80x128xi32, #tpu.memory_space<hbm>> -> memref<1x80x128xi32, #tpu.memory_space<hbm>>
      %dma_wait3A_78 = tpu.memref_squeeze %dma_wait3A_77 : memref<1x80x128xi32, #tpu.memory_space<hbm>> -> memref<80x128xi32, #tpu.memory_space<hbm>>
      tpu.wait_dma2 semaphore(%run_scoped3A_63 : memref<!tpu.dma_semaphore, #tpu.memory_space<semaphore_mem>>) src(%dma_wait3A_78 : memref<80x128xi32, #tpu.memory_space<hbm>>) dst(%arg8 : memref<80x128xi32, #tpu.memory_space<vmem>>)
      tpu.yield
    }) : () -> ()
    %mul3A_1 = arith.constant 640 : i32
    %mul3A_2 = arith.muli %arg1, %mul3A_1 : i32
    %mul3A_3 = arith.constant 640 : i32
    %mul3A_4 = arith.muli %arg1, %mul3A_3 : i32
    "tpu.region"() ({
      %run_scoped3A_63 = tpu.sem_alloc : memref<!tpu.dma_semaphore, #tpu.memory_space<semaphore_mem>>
      %dma_start3A_64 = arith.constant 0 : i32
      %dma_start3A_65 = tpu.memref_slice %arg10[%mul3A_4, %dma_start3A_64] : memref<10240x64xf32, #tpu.memory_space<vmem_shared>> -> memref<640x64xf32, #tpu.memory_space<vmem_shared>>
      %dma_start3A_66 = arith.constant 0 : i32
      %dma_start3A_67 = tpu.memref_slice %arg5[%mul3A_2, %dma_start3A_66] : memref<10240x64xf32, #tpu.memory_space<hbm>> -> memref<640x64xf32, #tpu.memory_space<hbm>>
      tpu.enqueue_dma source(%dma_start3A_67 : memref<640x64xf32, #tpu.memory_space<hbm>>) target(%dma_start3A_65 : memref<640x64xf32, #tpu.memory_space<vmem_shared>>) target_semaphore(%run_scoped3A_63 : memref<!tpu.dma_semaphore, #tpu.memory_space<semaphore_mem>>)
      %dma_wait3A = arith.constant 0 : i32
      %dma_wait3A_68 = tpu.memref_slice %arg10[%mul3A_4, %dma_wait3A] : memref<10240x64xf32, #tpu.memory_space<vmem_shared>> -> memref<640x64xf32, #tpu.memory_space<vmem_shared>>
      %dma_wait3A_69 = arith.constant 0 : i32
      %dma_wait3A_70 = tpu.memref_slice %arg5[%mul3A_2, %dma_wait3A_69] : memref<10240x64xf32, #tpu.memory_space<hbm>> -> memref<640x64xf32, #tpu.memory_space<hbm>>
      tpu.wait_dma2 semaphore(%run_scoped3A_63 : memref<!tpu.dma_semaphore, #tpu.memory_space<semaphore_mem>>) src(%dma_wait3A_70 : memref<640x64xf32, #tpu.memory_space<hbm>>) dst(%dma_wait3A_68 : memref<640x64xf32, #tpu.memory_space<vmem_shared>>)
      tpu.yield
    }) : () -> ()
    %mul3A_5 = arith.constant 640 : i32
    %mul3A_6 = arith.muli %arg1, %mul3A_5 : i32
    %mul3A_7 = arith.constant 640 : i32
    %mul3A_8 = arith.muli %arg1, %mul3A_7 : i32
    %run_scoped3A = arith.constant 0 : i32
    "tpu.region"() ({
      %run_scoped3A_63 = tpu.sem_alloc : memref<!tpu.dma_semaphore, #tpu.memory_space<semaphore_mem>>
      %dma_start3A_64 = arith.constant 0 : i32
      %dma_start3A_65 = tpu.memref_slice %arg11[%mul3A_8, %dma_start3A_64] : memref<10240x64xf32, #tpu.memory_space<vmem_shared>> -> memref<640x64xf32, #tpu.memory_space<vmem_shared>>
      %dma_start3A_66 = arith.constant 0 : i32
      %dma_start3A_67 = tpu.memref_slice %arg2[%run_scoped3A, %mul3A_6, %dma_start3A_66] : memref<2x10240x64xf32, #tpu.memory_space<hbm>> -> memref<1x640x64xf32, #tpu.memory_space<hbm>>
      %dma_start3A_68 = tpu.memref_squeeze %dma_start3A_67 : memref<1x640x64xf32, #tpu.memory_space<hbm>> -> memref<640x64xf32, #tpu.memory_space<hbm>>
      tpu.enqueue_dma source(%dma_start3A_68 : memref<640x64xf32, #tpu.memory_space<hbm>>) target(%dma_start3A_65 : memref<640x64xf32, #tpu.memory_space<vmem_shared>>) target_semaphore(%run_scoped3A_63 : memref<!tpu.dma_semaphore, #tpu.memory_space<semaphore_mem>>)
      %dma_wait3A = arith.constant 0 : i32
      %dma_wait3A_69 = tpu.memref_slice %arg11[%mul3A_8, %dma_wait3A] : memref<10240x64xf32, #tpu.memory_space<vmem_shared>> -> memref<640x64xf32, #tpu.memory_space<vmem_shared>>
      %dma_wait3A_70 = arith.constant 0 : i32
      %dma_wait3A_71 = tpu.memref_slice %arg2[%run_scoped3A, %mul3A_6, %dma_wait3A_70] : memref<2x10240x64xf32, #tpu.memory_space<hbm>> -> memref<1x640x64xf32, #tpu.memory_space<hbm>>
      %dma_wait3A_72 = tpu.memref_squeeze %dma_wait3A_71 : memref<1x640x64xf32, #tpu.memory_space<hbm>> -> memref<640x64xf32, #tpu.memory_space<hbm>>
      tpu.wait_dma2 semaphore(%run_scoped3A_63 : memref<!tpu.dma_semaphore, #tpu.memory_space<semaphore_mem>>) src(%dma_wait3A_72 : memref<640x64xf32, #tpu.memory_space<hbm>>) dst(%dma_wait3A_69 : memref<640x64xf32, #tpu.memory_space<vmem_shared>>)
      tpu.yield
    }) : () -> ()
    %barrier3A = arith.constant 0 : index
    tpu.barrier barrier_id(%barrier3A)
    %dma_start3A = arith.constant 0 : i32
    %dma_start3A_9 = arith.constant 0 : i32
    %dma_start3A_10 = arith.constant 0 : i32
    %dma_start3A_11 = arith.constant 0 : i32
    %dma_start3A_12 = tpu.memref_slice %arg9[%dma_start3A_9, %dma_start3A_10, %dma_start3A_11] : memref<2x128x64xf32, #tpu.memory_space<vmem>> -> memref<1x128x64xf32, #tpu.memory_space<vmem>>
    %dma_start3A_13 = tpu.memref_squeeze %dma_start3A_12 : memref<1x128x64xf32, #tpu.memory_space<vmem>> -> memref<128x64xf32, #tpu.memory_space<vmem>>
    %dma_start3A_14 = arith.constant 0 : i32
    %dma_start3A_15 = tpu.memref_slice %arg7[%dma_start3A, %dma_start3A_14] : memref<80x128xi32, #tpu.memory_space<vmem>> -> memref<1x128xi32, #tpu.memory_space<vmem>>
    %dma_start3A_16 = tpu.memref_squeeze %dma_start3A_15 : memref<1x128xi32, #tpu.memory_space<vmem>> -> memref<128xi32, #tpu.memory_space<vmem>>
    %dma_start3A_17 = arith.constant 0 : i32
    %dma_start3A_18 = arith.constant 0 : i32
    %dma_start3A_19 = tpu.memref_slice %arg11[%dma_start3A_17, %dma_start3A_18] : memref<10240x64xf32, #tpu.memory_space<vmem_shared>> -> memref<10240x64xf32, #tpu.memory_space<vmem_shared>>
    tpu.enqueue_indirect_dma source(%dma_start3A_19 : memref<10240x64xf32, #tpu.memory_space<vmem_shared>>) target(%dma_start3A_13 : memref<128x64xf32, #tpu.memory_space<vmem>>) offsets(%dma_start3A_16 : memref<128xi32, #tpu.memory_space<vmem>>) semaphore(%arg12 : memref<!tpu.dma_semaphore, #tpu.memory_space<semaphore_mem>>)
    %scan3A = arith.constant 0 : i32
    %scan3A_20 = arith.constant 40 : i32
    %scan3A_21 = arith.addi %scan3A, %scan3A_20 : i32
    %scan3A_22 = arith.constant 1 : i32
    scf.for %scan3A_63 = %scan3A to %scan3A_21 step %scan3A_22  : i32 {
      %mul3A_64 = arith.constant 2 : i32
      %mul3A_65 = arith.muli %scan3A_63, %mul3A_64 : i32
      %add3A_66 = arith.constant 0 : i32
      %add3A_67 = arith.addi %add3A_66, %mul3A_65 : i32
      %add3A_68 = arith.constant 0 : i32
      %add3A_69 = arith.addi %add3A_67, %add3A_68 : i32
      %add3A_70 = arith.constant 1 : i32
      %add3A_71 = arith.addi %add3A_69, %add3A_70 : i32
      %lt3A = arith.constant 80 : i32
      %lt3A_72 = arith.cmpi slt, %add3A_71, %lt3A : i32
      %convert_element_type3A = arith.extui %lt3A_72 : i1 to i32
      %cond3A = arith.constant 0 : i32
      %cond3A_73 = arith.cmpi ne, %convert_element_type3A, %cond3A : i32
      scf.if %cond3A_73 {
        %dma_start3A_106 = arith.constant 1 : i32
        %dma_start3A_107 = arith.constant 0 : i32
        %dma_start3A_108 = arith.constant 0 : i32
        %dma_start3A_109 = tpu.memref_slice %arg9[%dma_start3A_106, %dma_start3A_107, %dma_start3A_108] : memref<2x128x64xf32, #tpu.memory_space<vmem>> -> memref<1x128x64xf32, #tpu.memory_space<vmem>>
        %dma_start3A_110 = tpu.memref_squeeze %dma_start3A_109 : memref<1x128x64xf32, #tpu.memory_space<vmem>> -> memref<128x64xf32, #tpu.memory_space<vmem>>
        %dma_start3A_111 = arith.constant 0 : i32
        %dma_start3A_112 = tpu.memref_slice %arg7[%add3A_71, %dma_start3A_111] : memref<80x128xi32, #tpu.memory_space<vmem>> -> memref<1x128xi32, #tpu.memory_space<vmem>>
        %dma_start3A_113 = tpu.memref_squeeze %dma_start3A_112 : memref<1x128xi32, #tpu.memory_space<vmem>> -> memref<128xi32, #tpu.memory_space<vmem>>
        %dma_start3A_114 = arith.constant 0 : i32
        %dma_start3A_115 = arith.constant 0 : i32
        %dma_start3A_116 = tpu.memref_slice %arg11[%dma_start3A_114, %dma_start3A_115] : memref<10240x64xf32, #tpu.memory_space<vmem_shared>> -> memref<10240x64xf32, #tpu.memory_space<vmem_shared>>
        tpu.enqueue_indirect_dma source(%dma_start3A_116 : memref<10240x64xf32, #tpu.memory_space<vmem_shared>>) target(%dma_start3A_110 : memref<128x64xf32, #tpu.memory_space<vmem>>) offsets(%dma_start3A_113 : memref<128xi32, #tpu.memory_space<vmem>>) semaphore(%arg13 : memref<!tpu.dma_semaphore, #tpu.memory_space<semaphore_mem>>)
      } else {
      }
      %dma_wait3A = arith.constant 0 : i32
      %dma_wait3A_74 = arith.constant 0 : i32
      %dma_wait3A_75 = arith.constant 0 : i32
      %dma_wait3A_76 = tpu.memref_slice %arg9[%dma_wait3A, %dma_wait3A_74, %dma_wait3A_75] : memref<2x128x64xf32, #tpu.memory_space<vmem>> -> memref<1x128x64xf32, #tpu.memory_space<vmem>>
      %dma_wait3A_77 = tpu.memref_squeeze %dma_wait3A_76 : memref<1x128x64xf32, #tpu.memory_space<vmem>> -> memref<128x64xf32, #tpu.memory_space<vmem>>
      %dma_wait3A_78 = arith.constant 0 : i32
      %dma_wait3A_79 = tpu.memref_slice %arg7[%add3A_69, %dma_wait3A_78] : memref<80x128xi32, #tpu.memory_space<vmem>> -> memref<1x128xi32, #tpu.memory_space<vmem>>
      %dma_wait3A_80 = tpu.memref_squeeze %dma_wait3A_79 : memref<1x128xi32, #tpu.memory_space<vmem>> -> memref<128xi32, #tpu.memory_space<vmem>>
      %dma_wait3A_81 = arith.constant 0 : i32
      %dma_wait3A_82 = arith.constant 0 : i32
      %dma_wait3A_83 = tpu.memref_slice %arg11[%dma_wait3A_81, %dma_wait3A_82] : memref<10240x64xf32, #tpu.memory_space<vmem_shared>> -> memref<10240x64xf32, #tpu.memory_space<vmem_shared>>
      tpu.wait_indirect_dma semaphore(%arg12 : memref<!tpu.dma_semaphore, #tpu.memory_space<semaphore_mem>>) src(%dma_wait3A_83 : memref<10240x64xf32, #tpu.memory_space<vmem_shared>>) dst(%dma_wait3A_77 : memref<128x64xf32, #tpu.memory_space<vmem>>)
      %run_scoped3A_84 = arith.constant 0 : i32
      "tpu.region"() ({
        %run_scoped3A_106 = tpu.sem_alloc : memref<!tpu.dma_semaphore, #tpu.memory_space<semaphore_mem>>
        %dma_start3A_107 = arith.constant 0 : i32
        %dma_start3A_108 = arith.constant 0 : i32
        %dma_start3A_109 = tpu.memref_slice %arg9[%run_scoped3A_84, %dma_start3A_107, %dma_start3A_108] : memref<2x128x64xf32, #tpu.memory_space<vmem>> -> memref<1x128x64xf32, #tpu.memory_space<vmem>>
        %dma_start3A_110 = tpu.memref_squeeze %dma_start3A_109 : memref<1x128x64xf32, #tpu.memory_space<vmem>> -> memref<128x64xf32, #tpu.memory_space<vmem>>
        %dma_start3A_111 = arith.constant 0 : i32
        %dma_start3A_112 = tpu.memref_slice %arg8[%add3A_69, %dma_start3A_111] : memref<80x128xi32, #tpu.memory_space<vmem>> -> memref<1x128xi32, #tpu.memory_space<vmem>>
        %dma_start3A_113 = tpu.memref_squeeze %dma_start3A_112 : memref<1x128xi32, #tpu.memory_space<vmem>> -> memref<128xi32, #tpu.memory_space<vmem>>
        %dma_start3A_114 = arith.constant 0 : i32
        %dma_start3A_115 = arith.constant 0 : i32
        %dma_start3A_116 = tpu.memref_slice %arg10[%dma_start3A_114, %dma_start3A_115] : memref<10240x64xf32, #tpu.memory_space<vmem_shared>> -> memref<10240x64xf32, #tpu.memory_space<vmem_shared>>
        tpu.enqueue_indirect_dma source(%dma_start3A_110 : memref<128x64xf32, #tpu.memory_space<vmem>>) target(%dma_start3A_116 : memref<10240x64xf32, #tpu.memory_space<vmem_shared>>) offsets(%dma_start3A_113 : memref<128xi32, #tpu.memory_space<vmem>>) semaphore(%run_scoped3A_106 : memref<!tpu.dma_semaphore, #tpu.memory_space<semaphore_mem>>) {add = true}
        %dma_wait3A_117 = arith.constant 0 : i32
        %dma_wait3A_118 = arith.constant 0 : i32
        %dma_wait3A_119 = tpu.memref_slice %arg9[%run_scoped3A_84, %dma_wait3A_117, %dma_wait3A_118] : memref<2x128x64xf32, #tpu.memory_space<vmem>> -> memref<1x128x64xf32, #tpu.memory_space<vmem>>
        %dma_wait3A_120 = tpu.memref_squeeze %dma_wait3A_119 : memref<1x128x64xf32, #tpu.memory_space<vmem>> -> memref<128x64xf32, #tpu.memory_space<vmem>>
        %dma_wait3A_121 = arith.constant 0 : i32
        %dma_wait3A_122 = tpu.memref_slice %arg8[%add3A_69, %dma_wait3A_121] : memref<80x128xi32, #tpu.memory_space<vmem>> -> memref<1x128xi32, #tpu.memory_space<vmem>>
        %dma_wait3A_123 = tpu.memref_squeeze %dma_wait3A_122 : memref<1x128xi32, #tpu.memory_space<vmem>> -> memref<128xi32, #tpu.memory_space<vmem>>
        %dma_wait3A_124 = arith.constant 0 : i32
        %dma_wait3A_125 = arith.constant 0 : i32
        %dma_wait3A_126 = tpu.memref_slice %arg10[%dma_wait3A_124, %dma_wait3A_125] : memref<10240x64xf32, #tpu.memory_space<vmem_shared>> -> memref<10240x64xf32, #tpu.memory_space<vmem_shared>>
        tpu.wait_indirect_dma semaphore(%run_scoped3A_106 : memref<!tpu.dma_semaphore, #tpu.memory_space<semaphore_mem>>) src(%dma_wait3A_120 : memref<128x64xf32, #tpu.memory_space<vmem>>) dst(%dma_wait3A_126 : memref<10240x64xf32, #tpu.memory_space<vmem_shared>>)
        tpu.yield
      }) : () -> ()
      %add3A_85 = arith.constant 1 : i32
      %add3A_86 = arith.addi %add3A_67, %add3A_85 : i32
      %add3A_87 = arith.constant 1 : i32
      %add3A_88 = arith.addi %add3A_86, %add3A_87 : i32
      %lt3A_89 = arith.constant 80 : i32
      %lt3A_90 = arith.cmpi slt, %add3A_88, %lt3A_89 : i32
      %convert_element_type3A_91 = arith.extui %lt3A_90 : i1 to i32
      %cond3A_92 = arith.constant 0 : i32
      %cond3A_93 = arith.cmpi ne, %convert_element_type3A_91, %cond3A_92 : i32
      scf.if %cond3A_93 {
        %dma_start3A_106 = arith.constant 0 : i32
        %dma_start3A_107 = arith.constant 0 : i32
        %dma_start3A_108 = arith.constant 0 : i32
        %dma_start3A_109 = tpu.memref_slice %arg9[%dma_start3A_106, %dma_start3A_107, %dma_start3A_108] : memref<2x128x64xf32, #tpu.memory_space<vmem>> -> memref<1x128x64xf32, #tpu.memory_space<vmem>>
        %dma_start3A_110 = tpu.memref_squeeze %dma_start3A_109 : memref<1x128x64xf32, #tpu.memory_space<vmem>> -> memref<128x64xf32, #tpu.memory_space<vmem>>
        %dma_start3A_111 = arith.constant 0 : i32
        %dma_start3A_112 = tpu.memref_slice %arg7[%add3A_88, %dma_start3A_111] : memref<80x128xi32, #tpu.memory_space<vmem>> -> memref<1x128xi32, #tpu.memory_space<vmem>>
        %dma_start3A_113 = tpu.memref_squeeze %dma_start3A_112 : memref<1x128xi32, #tpu.memory_space<vmem>> -> memref<128xi32, #tpu.memory_space<vmem>>
        %dma_start3A_114 = arith.constant 0 : i32
        %dma_start3A_115 = arith.constant 0 : i32
        %dma_start3A_116 = tpu.memref_slice %arg11[%dma_start3A_114, %dma_start3A_115] : memref<10240x64xf32, #tpu.memory_space<vmem_shared>> -> memref<10240x64xf32, #tpu.memory_space<vmem_shared>>
        tpu.enqueue_indirect_dma source(%dma_start3A_116 : memref<10240x64xf32, #tpu.memory_space<vmem_shared>>) target(%dma_start3A_110 : memref<128x64xf32, #tpu.memory_space<vmem>>) offsets(%dma_start3A_113 : memref<128xi32, #tpu.memory_space<vmem>>) semaphore(%arg12 : memref<!tpu.dma_semaphore, #tpu.memory_space<semaphore_mem>>)
      } else {
      }
      %dma_wait3A_94 = arith.constant 1 : i32
      %dma_wait3A_95 = arith.constant 0 : i32
      %dma_wait3A_96 = arith.constant 0 : i32
      %dma_wait3A_97 = tpu.memref_slice %arg9[%dma_wait3A_94, %dma_wait3A_95, %dma_wait3A_96] : memref<2x128x64xf32, #tpu.memory_space<vmem>> -> memref<1x128x64xf32, #tpu.memory_space<vmem>>
      %dma_wait3A_98 = tpu.memref_squeeze %dma_wait3A_97 : memref<1x128x64xf32, #tpu.memory_space<vmem>> -> memref<128x64xf32, #tpu.memory_space<vmem>>
      %dma_wait3A_99 = arith.constant 0 : i32
      %dma_wait3A_100 = tpu.memref_slice %arg7[%add3A_86, %dma_wait3A_99] : memref<80x128xi32, #tpu.memory_space<vmem>> -> memref<1x128xi32, #tpu.memory_space<vmem>>
      %dma_wait3A_101 = tpu.memref_squeeze %dma_wait3A_100 : memref<1x128xi32, #tpu.memory_space<vmem>> -> memref<128xi32, #tpu.memory_space<vmem>>
      %dma_wait3A_102 = arith.constant 0 : i32
      %dma_wait3A_103 = arith.constant 0 : i32
      %dma_wait3A_104 = tpu.memref_slice %arg11[%dma_wait3A_102, %dma_wait3A_103] : memref<10240x64xf32, #tpu.memory_space<vmem_shared>> -> memref<10240x64xf32, #tpu.memory_space<vmem_shared>>
      tpu.wait_indirect_dma semaphore(%arg13 : memref<!tpu.dma_semaphore, #tpu.memory_space<semaphore_mem>>) src(%dma_wait3A_104 : memref<10240x64xf32, #tpu.memory_space<vmem_shared>>) dst(%dma_wait3A_98 : memref<128x64xf32, #tpu.memory_space<vmem>>)
      %run_scoped3A_105 = arith.constant 1 : i32
      "tpu.region"() ({
        %run_scoped3A_106 = tpu.sem_alloc : memref<!tpu.dma_semaphore, #tpu.memory_space<semaphore_mem>>
        %dma_start3A_107 = arith.constant 0 : i32
        %dma_start3A_108 = arith.constant 0 : i32
        %dma_start3A_109 = tpu.memref_slice %arg9[%run_scoped3A_105, %dma_start3A_107, %dma_start3A_108] : memref<2x128x64xf32, #tpu.memory_space<vmem>> -> memref<1x128x64xf32, #tpu.memory_space<vmem>>
        %dma_start3A_110 = tpu.memref_squeeze %dma_start3A_109 : memref<1x128x64xf32, #tpu.memory_space<vmem>> -> memref<128x64xf32, #tpu.memory_space<vmem>>
        %dma_start3A_111 = arith.constant 0 : i32
        %dma_start3A_112 = tpu.memref_slice %arg8[%add3A_86, %dma_start3A_111] : memref<80x128xi32, #tpu.memory_space<vmem>> -> memref<1x128xi32, #tpu.memory_space<vmem>>
        %dma_start3A_113 = tpu.memref_squeeze %dma_start3A_112 : memref<1x128xi32, #tpu.memory_space<vmem>> -> memref<128xi32, #tpu.memory_space<vmem>>
        %dma_start3A_114 = arith.constant 0 : i32
        %dma_start3A_115 = arith.constant 0 : i32
        %dma_start3A_116 = tpu.memref_slice %arg10[%dma_start3A_114, %dma_start3A_115] : memref<10240x64xf32, #tpu.memory_space<vmem_shared>> -> memref<10240x64xf32, #tpu.memory_space<vmem_shared>>
        tpu.enqueue_indirect_dma source(%dma_start3A_110 : memref<128x64xf32, #tpu.memory_space<vmem>>) target(%dma_start3A_116 : memref<10240x64xf32, #tpu.memory_space<vmem_shared>>) offsets(%dma_start3A_113 : memref<128xi32, #tpu.memory_space<vmem>>) semaphore(%run_scoped3A_106 : memref<!tpu.dma_semaphore, #tpu.memory_space<semaphore_mem>>) {add = true}
        %dma_wait3A_117 = arith.constant 0 : i32
        %dma_wait3A_118 = arith.constant 0 : i32
        %dma_wait3A_119 = tpu.memref_slice %arg9[%run_scoped3A_105, %dma_wait3A_117, %dma_wait3A_118] : memref<2x128x64xf32, #tpu.memory_space<vmem>> -> memref<1x128x64xf32, #tpu.memory_space<vmem>>
        %dma_wait3A_120 = tpu.memref_squeeze %dma_wait3A_119 : memref<1x128x64xf32, #tpu.memory_space<vmem>> -> memref<128x64xf32, #tpu.memory_space<vmem>>
        %dma_wait3A_121 = arith.constant 0 : i32
        %dma_wait3A_122 = tpu.memref_slice %arg8[%add3A_86, %dma_wait3A_121] : memref<80x128xi32, #tpu.memory_space<vmem>> -> memref<1x128xi32, #tpu.memory_space<vmem>>
        %dma_wait3A_123 = tpu.memref_squeeze %dma_wait3A_122 : memref<1x128xi32, #tpu.memory_space<vmem>> -> memref<128xi32, #tpu.memory_space<vmem>>
        %dma_wait3A_124 = arith.constant 0 : i32
        %dma_wait3A_125 = arith.constant 0 : i32
        %dma_wait3A_126 = tpu.memref_slice %arg10[%dma_wait3A_124, %dma_wait3A_125] : memref<10240x64xf32, #tpu.memory_space<vmem_shared>> -> memref<10240x64xf32, #tpu.memory_space<vmem_shared>>
        tpu.wait_indirect_dma semaphore(%run_scoped3A_106 : memref<!tpu.dma_semaphore, #tpu.memory_space<semaphore_mem>>) src(%dma_wait3A_120 : memref<128x64xf32, #tpu.memory_space<vmem>>) dst(%dma_wait3A_126 : memref<10240x64xf32, #tpu.memory_space<vmem_shared>>)
        tpu.yield
      }) : () -> ()
    }
    %scan3A_23 = arith.constant 40 : i32
    %barrier3A_24 = arith.constant 0 : index
    tpu.barrier barrier_id(%barrier3A_24)
    %mul3A_25 = arith.constant 640 : i32
    %mul3A_26 = arith.muli %arg1, %mul3A_25 : i32
    %mul3A_27 = arith.constant 640 : i32
    %mul3A_28 = arith.muli %arg1, %mul3A_27 : i32
    %run_scoped3A_29 = arith.constant 0 : i32
    "tpu.region"() ({
      %run_scoped3A_63 = tpu.sem_alloc : memref<!tpu.dma_semaphore, #tpu.memory_space<semaphore_mem>>
      %dma_start3A_64 = arith.constant 0 : i32
      %dma_start3A_65 = tpu.memref_slice %arg6[%arg0, %run_scoped3A_29, %mul3A_28, %dma_start3A_64] : memref<2x2x10240x64xf32, #tpu.memory_space<hbm>> -> memref<1x1x640x64xf32, #tpu.memory_space<hbm>>
      %dma_start3A_66 = tpu.memref_squeeze %dma_start3A_65 : memref<1x1x640x64xf32, #tpu.memory_space<hbm>> -> memref<640x64xf32, #tpu.memory_space<hbm>>
      %dma_start3A_67 = arith.constant 0 : i32
      %dma_start3A_68 = tpu.memref_slice %arg10[%mul3A_26, %dma_start3A_67] : memref<10240x64xf32, #tpu.memory_space<vmem_shared>> -> memref<640x64xf32, #tpu.memory_space<vmem_shared>>
      tpu.enqueue_dma source(%dma_start3A_68 : memref<640x64xf32, #tpu.memory_space<vmem_shared>>) target(%dma_start3A_66 : memref<640x64xf32, #tpu.memory_space<hbm>>) target_semaphore(%run_scoped3A_63 : memref<!tpu.dma_semaphore, #tpu.memory_space<semaphore_mem>>)
      %dma_wait3A = arith.constant 0 : i32
      %dma_wait3A_69 = tpu.memref_slice %arg6[%arg0, %run_scoped3A_29, %mul3A_28, %dma_wait3A] : memref<2x2x10240x64xf32, #tpu.memory_space<hbm>> -> memref<1x1x640x64xf32, #tpu.memory_space<hbm>>
      %dma_wait3A_70 = tpu.memref_squeeze %dma_wait3A_69 : memref<1x1x640x64xf32, #tpu.memory_space<hbm>> -> memref<640x64xf32, #tpu.memory_space<hbm>>
      %dma_wait3A_71 = arith.constant 0 : i32
      %dma_wait3A_72 = tpu.memref_slice %arg10[%mul3A_26, %dma_wait3A_71] : memref<10240x64xf32, #tpu.memory_space<vmem_shared>> -> memref<640x64xf32, #tpu.memory_space<vmem_shared>>
      tpu.wait_dma2 semaphore(%run_scoped3A_63 : memref<!tpu.dma_semaphore, #tpu.memory_space<semaphore_mem>>) src(%dma_wait3A_72 : memref<640x64xf32, #tpu.memory_space<vmem_shared>>) dst(%dma_wait3A_70 : memref<640x64xf32, #tpu.memory_space<hbm>>)
      tpu.yield
    }) : () -> ()
    %mul3A_30 = arith.constant 640 : i32
    %mul3A_31 = arith.muli %arg1, %mul3A_30 : i32
    %mul3A_32 = arith.constant 640 : i32
    %mul3A_33 = arith.muli %arg1, %mul3A_32 : i32
    "tpu.region"() ({
      %run_scoped3A_63 = tpu.sem_alloc : memref<!tpu.dma_semaphore, #tpu.memory_space<semaphore_mem>>
      %dma_start3A_64 = arith.constant 0 : i32
      %dma_start3A_65 = tpu.memref_slice %arg10[%mul3A_33, %dma_start3A_64] : memref<10240x64xf32, #tpu.memory_space<vmem_shared>> -> memref<640x64xf32, #tpu.memory_space<vmem_shared>>
      %dma_start3A_66 = arith.constant 0 : i32
      %dma_start3A_67 = tpu.memref_slice %arg5[%mul3A_31, %dma_start3A_66] : memref<10240x64xf32, #tpu.memory_space<hbm>> -> memref<640x64xf32, #tpu.memory_space<hbm>>
      tpu.enqueue_dma source(%dma_start3A_67 : memref<640x64xf32, #tpu.memory_space<hbm>>) target(%dma_start3A_65 : memref<640x64xf32, #tpu.memory_space<vmem_shared>>) target_semaphore(%run_scoped3A_63 : memref<!tpu.dma_semaphore, #tpu.memory_space<semaphore_mem>>)
      %dma_wait3A = arith.constant 0 : i32
      %dma_wait3A_68 = tpu.memref_slice %arg10[%mul3A_33, %dma_wait3A] : memref<10240x64xf32, #tpu.memory_space<vmem_shared>> -> memref<640x64xf32, #tpu.memory_space<vmem_shared>>
      %dma_wait3A_69 = arith.constant 0 : i32
      %dma_wait3A_70 = tpu.memref_slice %arg5[%mul3A_31, %dma_wait3A_69] : memref<10240x64xf32, #tpu.memory_space<hbm>> -> memref<640x64xf32, #tpu.memory_space<hbm>>
      tpu.wait_dma2 semaphore(%run_scoped3A_63 : memref<!tpu.dma_semaphore, #tpu.memory_space<semaphore_mem>>) src(%dma_wait3A_70 : memref<640x64xf32, #tpu.memory_space<hbm>>) dst(%dma_wait3A_68 : memref<640x64xf32, #tpu.memory_space<vmem_shared>>)
      tpu.yield
    }) : () -> ()
    %mul3A_34 = arith.constant 640 : i32
    %mul3A_35 = arith.muli %arg1, %mul3A_34 : i32
    %mul3A_36 = arith.constant 640 : i32
    %mul3A_37 = arith.muli %arg1, %mul3A_36 : i32
    %run_scoped3A_38 = arith.constant 1 : i32
    "tpu.region"() ({
      %run_scoped3A_63 = tpu.sem_alloc : memref<!tpu.dma_semaphore, #tpu.memory_space<semaphore_mem>>
      %dma_start3A_64 = arith.constant 0 : i32
      %dma_start3A_65 = tpu.memref_slice %arg11[%mul3A_37, %dma_start3A_64] : memref<10240x64xf32, #tpu.memory_space<vmem_shared>> -> memref<640x64xf32, #tpu.memory_space<vmem_shared>>
      %dma_start3A_66 = arith.constant 0 : i32
      %dma_start3A_67 = tpu.memref_slice %arg2[%run_scoped3A_38, %mul3A_35, %dma_start3A_66] : memref<2x10240x64xf32, #tpu.memory_space<hbm>> -> memref<1x640x64xf32, #tpu.memory_space<hbm>>
      %dma_start3A_68 = tpu.memref_squeeze %dma_start3A_67 : memref<1x640x64xf32, #tpu.memory_space<hbm>> -> memref<640x64xf32, #tpu.memory_space<hbm>>
      tpu.enqueue_dma source(%dma_start3A_68 : memref<640x64xf32, #tpu.memory_space<hbm>>) target(%dma_start3A_65 : memref<640x64xf32, #tpu.memory_space<vmem_shared>>) target_semaphore(%run_scoped3A_63 : memref<!tpu.dma_semaphore, #tpu.memory_space<semaphore_mem>>)
      %dma_wait3A = arith.constant 0 : i32
      %dma_wait3A_69 = tpu.memref_slice %arg11[%mul3A_37, %dma_wait3A] : memref<10240x64xf32, #tpu.memory_space<vmem_shared>> -> memref<640x64xf32, #tpu.memory_space<vmem_shared>>
      %dma_wait3A_70 = arith.constant 0 : i32
      %dma_wait3A_71 = tpu.memref_slice %arg2[%run_scoped3A_38, %mul3A_35, %dma_wait3A_70] : memref<2x10240x64xf32, #tpu.memory_space<hbm>> -> memref<1x640x64xf32, #tpu.memory_space<hbm>>
      %dma_wait3A_72 = tpu.memref_squeeze %dma_wait3A_71 : memref<1x640x64xf32, #tpu.memory_space<hbm>> -> memref<640x64xf32, #tpu.memory_space<hbm>>
      tpu.wait_dma2 semaphore(%run_scoped3A_63 : memref<!tpu.dma_semaphore, #tpu.memory_space<semaphore_mem>>) src(%dma_wait3A_72 : memref<640x64xf32, #tpu.memory_space<hbm>>) dst(%dma_wait3A_69 : memref<640x64xf32, #tpu.memory_space<vmem_shared>>)
      tpu.yield
    }) : () -> ()
    %barrier3A_39 = arith.constant 0 : index
    tpu.barrier barrier_id(%barrier3A_39)
    %dma_start3A_40 = arith.constant 0 : i32
    %dma_start3A_41 = arith.constant 0 : i32
    %dma_start3A_42 = arith.constant 0 : i32
    %dma_start3A_43 = arith.constant 0 : i32
    %dma_start3A_44 = tpu.memref_slice %arg9[%dma_start3A_41, %dma_start3A_42, %dma_start3A_43] : memref<2x128x64xf32, #tpu.memory_space<vmem>> -> memref<1x128x64xf32, #tpu.memory_space<vmem>>
    %dma_start3A_45 = tpu.memref_squeeze %dma_start3A_44 : memref<1x128x64xf32, #tpu.memory_space<vmem>> -> memref<128x64xf32, #tpu.memory_space<vmem>>
    %dma_start3A_46 = arith.constant 0 : i32
    %dma_start3A_47 = tpu.memref_slice %arg7[%dma_start3A_40, %dma_start3A_46] : memref<80x128xi32, #tpu.memory_space<vmem>> -> memref<1x128xi32, #tpu.memory_space<vmem>>
    %dma_start3A_48 = tpu.memref_squeeze %dma_start3A_47 : memref<1x128xi32, #tpu.memory_space<vmem>> -> memref<128xi32, #tpu.memory_space<vmem>>
    %dma_start3A_49 = arith.constant 0 : i32
    %dma_start3A_50 = arith.constant 0 : i32
    %dma_start3A_51 = tpu.memref_slice %arg11[%dma_start3A_49, %dma_start3A_50] : memref<10240x64xf32, #tpu.memory_space<vmem_shared>> -> memref<10240x64xf32, #tpu.memory_space<vmem_shared>>
    tpu.enqueue_indirect_dma source(%dma_start3A_51 : memref<10240x64xf32, #tpu.memory_space<vmem_shared>>) target(%dma_start3A_45 : memref<128x64xf32, #tpu.memory_space<vmem>>) offsets(%dma_start3A_48 : memref<128xi32, #tpu.memory_space<vmem>>) semaphore(%arg12 : memref<!tpu.dma_semaphore, #tpu.memory_space<semaphore_mem>>)
    %scan3A_52 = arith.constant 0 : i32
    %scan3A_53 = arith.constant 40 : i32
    %scan3A_54 = arith.addi %scan3A_52, %scan3A_53 : i32
    %scan3A_55 = arith.constant 1 : i32
    scf.for %scan3A_63 = %scan3A_52 to %scan3A_54 step %scan3A_55  : i32 {
      %mul3A_64 = arith.constant 2 : i32
      %mul3A_65 = arith.muli %scan3A_63, %mul3A_64 : i32
      %add3A_66 = arith.constant 0 : i32
      %add3A_67 = arith.addi %add3A_66, %mul3A_65 : i32
      %add3A_68 = arith.constant 0 : i32
      %add3A_69 = arith.addi %add3A_67, %add3A_68 : i32
      %add3A_70 = arith.constant 1 : i32
      %add3A_71 = arith.addi %add3A_69, %add3A_70 : i32
      %lt3A = arith.constant 80 : i32
      %lt3A_72 = arith.cmpi slt, %add3A_71, %lt3A : i32
      %convert_element_type3A = arith.extui %lt3A_72 : i1 to i32
      %cond3A = arith.constant 0 : i32
      %cond3A_73 = arith.cmpi ne, %convert_element_type3A, %cond3A : i32
      scf.if %cond3A_73 {
        %dma_start3A_106 = arith.constant 1 : i32
        %dma_start3A_107 = arith.constant 0 : i32
        %dma_start3A_108 = arith.constant 0 : i32
        %dma_start3A_109 = tpu.memref_slice %arg9[%dma_start3A_106, %dma_start3A_107, %dma_start3A_108] : memref<2x128x64xf32, #tpu.memory_space<vmem>> -> memref<1x128x64xf32, #tpu.memory_space<vmem>>
        %dma_start3A_110 = tpu.memref_squeeze %dma_start3A_109 : memref<1x128x64xf32, #tpu.memory_space<vmem>> -> memref<128x64xf32, #tpu.memory_space<vmem>>
        %dma_start3A_111 = arith.constant 0 : i32
        %dma_start3A_112 = tpu.memref_slice %arg7[%add3A_71, %dma_start3A_111] : memref<80x128xi32, #tpu.memory_space<vmem>> -> memref<1x128xi32, #tpu.memory_space<vmem>>
        %dma_start3A_113 = tpu.memref_squeeze %dma_start3A_112 : memref<1x128xi32, #tpu.memory_space<vmem>> -> memref<128xi32, #tpu.memory_space<vmem>>
        %dma_start3A_114 = arith.constant 0 : i32
        %dma_start3A_115 = arith.constant 0 : i32
        %dma_start3A_116 = tpu.memref_slice %arg11[%dma_start3A_114, %dma_start3A_115] : memref<10240x64xf32, #tpu.memory_space<vmem_shared>> -> memref<10240x64xf32, #tpu.memory_space<vmem_shared>>
        tpu.enqueue_indirect_dma source(%dma_start3A_116 : memref<10240x64xf32, #tpu.memory_space<vmem_shared>>) target(%dma_start3A_110 : memref<128x64xf32, #tpu.memory_space<vmem>>) offsets(%dma_start3A_113 : memref<128xi32, #tpu.memory_space<vmem>>) semaphore(%arg13 : memref<!tpu.dma_semaphore, #tpu.memory_space<semaphore_mem>>)
      } else {
      }
      %dma_wait3A = arith.constant 0 : i32
      %dma_wait3A_74 = arith.constant 0 : i32
      %dma_wait3A_75 = arith.constant 0 : i32
      %dma_wait3A_76 = tpu.memref_slice %arg9[%dma_wait3A, %dma_wait3A_74, %dma_wait3A_75] : memref<2x128x64xf32, #tpu.memory_space<vmem>> -> memref<1x128x64xf32, #tpu.memory_space<vmem>>
      %dma_wait3A_77 = tpu.memref_squeeze %dma_wait3A_76 : memref<1x128x64xf32, #tpu.memory_space<vmem>> -> memref<128x64xf32, #tpu.memory_space<vmem>>
      %dma_wait3A_78 = arith.constant 0 : i32
      %dma_wait3A_79 = tpu.memref_slice %arg7[%add3A_69, %dma_wait3A_78] : memref<80x128xi32, #tpu.memory_space<vmem>> -> memref<1x128xi32, #tpu.memory_space<vmem>>
      %dma_wait3A_80 = tpu.memref_squeeze %dma_wait3A_79 : memref<1x128xi32, #tpu.memory_space<vmem>> -> memref<128xi32, #tpu.memory_space<vmem>>
      %dma_wait3A_81 = arith.constant 0 : i32
      %dma_wait3A_82 = arith.constant 0 : i32
      %dma_wait3A_83 = tpu.memref_slice %arg11[%dma_wait3A_81, %dma_wait3A_82] : memref<10240x64xf32, #tpu.memory_space<vmem_shared>> -> memref<10240x64xf32, #tpu.memory_space<vmem_shared>>
      tpu.wait_indirect_dma semaphore(%arg12 : memref<!tpu.dma_semaphore, #tpu.memory_space<semaphore_mem>>) src(%dma_wait3A_83 : memref<10240x64xf32, #tpu.memory_space<vmem_shared>>) dst(%dma_wait3A_77 : memref<128x64xf32, #tpu.memory_space<vmem>>)
      %run_scoped3A_84 = arith.constant 0 : i32
      "tpu.region"() ({
        %run_scoped3A_106 = tpu.sem_alloc : memref<!tpu.dma_semaphore, #tpu.memory_space<semaphore_mem>>
        %dma_start3A_107 = arith.constant 0 : i32
        %dma_start3A_108 = arith.constant 0 : i32
        %dma_start3A_109 = tpu.memref_slice %arg9[%run_scoped3A_84, %dma_start3A_107, %dma_start3A_108] : memref<2x128x64xf32, #tpu.memory_space<vmem>> -> memref<1x128x64xf32, #tpu.memory_space<vmem>>
        %dma_start3A_110 = tpu.memref_squeeze %dma_start3A_109 : memref<1x128x64xf32, #tpu.memory_space<vmem>> -> memref<128x64xf32, #tpu.memory_space<vmem>>
        %dma_start3A_111 = arith.constant 0 : i32
        %dma_start3A_112 = tpu.memref_slice %arg8[%add3A_69, %dma_start3A_111] : memref<80x128xi32, #tpu.memory_space<vmem>> -> memref<1x128xi32, #tpu.memory_space<vmem>>
        %dma_start3A_113 = tpu.memref_squeeze %dma_start3A_112 : memref<1x128xi32, #tpu.memory_space<vmem>> -> memref<128xi32, #tpu.memory_space<vmem>>
        %dma_start3A_114 = arith.constant 0 : i32
        %dma_start3A_115 = arith.constant 0 : i32
        %dma_start3A_116 = tpu.memref_slice %arg10[%dma_start3A_114, %dma_start3A_115] : memref<10240x64xf32, #tpu.memory_space<vmem_shared>> -> memref<10240x64xf32, #tpu.memory_space<vmem_shared>>
        tpu.enqueue_indirect_dma source(%dma_start3A_110 : memref<128x64xf32, #tpu.memory_space<vmem>>) target(%dma_start3A_116 : memref<10240x64xf32, #tpu.memory_space<vmem_shared>>) offsets(%dma_start3A_113 : memref<128xi32, #tpu.memory_space<vmem>>) semaphore(%run_scoped3A_106 : memref<!tpu.dma_semaphore, #tpu.memory_space<semaphore_mem>>) {add = true}
        %dma_wait3A_117 = arith.constant 0 : i32
        %dma_wait3A_118 = arith.constant 0 : i32
        %dma_wait3A_119 = tpu.memref_slice %arg9[%run_scoped3A_84, %dma_wait3A_117, %dma_wait3A_118] : memref<2x128x64xf32, #tpu.memory_space<vmem>> -> memref<1x128x64xf32, #tpu.memory_space<vmem>>
        %dma_wait3A_120 = tpu.memref_squeeze %dma_wait3A_119 : memref<1x128x64xf32, #tpu.memory_space<vmem>> -> memref<128x64xf32, #tpu.memory_space<vmem>>
        %dma_wait3A_121 = arith.constant 0 : i32
        %dma_wait3A_122 = tpu.memref_slice %arg8[%add3A_69, %dma_wait3A_121] : memref<80x128xi32, #tpu.memory_space<vmem>> -> memref<1x128xi32, #tpu.memory_space<vmem>>
        %dma_wait3A_123 = tpu.memref_squeeze %dma_wait3A_122 : memref<1x128xi32, #tpu.memory_space<vmem>> -> memref<128xi32, #tpu.memory_space<vmem>>
        %dma_wait3A_124 = arith.constant 0 : i32
        %dma_wait3A_125 = arith.constant 0 : i32
        %dma_wait3A_126 = tpu.memref_slice %arg10[%dma_wait3A_124, %dma_wait3A_125] : memref<10240x64xf32, #tpu.memory_space<vmem_shared>> -> memref<10240x64xf32, #tpu.memory_space<vmem_shared>>
        tpu.wait_indirect_dma semaphore(%run_scoped3A_106 : memref<!tpu.dma_semaphore, #tpu.memory_space<semaphore_mem>>) src(%dma_wait3A_120 : memref<128x64xf32, #tpu.memory_space<vmem>>) dst(%dma_wait3A_126 : memref<10240x64xf32, #tpu.memory_space<vmem_shared>>)
        tpu.yield
      }) : () -> ()
      %add3A_85 = arith.constant 1 : i32
      %add3A_86 = arith.addi %add3A_67, %add3A_85 : i32
      %add3A_87 = arith.constant 1 : i32
      %add3A_88 = arith.addi %add3A_86, %add3A_87 : i32
      %lt3A_89 = arith.constant 80 : i32
      %lt3A_90 = arith.cmpi slt, %add3A_88, %lt3A_89 : i32
      %convert_element_type3A_91 = arith.extui %lt3A_90 : i1 to i32
      %cond3A_92 = arith.constant 0 : i32
      %cond3A_93 = arith.cmpi ne, %convert_element_type3A_91, %cond3A_92 : i32
      scf.if %cond3A_93 {
        %dma_start3A_106 = arith.constant 0 : i32
        %dma_start3A_107 = arith.constant 0 : i32
        %dma_start3A_108 = arith.constant 0 : i32
        %dma_start3A_109 = tpu.memref_slice %arg9[%dma_start3A_106, %dma_start3A_107, %dma_start3A_108] : memref<2x128x64xf32, #tpu.memory_space<vmem>> -> memref<1x128x64xf32, #tpu.memory_space<vmem>>
        %dma_start3A_110 = tpu.memref_squeeze %dma_start3A_109 : memref<1x128x64xf32, #tpu.memory_space<vmem>> -> memref<128x64xf32, #tpu.memory_space<vmem>>
        %dma_start3A_111 = arith.constant 0 : i32
        %dma_start3A_112 = tpu.memref_slice %arg7[%add3A_88, %dma_start3A_111] : memref<80x128xi32, #tpu.memory_space<vmem>> -> memref<1x128xi32, #tpu.memory_space<vmem>>
        %dma_start3A_113 = tpu.memref_squeeze %dma_start3A_112 : memref<1x128xi32, #tpu.memory_space<vmem>> -> memref<128xi32, #tpu.memory_space<vmem>>
        %dma_start3A_114 = arith.constant 0 : i32
        %dma_start3A_115 = arith.constant 0 : i32
        %dma_start3A_116 = tpu.memref_slice %arg11[%dma_start3A_114, %dma_start3A_115] : memref<10240x64xf32, #tpu.memory_space<vmem_shared>> -> memref<10240x64xf32, #tpu.memory_space<vmem_shared>>
        tpu.enqueue_indirect_dma source(%dma_start3A_116 : memref<10240x64xf32, #tpu.memory_space<vmem_shared>>) target(%dma_start3A_110 : memref<128x64xf32, #tpu.memory_space<vmem>>) offsets(%dma_start3A_113 : memref<128xi32, #tpu.memory_space<vmem>>) semaphore(%arg12 : memref<!tpu.dma_semaphore, #tpu.memory_space<semaphore_mem>>)
      } else {
      }
      %dma_wait3A_94 = arith.constant 1 : i32
      %dma_wait3A_95 = arith.constant 0 : i32
      %dma_wait3A_96 = arith.constant 0 : i32
      %dma_wait3A_97 = tpu.memref_slice %arg9[%dma_wait3A_94, %dma_wait3A_95, %dma_wait3A_96] : memref<2x128x64xf32, #tpu.memory_space<vmem>> -> memref<1x128x64xf32, #tpu.memory_space<vmem>>
      %dma_wait3A_98 = tpu.memref_squeeze %dma_wait3A_97 : memref<1x128x64xf32, #tpu.memory_space<vmem>> -> memref<128x64xf32, #tpu.memory_space<vmem>>
      %dma_wait3A_99 = arith.constant 0 : i32
      %dma_wait3A_100 = tpu.memref_slice %arg7[%add3A_86, %dma_wait3A_99] : memref<80x128xi32, #tpu.memory_space<vmem>> -> memref<1x128xi32, #tpu.memory_space<vmem>>
      %dma_wait3A_101 = tpu.memref_squeeze %dma_wait3A_100 : memref<1x128xi32, #tpu.memory_space<vmem>> -> memref<128xi32, #tpu.memory_space<vmem>>
      %dma_wait3A_102 = arith.constant 0 : i32
      %dma_wait3A_103 = arith.constant 0 : i32
      %dma_wait3A_104 = tpu.memref_slice %arg11[%dma_wait3A_102, %dma_wait3A_103] : memref<10240x64xf32, #tpu.memory_space<vmem_shared>> -> memref<10240x64xf32, #tpu.memory_space<vmem_shared>>
      tpu.wait_indirect_dma semaphore(%arg13 : memref<!tpu.dma_semaphore, #tpu.memory_space<semaphore_mem>>) src(%dma_wait3A_104 : memref<10240x64xf32, #tpu.memory_space<vmem_shared>>) dst(%dma_wait3A_98 : memref<128x64xf32, #tpu.memory_space<vmem>>)
      %run_scoped3A_105 = arith.constant 1 : i32
      "tpu.region"() ({
        %run_scoped3A_106 = tpu.sem_alloc : memref<!tpu.dma_semaphore, #tpu.memory_space<semaphore_mem>>
        %dma_start3A_107 = arith.constant 0 : i32
        %dma_start3A_108 = arith.constant 0 : i32
        %dma_start3A_109 = tpu.memref_slice %arg9[%run_scoped3A_105, %dma_start3A_107, %dma_start3A_108] : memref<2x128x64xf32, #tpu.memory_space<vmem>> -> memref<1x128x64xf32, #tpu.memory_space<vmem>>
        %dma_start3A_110 = tpu.memref_squeeze %dma_start3A_109 : memref<1x128x64xf32, #tpu.memory_space<vmem>> -> memref<128x64xf32, #tpu.memory_space<vmem>>
        %dma_start3A_111 = arith.constant 0 : i32
        %dma_start3A_112 = tpu.memref_slice %arg8[%add3A_86, %dma_start3A_111] : memref<80x128xi32, #tpu.memory_space<vmem>> -> memref<1x128xi32, #tpu.memory_space<vmem>>
        %dma_start3A_113 = tpu.memref_squeeze %dma_start3A_112 : memref<1x128xi32, #tpu.memory_space<vmem>> -> memref<128xi32, #tpu.memory_space<vmem>>
        %dma_start3A_114 = arith.constant 0 : i32
        %dma_start3A_115 = arith.constant 0 : i32
        %dma_start3A_116 = tpu.memref_slice %arg10[%dma_start3A_114, %dma_start3A_115] : memref<10240x64xf32, #tpu.memory_space<vmem_shared>> -> memref<10240x64xf32, #tpu.memory_space<vmem_shared>>
        tpu.enqueue_indirect_dma source(%dma_start3A_110 : memref<128x64xf32, #tpu.memory_space<vmem>>) target(%dma_start3A_116 : memref<10240x64xf32, #tpu.memory_space<vmem_shared>>) offsets(%dma_start3A_113 : memref<128xi32, #tpu.memory_space<vmem>>) semaphore(%run_scoped3A_106 : memref<!tpu.dma_semaphore, #tpu.memory_space<semaphore_mem>>) {add = true}
        %dma_wait3A_117 = arith.constant 0 : i32
        %dma_wait3A_118 = arith.constant 0 : i32
        %dma_wait3A_119 = tpu.memref_slice %arg9[%run_scoped3A_105, %dma_wait3A_117, %dma_wait3A_118] : memref<2x128x64xf32, #tpu.memory_space<vmem>> -> memref<1x128x64xf32, #tpu.memory_space<vmem>>
        %dma_wait3A_120 = tpu.memref_squeeze %dma_wait3A_119 : memref<1x128x64xf32, #tpu.memory_space<vmem>> -> memref<128x64xf32, #tpu.memory_space<vmem>>
        %dma_wait3A_121 = arith.constant 0 : i32
        %dma_wait3A_122 = tpu.memref_slice %arg8[%add3A_86, %dma_wait3A_121] : memref<80x128xi32, #tpu.memory_space<vmem>> -> memref<1x128xi32, #tpu.memory_space<vmem>>
        %dma_wait3A_123 = tpu.memref_squeeze %dma_wait3A_122 : memref<1x128xi32, #tpu.memory_space<vmem>> -> memref<128xi32, #tpu.memory_space<vmem>>
        %dma_wait3A_124 = arith.constant 0 : i32
        %dma_wait3A_125 = arith.constant 0 : i32
        %dma_wait3A_126 = tpu.memref_slice %arg10[%dma_wait3A_124, %dma_wait3A_125] : memref<10240x64xf32, #tpu.memory_space<vmem_shared>> -> memref<10240x64xf32, #tpu.memory_space<vmem_shared>>
        tpu.wait_indirect_dma semaphore(%run_scoped3A_106 : memref<!tpu.dma_semaphore, #tpu.memory_space<semaphore_mem>>) src(%dma_wait3A_120 : memref<128x64xf32, #tpu.memory_space<vmem>>) dst(%dma_wait3A_126 : memref<10240x64xf32, #tpu.memory_space<vmem_shared>>)
        tpu.yield
      }) : () -> ()
    }
    %scan3A_56 = arith.constant 40 : i32
    %barrier3A_57 = arith.constant 0 : index
    tpu.barrier barrier_id(%barrier3A_57)
    %mul3A_58 = arith.constant 640 : i32
    %mul3A_59 = arith.muli %arg1, %mul3A_58 : i32
    %mul3A_60 = arith.constant 640 : i32
    %mul3A_61 = arith.muli %arg1, %mul3A_60 : i32
    %run_scoped3A_62 = arith.constant 1 : i32
    "tpu.region"() ({
      %run_scoped3A_63 = tpu.sem_alloc : memref<!tpu.dma_semaphore, #tpu.memory_space<semaphore_mem>>
      %dma_start3A_64 = arith.constant 0 : i32
      %dma_start3A_65 = tpu.memref_slice %arg6[%arg0, %run_scoped3A_62, %mul3A_61, %dma_start3A_64] : memref<2x2x10240x64xf32, #tpu.memory_space<hbm>> -> memref<1x1x640x64xf32, #tpu.memory_space<hbm>>
      %dma_start3A_66 = tpu.memref_squeeze %dma_start3A_65 : memref<1x1x640x64xf32, #tpu.memory_space<hbm>> -> memref<640x64xf32, #tpu.memory_space<hbm>>
      %dma_start3A_67 = arith.constant 0 : i32
      %dma_start3A_68 = tpu.memref_slice %arg10[%mul3A_59, %dma_start3A_67] : memref<10240x64xf32, #tpu.memory_space<vmem_shared>> -> memref<640x64xf32, #tpu.memory_space<vmem_shared>>
      tpu.enqueue_dma source(%dma_start3A_68 : memref<640x64xf32, #tpu.memory_space<vmem_shared>>) target(%dma_start3A_66 : memref<640x64xf32, #tpu.memory_space<hbm>>) target_semaphore(%run_scoped3A_63 : memref<!tpu.dma_semaphore, #tpu.memory_space<semaphore_mem>>)
      %dma_wait3A = arith.constant 0 : i32
      %dma_wait3A_69 = tpu.memref_slice %arg6[%arg0, %run_scoped3A_62, %mul3A_61, %dma_wait3A] : memref<2x2x10240x64xf32, #tpu.memory_space<hbm>> -> memref<1x1x640x64xf32, #tpu.memory_space<hbm>>
      %dma_wait3A_70 = tpu.memref_squeeze %dma_wait3A_69 : memref<1x1x640x64xf32, #tpu.memory_space<hbm>> -> memref<640x64xf32, #tpu.memory_space<hbm>>
      %dma_wait3A_71 = arith.constant 0 : i32
      %dma_wait3A_72 = tpu.memref_slice %arg10[%mul3A_59, %dma_wait3A_71] : memref<10240x64xf32, #tpu.memory_space<vmem_shared>> -> memref<640x64xf32, #tpu.memory_space<vmem_shared>>
      tpu.wait_dma2 semaphore(%run_scoped3A_63 : memref<!tpu.dma_semaphore, #tpu.memory_space<semaphore_mem>>) src(%dma_wait3A_72 : memref<640x64xf32, #tpu.memory_space<vmem_shared>>) dst(%dma_wait3A_70 : memref<640x64xf32, #tpu.memory_space<hbm>>)
      tpu.yield
    }) : () -> ()
    return
  }
}

#map = affine_map<(d0, d1) -> (0, 0, 0)>
#map1 = affine_map<(d0, d1) -> (0)>
module attributes {stable_mosaic.version = 14 : i64} {
  func.func @_deg_kernel(%arg0: i32, %arg1: i32, %arg2: memref<32x80x128xi32, #tpu.memory_space<hbm>>, %arg3: memref<32x80x128xi32, #tpu.memory_space<hbm>>, %arg4: memref<10240xf32, #tpu.memory_space<hbm>>, %arg5: memref<2x2x10240xf32, #tpu.memory_space<hbm>>, %arg6: memref<80x128xi32, #tpu.memory_space<vmem>>, %arg7: memref<80x128xi32, #tpu.memory_space<vmem>>, %arg8: memref<128xf32, #tpu.memory_space<vmem>>, %arg9: memref<10240xf32, #tpu.memory_space<vmem_shared>>, %arg10: memref<10240xf32, #tpu.memory_space<vmem_shared>>, %arg11: memref<!tpu.dma_semaphore, #tpu.memory_space<semaphore_mem>>, %arg12: memref<!tpu.dma_semaphore, #tpu.memory_space<semaphore_mem>>) attributes {dimension_semantics = [#tpu.dimension_semantics<core_parallel>, #tpu.dimension_semantics<subcore_parallel>], iteration_bounds = array<i64: 2, 16>, scalar_prefetch = 0 : i64, scratch_operands = 7 : i64, tpu.core_type = #tpu.core_type<sc_vector_subcore>, window_params = [{transform_indices = #map}, {transform_indices = #map}, {transform_indices = #map1}, {transform_indices = #map}]} {
    %mul3A = arith.constant 2 : i32
    %mul3A_0 = arith.muli %arg1, %mul3A : i32
    %add3A = arith.addi %mul3A_0, %arg0 : i32
    "tpu.region"() ({
      %run_scoped3A_74 = tpu.sem_alloc : memref<!tpu.dma_semaphore, #tpu.memory_space<semaphore_mem>>
      %dma_start3A = arith.constant 0 : i32
      %dma_start3A_75 = arith.constant 0 : i32
      %dma_start3A_76 = tpu.memref_slice %arg2[%add3A, %dma_start3A, %dma_start3A_75] : memref<32x80x128xi32, #tpu.memory_space<hbm>> -> memref<1x80x128xi32, #tpu.memory_space<hbm>>
      %dma_start3A_77 = tpu.memref_squeeze %dma_start3A_76 : memref<1x80x128xi32, #tpu.memory_space<hbm>> -> memref<80x128xi32, #tpu.memory_space<hbm>>
      %dma_start3A_78 = arith.constant 0 : i32
      %dma_start3A_79 = arith.constant 0 : i32
      %dma_start3A_80 = tpu.memref_slice %arg2[%add3A, %dma_start3A_78, %dma_start3A_79] : memref<32x80x128xi32, #tpu.memory_space<hbm>> -> memref<1x80x128xi32, #tpu.memory_space<hbm>>
      %dma_start3A_81 = tpu.memref_squeeze %dma_start3A_80 : memref<1x80x128xi32, #tpu.memory_space<hbm>> -> memref<80x128xi32, #tpu.memory_space<hbm>>
      tpu.enqueue_dma source(%dma_start3A_81 : memref<80x128xi32, #tpu.memory_space<hbm>>) target(%arg6 : memref<80x128xi32, #tpu.memory_space<vmem>>) target_semaphore(%run_scoped3A_74 : memref<!tpu.dma_semaphore, #tpu.memory_space<semaphore_mem>>)
      %dma_wait3A = arith.constant 0 : i32
      %dma_wait3A_82 = arith.constant 0 : i32
      %dma_wait3A_83 = tpu.memref_slice %arg2[%add3A, %dma_wait3A, %dma_wait3A_82] : memref<32x80x128xi32, #tpu.memory_space<hbm>> -> memref<1x80x128xi32, #tpu.memory_space<hbm>>
      %dma_wait3A_84 = tpu.memref_squeeze %dma_wait3A_83 : memref<1x80x128xi32, #tpu.memory_space<hbm>> -> memref<80x128xi32, #tpu.memory_space<hbm>>
      %dma_wait3A_85 = arith.constant 0 : i32
      %dma_wait3A_86 = arith.constant 0 : i32
      %dma_wait3A_87 = tpu.memref_slice %arg2[%add3A, %dma_wait3A_85, %dma_wait3A_86] : memref<32x80x128xi32, #tpu.memory_space<hbm>> -> memref<1x80x128xi32, #tpu.memory_space<hbm>>
      %dma_wait3A_88 = tpu.memref_squeeze %dma_wait3A_87 : memref<1x80x128xi32, #tpu.memory_space<hbm>> -> memref<80x128xi32, #tpu.memory_space<hbm>>
      tpu.wait_dma2 semaphore(%run_scoped3A_74 : memref<!tpu.dma_semaphore, #tpu.memory_space<semaphore_mem>>) src(%dma_wait3A_88 : memref<80x128xi32, #tpu.memory_space<hbm>>) dst(%arg6 : memref<80x128xi32, #tpu.memory_space<vmem>>)
      tpu.yield
    }) : () -> ()
    "tpu.region"() ({
      %run_scoped3A_74 = tpu.sem_alloc : memref<!tpu.dma_semaphore, #tpu.memory_space<semaphore_mem>>
      %dma_start3A = arith.constant 0 : i32
      %dma_start3A_75 = arith.constant 0 : i32
      %dma_start3A_76 = tpu.memref_slice %arg3[%add3A, %dma_start3A, %dma_start3A_75] : memref<32x80x128xi32, #tpu.memory_space<hbm>> -> memref<1x80x128xi32, #tpu.memory_space<hbm>>
      %dma_start3A_77 = tpu.memref_squeeze %dma_start3A_76 : memref<1x80x128xi32, #tpu.memory_space<hbm>> -> memref<80x128xi32, #tpu.memory_space<hbm>>
      %dma_start3A_78 = arith.constant 0 : i32
      %dma_start3A_79 = arith.constant 0 : i32
      %dma_start3A_80 = tpu.memref_slice %arg3[%add3A, %dma_start3A_78, %dma_start3A_79] : memref<32x80x128xi32, #tpu.memory_space<hbm>> -> memref<1x80x128xi32, #tpu.memory_space<hbm>>
      %dma_start3A_81 = tpu.memref_squeeze %dma_start3A_80 : memref<1x80x128xi32, #tpu.memory_space<hbm>> -> memref<80x128xi32, #tpu.memory_space<hbm>>
      tpu.enqueue_dma source(%dma_start3A_81 : memref<80x128xi32, #tpu.memory_space<hbm>>) target(%arg7 : memref<80x128xi32, #tpu.memory_space<vmem>>) target_semaphore(%run_scoped3A_74 : memref<!tpu.dma_semaphore, #tpu.memory_space<semaphore_mem>>)
      %dma_wait3A = arith.constant 0 : i32
      %dma_wait3A_82 = arith.constant 0 : i32
      %dma_wait3A_83 = tpu.memref_slice %arg3[%add3A, %dma_wait3A, %dma_wait3A_82] : memref<32x80x128xi32, #tpu.memory_space<hbm>> -> memref<1x80x128xi32, #tpu.memory_space<hbm>>
      %dma_wait3A_84 = tpu.memref_squeeze %dma_wait3A_83 : memref<1x80x128xi32, #tpu.memory_space<hbm>> -> memref<80x128xi32, #tpu.memory_space<hbm>>
      %dma_wait3A_85 = arith.constant 0 : i32
      %dma_wait3A_86 = arith.constant 0 : i32
      %dma_wait3A_87 = tpu.memref_slice %arg3[%add3A, %dma_wait3A_85, %dma_wait3A_86] : memref<32x80x128xi32, #tpu.memory_space<hbm>> -> memref<1x80x128xi32, #tpu.memory_space<hbm>>
      %dma_wait3A_88 = tpu.memref_squeeze %dma_wait3A_87 : memref<1x80x128xi32, #tpu.memory_space<hbm>> -> memref<80x128xi32, #tpu.memory_space<hbm>>
      tpu.wait_dma2 semaphore(%run_scoped3A_74 : memref<!tpu.dma_semaphore, #tpu.memory_space<semaphore_mem>>) src(%dma_wait3A_88 : memref<80x128xi32, #tpu.memory_space<hbm>>) dst(%arg7 : memref<80x128xi32, #tpu.memory_space<vmem>>)
      tpu.yield
    }) : () -> ()
    %broadcast_in_dim3A = arith.constant 1.000000e+00 : f32
    %broadcast_in_dim3A_1 = vector.broadcast %broadcast_in_dim3A : f32 to vector<16xf32>
    %swap3A = arith.constant 0 : index
    %swap3A_2 = tpu.vector_load %arg8[%swap3A] {strides = array<i32>} : memref<128xf32, #tpu.memory_space<vmem>>, vector<16xf32>,
    %swap3A_3 = vector.shape_cast %swap3A_2 : vector<16xf32> to vector<16xf32>
    %swap3A_4 = vector.shape_cast %broadcast_in_dim3A_1 : vector<16xf32> to vector<16xf32>
    tpu.vector_store %arg8[%swap3A], %swap3A_4 {strides = array<i32>} : memref<128xf32, #tpu.memory_space<vmem>>, vector<16xf32>,
    %broadcast_in_dim3A_5 = arith.constant 1.000000e+00 : f32
    %broadcast_in_dim3A_6 = vector.broadcast %broadcast_in_dim3A_5 : f32 to vector<16xf32>
    %swap3A_7 = arith.constant 16 : index
    %swap3A_8 = tpu.vector_load %arg8[%swap3A_7] {strides = array<i32>} : memref<128xf32, #tpu.memory_space<vmem>>, vector<16xf32>,
    %swap3A_9 = vector.shape_cast %swap3A_8 : vector<16xf32> to vector<16xf32>
    %swap3A_10 = vector.shape_cast %broadcast_in_dim3A_6 : vector<16xf32> to vector<16xf32>
    tpu.vector_store %arg8[%swap3A_7], %swap3A_10 {strides = array<i32>} : memref<128xf32, #tpu.memory_space<vmem>>, vector<16xf32>,
    %broadcast_in_dim3A_11 = arith.constant 1.000000e+00 : f32
    %broadcast_in_dim3A_12 = vector.broadcast %broadcast_in_dim3A_11 : f32 to vector<16xf32>
    %swap3A_13 = arith.constant 32 : index
    %swap3A_14 = tpu.vector_load %arg8[%swap3A_13] {strides = array<i32>} : memref<128xf32, #tpu.memory_space<vmem>>, vector<16xf32>,
    %swap3A_15 = vector.shape_cast %swap3A_14 : vector<16xf32> to vector<16xf32>
    %swap3A_16 = vector.shape_cast %broadcast_in_dim3A_12 : vector<16xf32> to vector<16xf32>
    tpu.vector_store %arg8[%swap3A_13], %swap3A_16 {strides = array<i32>} : memref<128xf32, #tpu.memory_space<vmem>>, vector<16xf32>,
    %broadcast_in_dim3A_17 = arith.constant 1.000000e+00 : f32
    %broadcast_in_dim3A_18 = vector.broadcast %broadcast_in_dim3A_17 : f32 to vector<16xf32>
    %swap3A_19 = arith.constant 48 : index
    %swap3A_20 = tpu.vector_load %arg8[%swap3A_19] {strides = array<i32>} : memref<128xf32, #tpu.memory_space<vmem>>, vector<16xf32>,
    %swap3A_21 = vector.shape_cast %swap3A_20 : vector<16xf32> to vector<16xf32>
    %swap3A_22 = vector.shape_cast %broadcast_in_dim3A_18 : vector<16xf32> to vector<16xf32>
    tpu.vector_store %arg8[%swap3A_19], %swap3A_22 {strides = array<i32>} : memref<128xf32, #tpu.memory_space<vmem>>, vector<16xf32>,
    %broadcast_in_dim3A_23 = arith.constant 1.000000e+00 : f32
    %broadcast_in_dim3A_24 = vector.broadcast %broadcast_in_dim3A_23 : f32 to vector<16xf32>
    %swap3A_25 = arith.constant 64 : index
    %swap3A_26 = tpu.vector_load %arg8[%swap3A_25] {strides = array<i32>} : memref<128xf32, #tpu.memory_space<vmem>>, vector<16xf32>,
    %swap3A_27 = vector.shape_cast %swap3A_26 : vector<16xf32> to vector<16xf32>
    %swap3A_28 = vector.shape_cast %broadcast_in_dim3A_24 : vector<16xf32> to vector<16xf32>
    tpu.vector_store %arg8[%swap3A_25], %swap3A_28 {strides = array<i32>} : memref<128xf32, #tpu.memory_space<vmem>>, vector<16xf32>,
    %broadcast_in_dim3A_29 = arith.constant 1.000000e+00 : f32
    %broadcast_in_dim3A_30 = vector.broadcast %broadcast_in_dim3A_29 : f32 to vector<16xf32>
    %swap3A_31 = arith.constant 80 : index
    %swap3A_32 = tpu.vector_load %arg8[%swap3A_31] {strides = array<i32>} : memref<128xf32, #tpu.memory_space<vmem>>, vector<16xf32>,
    %swap3A_33 = vector.shape_cast %swap3A_32 : vector<16xf32> to vector<16xf32>
    %swap3A_34 = vector.shape_cast %broadcast_in_dim3A_30 : vector<16xf32> to vector<16xf32>
    tpu.vector_store %arg8[%swap3A_31], %swap3A_34 {strides = array<i32>} : memref<128xf32, #tpu.memory_space<vmem>>, vector<16xf32>,
    %broadcast_in_dim3A_35 = arith.constant 1.000000e+00 : f32
    %broadcast_in_dim3A_36 = vector.broadcast %broadcast_in_dim3A_35 : f32 to vector<16xf32>
    %swap3A_37 = arith.constant 96 : index
    %swap3A_38 = tpu.vector_load %arg8[%swap3A_37] {strides = array<i32>} : memref<128xf32, #tpu.memory_space<vmem>>, vector<16xf32>,
    %swap3A_39 = vector.shape_cast %swap3A_38 : vector<16xf32> to vector<16xf32>
    %swap3A_40 = vector.shape_cast %broadcast_in_dim3A_36 : vector<16xf32> to vector<16xf32>
    tpu.vector_store %arg8[%swap3A_37], %swap3A_40 {strides = array<i32>} : memref<128xf32, #tpu.memory_space<vmem>>, vector<16xf32>,
    %broadcast_in_dim3A_41 = arith.constant 1.000000e+00 : f32
    %broadcast_in_dim3A_42 = vector.broadcast %broadcast_in_dim3A_41 : f32 to vector<16xf32>
    %swap3A_43 = arith.constant 112 : index
    %swap3A_44 = tpu.vector_load %arg8[%swap3A_43] {strides = array<i32>} : memref<128xf32, #tpu.memory_space<vmem>>, vector<16xf32>,
    %swap3A_45 = vector.shape_cast %swap3A_44 : vector<16xf32> to vector<16xf32>
    %swap3A_46 = vector.shape_cast %broadcast_in_dim3A_42 : vector<16xf32> to vector<16xf32>
    tpu.vector_store %arg8[%swap3A_43], %swap3A_46 {strides = array<i32>} : memref<128xf32, #tpu.memory_space<vmem>>, vector<16xf32>,
    %mul3A_47 = arith.constant 640 : i32
    %mul3A_48 = arith.muli %arg1, %mul3A_47 : i32
    %mul3A_49 = arith.constant 640 : i32
    %mul3A_50 = arith.muli %arg1, %mul3A_49 : i32
    "tpu.region"() ({
      %run_scoped3A_74 = tpu.sem_alloc : memref<!tpu.dma_semaphore, #tpu.memory_space<semaphore_mem>>
      %dma_start3A = tpu.memref_slice %arg9[%mul3A_50] : memref<10240xf32, #tpu.memory_space<vmem_shared>> -> memref<640xf32, #tpu.memory_space<vmem_shared>>
      %dma_start3A_75 = tpu.memref_slice %arg4[%mul3A_48] : memref<10240xf32, #tpu.memory_space<hbm>> -> memref<640xf32, #tpu.memory_space<hbm>>
      tpu.enqueue_dma source(%dma_start3A_75 : memref<640xf32, #tpu.memory_space<hbm>>) target(%dma_start3A : memref<640xf32, #tpu.memory_space<vmem_shared>>) target_semaphore(%run_scoped3A_74 : memref<!tpu.dma_semaphore, #tpu.memory_space<semaphore_mem>>)
      %dma_wait3A = tpu.memref_slice %arg9[%mul3A_50] : memref<10240xf32, #tpu.memory_space<vmem_shared>> -> memref<640xf32, #tpu.memory_space<vmem_shared>>
      %dma_wait3A_76 = tpu.memref_slice %arg4[%mul3A_48] : memref<10240xf32, #tpu.memory_space<hbm>> -> memref<640xf32, #tpu.memory_space<hbm>>
      tpu.wait_dma2 semaphore(%run_scoped3A_74 : memref<!tpu.dma_semaphore, #tpu.memory_space<semaphore_mem>>) src(%dma_wait3A_76 : memref<640xf32, #tpu.memory_space<hbm>>) dst(%dma_wait3A : memref<640xf32, #tpu.memory_space<vmem_shared>>)
      tpu.yield
    }) : () -> ()
    %mul3A_51 = arith.constant 640 : i32
    %mul3A_52 = arith.muli %arg1, %mul3A_51 : i32
    %mul3A_53 = arith.constant 640 : i32
    %mul3A_54 = arith.muli %arg1, %mul3A_53 : i32
    "tpu.region"() ({
      %run_scoped3A_74 = tpu.sem_alloc : memref<!tpu.dma_semaphore, #tpu.memory_space<semaphore_mem>>
      %dma_start3A = tpu.memref_slice %arg10[%mul3A_54] : memref<10240xf32, #tpu.memory_space<vmem_shared>> -> memref<640xf32, #tpu.memory_space<vmem_shared>>
      %dma_start3A_75 = tpu.memref_slice %arg4[%mul3A_52] : memref<10240xf32, #tpu.memory_space<hbm>> -> memref<640xf32, #tpu.memory_space<hbm>>
      tpu.enqueue_dma source(%dma_start3A_75 : memref<640xf32, #tpu.memory_space<hbm>>) target(%dma_start3A : memref<640xf32, #tpu.memory_space<vmem_shared>>) target_semaphore(%run_scoped3A_74 : memref<!tpu.dma_semaphore, #tpu.memory_space<semaphore_mem>>)
      %dma_wait3A = tpu.memref_slice %arg10[%mul3A_54] : memref<10240xf32, #tpu.memory_space<vmem_shared>> -> memref<640xf32, #tpu.memory_space<vmem_shared>>
      %dma_wait3A_76 = tpu.memref_slice %arg4[%mul3A_52] : memref<10240xf32, #tpu.memory_space<hbm>> -> memref<640xf32, #tpu.memory_space<hbm>>
      tpu.wait_dma2 semaphore(%run_scoped3A_74 : memref<!tpu.dma_semaphore, #tpu.memory_space<semaphore_mem>>) src(%dma_wait3A_76 : memref<640xf32, #tpu.memory_space<hbm>>) dst(%dma_wait3A : memref<640xf32, #tpu.memory_space<vmem_shared>>)
      tpu.yield
    }) : () -> ()
    %barrier3A = arith.constant 0 : index
    tpu.barrier barrier_id(%barrier3A)
    %scan3A = arith.constant 0 : i32
    %scan3A_55 = arith.constant 80 : i32
    %scan3A_56 = arith.addi %scan3A, %scan3A_55 : i32
    %scan3A_57 = arith.constant 1 : i32
    scf.for %scan3A_74 = %scan3A to %scan3A_56 step %scan3A_57  : i32 {
      %mul3A_75 = arith.constant 1 : i32
      %mul3A_76 = arith.muli %scan3A_74, %mul3A_75 : i32
      %add3A_77 = arith.constant 0 : i32
      %add3A_78 = arith.addi %add3A_77, %mul3A_76 : i32
      %dma_start3A = arith.constant 0 : i32
      %dma_start3A_79 = tpu.memref_slice %arg6[%add3A_78, %dma_start3A] : memref<80x128xi32, #tpu.memory_space<vmem>> -> memref<1x128xi32, #tpu.memory_space<vmem>>
      %dma_start3A_80 = tpu.memref_squeeze %dma_start3A_79 : memref<1x128xi32, #tpu.memory_space<vmem>> -> memref<128xi32, #tpu.memory_space<vmem>>
      %dma_start3A_81 = arith.constant 0 : i32
      %dma_start3A_82 = tpu.memref_slice %arg9[%dma_start3A_81] : memref<10240xf32, #tpu.memory_space<vmem_shared>> -> memref<10240xf32, #tpu.memory_space<vmem_shared>>
      tpu.enqueue_indirect_dma source(%arg8 : memref<128xf32, #tpu.memory_space<vmem>>) target(%dma_start3A_82 : memref<10240xf32, #tpu.memory_space<vmem_shared>>) offsets(%dma_start3A_80 : memref<128xi32, #tpu.memory_space<vmem>>) semaphore(%arg11 : memref<!tpu.dma_semaphore, #tpu.memory_space<semaphore_mem>>) {add = true}
      %dma_start3A_83 = arith.constant 0 : i32
      %dma_start3A_84 = tpu.memref_slice %arg7[%add3A_78, %dma_start3A_83] : memref<80x128xi32, #tpu.memory_space<vmem>> -> memref<1x128xi32, #tpu.memory_space<vmem>>
      %dma_start3A_85 = tpu.memref_squeeze %dma_start3A_84 : memref<1x128xi32, #tpu.memory_space<vmem>> -> memref<128xi32, #tpu.memory_space<vmem>>
      %dma_start3A_86 = arith.constant 0 : i32
      %dma_start3A_87 = tpu.memref_slice %arg10[%dma_start3A_86] : memref<10240xf32, #tpu.memory_space<vmem_shared>> -> memref<10240xf32, #tpu.memory_space<vmem_shared>>
      tpu.enqueue_indirect_dma source(%arg8 : memref<128xf32, #tpu.memory_space<vmem>>) target(%dma_start3A_87 : memref<10240xf32, #tpu.memory_space<vmem_shared>>) offsets(%dma_start3A_85 : memref<128xi32, #tpu.memory_space<vmem>>) semaphore(%arg12 : memref<!tpu.dma_semaphore, #tpu.memory_space<semaphore_mem>>) {add = true}
    }
    %scan3A_58 = arith.constant 80 : i32
    %scan3A_59 = arith.constant 0 : i32
    %scan3A_60 = arith.constant 80 : i32
    %scan3A_61 = arith.addi %scan3A_59, %scan3A_60 : i32
    %scan3A_62 = arith.constant 1 : i32
    scf.for %scan3A_74 = %scan3A_59 to %scan3A_61 step %scan3A_62  : i32 {
      %mul3A_75 = arith.constant 1 : i32
      %mul3A_76 = arith.muli %scan3A_74, %mul3A_75 : i32
      %add3A_77 = arith.constant 0 : i32
      %add3A_78 = arith.addi %add3A_77, %mul3A_76 : i32
      %dma_wait3A = arith.constant 0 : i32
      %dma_wait3A_79 = tpu.memref_slice %arg6[%add3A_78, %dma_wait3A] : memref<80x128xi32, #tpu.memory_space<vmem>> -> memref<1x128xi32, #tpu.memory_space<vmem>>
      %dma_wait3A_80 = tpu.memref_squeeze %dma_wait3A_79 : memref<1x128xi32, #tpu.memory_space<vmem>> -> memref<128xi32, #tpu.memory_space<vmem>>
      %dma_wait3A_81 = arith.constant 0 : i32
      %dma_wait3A_82 = tpu.memref_slice %arg9[%dma_wait3A_81] : memref<10240xf32, #tpu.memory_space<vmem_shared>> -> memref<10240xf32, #tpu.memory_space<vmem_shared>>
      tpu.wait_indirect_dma semaphore(%arg11 : memref<!tpu.dma_semaphore, #tpu.memory_space<semaphore_mem>>) src(%arg8 : memref<128xf32, #tpu.memory_space<vmem>>) dst(%dma_wait3A_82 : memref<10240xf32, #tpu.memory_space<vmem_shared>>)
      %dma_wait3A_83 = arith.constant 0 : i32
      %dma_wait3A_84 = tpu.memref_slice %arg7[%add3A_78, %dma_wait3A_83] : memref<80x128xi32, #tpu.memory_space<vmem>> -> memref<1x128xi32, #tpu.memory_space<vmem>>
      %dma_wait3A_85 = tpu.memref_squeeze %dma_wait3A_84 : memref<1x128xi32, #tpu.memory_space<vmem>> -> memref<128xi32, #tpu.memory_space<vmem>>
      %dma_wait3A_86 = arith.constant 0 : i32
      %dma_wait3A_87 = tpu.memref_slice %arg10[%dma_wait3A_86] : memref<10240xf32, #tpu.memory_space<vmem_shared>> -> memref<10240xf32, #tpu.memory_space<vmem_shared>>
      tpu.wait_indirect_dma semaphore(%arg12 : memref<!tpu.dma_semaphore, #tpu.memory_space<semaphore_mem>>) src(%arg8 : memref<128xf32, #tpu.memory_space<vmem>>) dst(%dma_wait3A_87 : memref<10240xf32, #tpu.memory_space<vmem_shared>>)
    }
    %scan3A_63 = arith.constant 80 : i32
    %barrier3A_64 = arith.constant 0 : index
    tpu.barrier barrier_id(%barrier3A_64)
    %mul3A_65 = arith.constant 640 : i32
    %mul3A_66 = arith.muli %arg1, %mul3A_65 : i32
    %mul3A_67 = arith.constant 640 : i32
    %mul3A_68 = arith.muli %arg1, %mul3A_67 : i32
    %run_scoped3A = arith.constant 0 : i32
    "tpu.region"() ({
      %run_scoped3A_74 = tpu.sem_alloc : memref<!tpu.dma_semaphore, #tpu.memory_space<semaphore_mem>>
      %dma_start3A = tpu.memref_slice %arg5[%arg0, %run_scoped3A, %mul3A_68] : memref<2x2x10240xf32, #tpu.memory_space<hbm>> -> memref<1x1x640xf32, #tpu.memory_space<hbm>>
      %dma_start3A_75 = tpu.memref_squeeze %dma_start3A : memref<1x1x640xf32, #tpu.memory_space<hbm>> -> memref<640xf32, #tpu.memory_space<hbm>>
      %dma_start3A_76 = tpu.memref_slice %arg9[%mul3A_66] : memref<10240xf32, #tpu.memory_space<vmem_shared>> -> memref<640xf32, #tpu.memory_space<vmem_shared>>
      tpu.enqueue_dma source(%dma_start3A_76 : memref<640xf32, #tpu.memory_space<vmem_shared>>) target(%dma_start3A_75 : memref<640xf32, #tpu.memory_space<hbm>>) target_semaphore(%run_scoped3A_74 : memref<!tpu.dma_semaphore, #tpu.memory_space<semaphore_mem>>)
      %dma_wait3A = tpu.memref_slice %arg5[%arg0, %run_scoped3A, %mul3A_68] : memref<2x2x10240xf32, #tpu.memory_space<hbm>> -> memref<1x1x640xf32, #tpu.memory_space<hbm>>
      %dma_wait3A_77 = tpu.memref_squeeze %dma_wait3A : memref<1x1x640xf32, #tpu.memory_space<hbm>> -> memref<640xf32, #tpu.memory_space<hbm>>
      %dma_wait3A_78 = tpu.memref_slice %arg9[%mul3A_66] : memref<10240xf32, #tpu.memory_space<vmem_shared>> -> memref<640xf32, #tpu.memory_space<vmem_shared>>
      tpu.wait_dma2 semaphore(%run_scoped3A_74 : memref<!tpu.dma_semaphore, #tpu.memory_space<semaphore_mem>>) src(%dma_wait3A_78 : memref<640xf32, #tpu.memory_space<vmem_shared>>) dst(%dma_wait3A_77 : memref<640xf32, #tpu.memory_space<hbm>>)
      tpu.yield
    }) : () -> ()
    %mul3A_69 = arith.constant 640 : i32
    %mul3A_70 = arith.muli %arg1, %mul3A_69 : i32
    %mul3A_71 = arith.constant 640 : i32
    %mul3A_72 = arith.muli %arg1, %mul3A_71 : i32
    %run_scoped3A_73 = arith.constant 1 : i32
    "tpu.region"() ({
      %run_scoped3A_74 = tpu.sem_alloc : memref<!tpu.dma_semaphore, #tpu.memory_space<semaphore_mem>>
      %dma_start3A = tpu.memref_slice %arg5[%arg0, %run_scoped3A_73, %mul3A_72] : memref<2x2x10240xf32, #tpu.memory_space<hbm>> -> memref<1x1x640xf32, #tpu.memory_space<hbm>>
      %dma_start3A_75 = tpu.memref_squeeze %dma_start3A : memref<1x1x640xf32, #tpu.memory_space<hbm>> -> memref<640xf32, #tpu.memory_space<hbm>>
      %dma_start3A_76 = tpu.memref_slice %arg10[%mul3A_70] : memref<10240xf32, #tpu.memory_space<vmem_shared>> -> memref<640xf32, #tpu.memory_space<vmem_shared>>
      tpu.enqueue_dma source(%dma_start3A_76 : memref<640xf32, #tpu.memory_space<vmem_shared>>) target(%dma_start3A_75 : memref<640xf32, #tpu.memory_space<hbm>>) target_semaphore(%run_scoped3A_74 : memref<!tpu.dma_semaphore, #tpu.memory_space<semaphore_mem>>)
      %dma_wait3A = tpu.memref_slice %arg5[%arg0, %run_scoped3A_73, %mul3A_72] : memref<2x2x10240xf32, #tpu.memory_space<hbm>> -> memref<1x1x640xf32, #tpu.memory_space<hbm>>
      %dma_wait3A_77 = tpu.memref_squeeze %dma_wait3A : memref<1x1x640xf32, #tpu.memory_space<hbm>> -> memref<640xf32, #tpu.memory_space<hbm>>
      %dma_wait3A_78 = tpu.memref_slice %arg10[%mul3A_70] : memref<10240xf32, #tpu.memory_space<vmem_shared>> -> memref<640xf32, #tpu.memory_space<vmem_shared>>
      tpu.wait_dma2 semaphore(%run_scoped3A_74 : memref<!tpu.dma_semaphore, #tpu.memory_space<semaphore_mem>>) src(%dma_wait3A_78 : memref<640xf32, #tpu.memory_space<vmem_shared>>) dst(%dma_wait3A_77 : memref<640xf32, #tpu.memory_space<hbm>>)
      tpu.yield
    }) : () -> ()
    return
  }
}

#map = affine_map<(d0, d1) -> (0, 0, 0)>
#map1 = affine_map<(d0, d1) -> (0, 0)>
#map2 = affine_map<(d0, d1) -> (0, 0, 0, 0)>
module attributes {stable_mosaic.version = 14 : i64} {
  func.func @_agg_kernel(%arg0: i32, %arg1: i32, %arg2: memref<2x10240x64xf32, #tpu.memory_space<hbm>>, %arg3: memref<32x80x128xi32, #tpu.memory_space<hbm>>, %arg4: memref<32x80x128xi32, #tpu.memory_space<hbm>>, %arg5: memref<10240x64xf32, #tpu.memory_space<hbm>>, %arg6: memref<2x2x10240x64xf32, #tpu.memory_space<hbm>>, %arg7: memref<80x128xi32, #tpu.memory_space<vmem>>, %arg8: memref<80x128xi32, #tpu.memory_space<vmem>>, %arg9: memref<2x128x64xf32, #tpu.memory_space<vmem>>, %arg10: memref<10240x64xf32, #tpu.memory_space<vmem_shared>>, %arg11: memref<10240x64xf32, #tpu.memory_space<vmem_shared>>, %arg12: memref<!tpu.dma_semaphore, #tpu.memory_space<semaphore_mem>>, %arg13: memref<!tpu.dma_semaphore, #tpu.memory_space<semaphore_mem>>) attributes {dimension_semantics = [#tpu.dimension_semantics<core_parallel>, #tpu.dimension_semantics<subcore_parallel>], iteration_bounds = array<i64: 2, 16>, scalar_prefetch = 0 : i64, scratch_operands = 7 : i64, tpu.core_type = #tpu.core_type<sc_vector_subcore>, window_params = [{transform_indices = #map}, {transform_indices = #map}, {transform_indices = #map}, {transform_indices = #map1}, {transform_indices = #map2}]} {
    %mul3A = arith.constant 2 : i32
    %mul3A_0 = arith.muli %arg1, %mul3A : i32
    %add3A = arith.addi %mul3A_0, %arg0 : i32
    "tpu.region"() ({
      %run_scoped3A_63 = tpu.sem_alloc : memref<!tpu.dma_semaphore, #tpu.memory_space<semaphore_mem>>
      %dma_start3A_64 = arith.constant 0 : i32
      %dma_start3A_65 = arith.constant 0 : i32
      %dma_start3A_66 = tpu.memref_slice %arg3[%add3A, %dma_start3A_64, %dma_start3A_65] : memref<32x80x128xi32, #tpu.memory_space<hbm>> -> memref<1x80x128xi32, #tpu.memory_space<hbm>>
      %dma_start3A_67 = tpu.memref_squeeze %dma_start3A_66 : memref<1x80x128xi32, #tpu.memory_space<hbm>> -> memref<80x128xi32, #tpu.memory_space<hbm>>
      %dma_start3A_68 = arith.constant 0 : i32
      %dma_start3A_69 = arith.constant 0 : i32
      %dma_start3A_70 = tpu.memref_slice %arg3[%add3A, %dma_start3A_68, %dma_start3A_69] : memref<32x80x128xi32, #tpu.memory_space<hbm>> -> memref<1x80x128xi32, #tpu.memory_space<hbm>>
      %dma_start3A_71 = tpu.memref_squeeze %dma_start3A_70 : memref<1x80x128xi32, #tpu.memory_space<hbm>> -> memref<80x128xi32, #tpu.memory_space<hbm>>
      tpu.enqueue_dma source(%dma_start3A_71 : memref<80x128xi32, #tpu.memory_space<hbm>>) target(%arg7 : memref<80x128xi32, #tpu.memory_space<vmem>>) target_semaphore(%run_scoped3A_63 : memref<!tpu.dma_semaphore, #tpu.memory_space<semaphore_mem>>)
      %dma_wait3A = arith.constant 0 : i32
      %dma_wait3A_72 = arith.constant 0 : i32
      %dma_wait3A_73 = tpu.memref_slice %arg3[%add3A, %dma_wait3A, %dma_wait3A_72] : memref<32x80x128xi32, #tpu.memory_space<hbm>> -> memref<1x80x128xi32, #tpu.memory_space<hbm>>
      %dma_wait3A_74 = tpu.memref_squeeze %dma_wait3A_73 : memref<1x80x128xi32, #tpu.memory_space<hbm>> -> memref<80x128xi32, #tpu.memory_space<hbm>>
      %dma_wait3A_75 = arith.constant 0 : i32
      %dma_wait3A_76 = arith.constant 0 : i32
      %dma_wait3A_77 = tpu.memref_slice %arg3[%add3A, %dma_wait3A_75, %dma_wait3A_76] : memref<32x80x128xi32, #tpu.memory_space<hbm>> -> memref<1x80x128xi32, #tpu.memory_space<hbm>>
      %dma_wait3A_78 = tpu.memref_squeeze %dma_wait3A_77 : memref<1x80x128xi32, #tpu.memory_space<hbm>> -> memref<80x128xi32, #tpu.memory_space<hbm>>
      tpu.wait_dma2 semaphore(%run_scoped3A_63 : memref<!tpu.dma_semaphore, #tpu.memory_space<semaphore_mem>>) src(%dma_wait3A_78 : memref<80x128xi32, #tpu.memory_space<hbm>>) dst(%arg7 : memref<80x128xi32, #tpu.memory_space<vmem>>)
      tpu.yield
    }) : () -> ()
    "tpu.region"() ({
      %run_scoped3A_63 = tpu.sem_alloc : memref<!tpu.dma_semaphore, #tpu.memory_space<semaphore_mem>>
      %dma_start3A_64 = arith.constant 0 : i32
      %dma_start3A_65 = arith.constant 0 : i32
      %dma_start3A_66 = tpu.memref_slice %arg4[%add3A, %dma_start3A_64, %dma_start3A_65] : memref<32x80x128xi32, #tpu.memory_space<hbm>> -> memref<1x80x128xi32, #tpu.memory_space<hbm>>
      %dma_start3A_67 = tpu.memref_squeeze %dma_start3A_66 : memref<1x80x128xi32, #tpu.memory_space<hbm>> -> memref<80x128xi32, #tpu.memory_space<hbm>>
      %dma_start3A_68 = arith.constant 0 : i32
      %dma_start3A_69 = arith.constant 0 : i32
      %dma_start3A_70 = tpu.memref_slice %arg4[%add3A, %dma_start3A_68, %dma_start3A_69] : memref<32x80x128xi32, #tpu.memory_space<hbm>> -> memref<1x80x128xi32, #tpu.memory_space<hbm>>
      %dma_start3A_71 = tpu.memref_squeeze %dma_start3A_70 : memref<1x80x128xi32, #tpu.memory_space<hbm>> -> memref<80x128xi32, #tpu.memory_space<hbm>>
      tpu.enqueue_dma source(%dma_start3A_71 : memref<80x128xi32, #tpu.memory_space<hbm>>) target(%arg8 : memref<80x128xi32, #tpu.memory_space<vmem>>) target_semaphore(%run_scoped3A_63 : memref<!tpu.dma_semaphore, #tpu.memory_space<semaphore_mem>>)
      %dma_wait3A = arith.constant 0 : i32
      %dma_wait3A_72 = arith.constant 0 : i32
      %dma_wait3A_73 = tpu.memref_slice %arg4[%add3A, %dma_wait3A, %dma_wait3A_72] : memref<32x80x128xi32, #tpu.memory_space<hbm>> -> memref<1x80x128xi32, #tpu.memory_space<hbm>>
      %dma_wait3A_74 = tpu.memref_squeeze %dma_wait3A_73 : memref<1x80x128xi32, #tpu.memory_space<hbm>> -> memref<80x128xi32, #tpu.memory_space<hbm>>
      %dma_wait3A_75 = arith.constant 0 : i32
      %dma_wait3A_76 = arith.constant 0 : i32
      %dma_wait3A_77 = tpu.memref_slice %arg4[%add3A, %dma_wait3A_75, %dma_wait3A_76] : memref<32x80x128xi32, #tpu.memory_space<hbm>> -> memref<1x80x128xi32, #tpu.memory_space<hbm>>
      %dma_wait3A_78 = tpu.memref_squeeze %dma_wait3A_77 : memref<1x80x128xi32, #tpu.memory_space<hbm>> -> memref<80x128xi32, #tpu.memory_space<hbm>>
      tpu.wait_dma2 semaphore(%run_scoped3A_63 : memref<!tpu.dma_semaphore, #tpu.memory_space<semaphore_mem>>) src(%dma_wait3A_78 : memref<80x128xi32, #tpu.memory_space<hbm>>) dst(%arg8 : memref<80x128xi32, #tpu.memory_space<vmem>>)
      tpu.yield
    }) : () -> ()
    %mul3A_1 = arith.constant 640 : i32
    %mul3A_2 = arith.muli %arg1, %mul3A_1 : i32
    %mul3A_3 = arith.constant 640 : i32
    %mul3A_4 = arith.muli %arg1, %mul3A_3 : i32
    "tpu.region"() ({
      %run_scoped3A_63 = tpu.sem_alloc : memref<!tpu.dma_semaphore, #tpu.memory_space<semaphore_mem>>
      %dma_start3A_64 = arith.constant 0 : i32
      %dma_start3A_65 = tpu.memref_slice %arg10[%mul3A_4, %dma_start3A_64] : memref<10240x64xf32, #tpu.memory_space<vmem_shared>> -> memref<640x64xf32, #tpu.memory_space<vmem_shared>>
      %dma_start3A_66 = arith.constant 0 : i32
      %dma_start3A_67 = tpu.memref_slice %arg5[%mul3A_2, %dma_start3A_66] : memref<10240x64xf32, #tpu.memory_space<hbm>> -> memref<640x64xf32, #tpu.memory_space<hbm>>
      tpu.enqueue_dma source(%dma_start3A_67 : memref<640x64xf32, #tpu.memory_space<hbm>>) target(%dma_start3A_65 : memref<640x64xf32, #tpu.memory_space<vmem_shared>>) target_semaphore(%run_scoped3A_63 : memref<!tpu.dma_semaphore, #tpu.memory_space<semaphore_mem>>)
      %dma_wait3A = arith.constant 0 : i32
      %dma_wait3A_68 = tpu.memref_slice %arg10[%mul3A_4, %dma_wait3A] : memref<10240x64xf32, #tpu.memory_space<vmem_shared>> -> memref<640x64xf32, #tpu.memory_space<vmem_shared>>
      %dma_wait3A_69 = arith.constant 0 : i32
      %dma_wait3A_70 = tpu.memref_slice %arg5[%mul3A_2, %dma_wait3A_69] : memref<10240x64xf32, #tpu.memory_space<hbm>> -> memref<640x64xf32, #tpu.memory_space<hbm>>
      tpu.wait_dma2 semaphore(%run_scoped3A_63 : memref<!tpu.dma_semaphore, #tpu.memory_space<semaphore_mem>>) src(%dma_wait3A_70 : memref<640x64xf32, #tpu.memory_space<hbm>>) dst(%dma_wait3A_68 : memref<640x64xf32, #tpu.memory_space<vmem_shared>>)
      tpu.yield
    }) : () -> ()
    %mul3A_5 = arith.constant 640 : i32
    %mul3A_6 = arith.muli %arg1, %mul3A_5 : i32
    %mul3A_7 = arith.constant 640 : i32
    %mul3A_8 = arith.muli %arg1, %mul3A_7 : i32
    %run_scoped3A = arith.constant 0 : i32
    "tpu.region"() ({
      %run_scoped3A_63 = tpu.sem_alloc : memref<!tpu.dma_semaphore, #tpu.memory_space<semaphore_mem>>
      %dma_start3A_64 = arith.constant 0 : i32
      %dma_start3A_65 = tpu.memref_slice %arg11[%mul3A_8, %dma_start3A_64] : memref<10240x64xf32, #tpu.memory_space<vmem_shared>> -> memref<640x64xf32, #tpu.memory_space<vmem_shared>>
      %dma_start3A_66 = arith.constant 0 : i32
      %dma_start3A_67 = tpu.memref_slice %arg2[%run_scoped3A, %mul3A_6, %dma_start3A_66] : memref<2x10240x64xf32, #tpu.memory_space<hbm>> -> memref<1x640x64xf32, #tpu.memory_space<hbm>>
      %dma_start3A_68 = tpu.memref_squeeze %dma_start3A_67 : memref<1x640x64xf32, #tpu.memory_space<hbm>> -> memref<640x64xf32, #tpu.memory_space<hbm>>
      tpu.enqueue_dma source(%dma_start3A_68 : memref<640x64xf32, #tpu.memory_space<hbm>>) target(%dma_start3A_65 : memref<640x64xf32, #tpu.memory_space<vmem_shared>>) target_semaphore(%run_scoped3A_63 : memref<!tpu.dma_semaphore, #tpu.memory_space<semaphore_mem>>)
      %dma_wait3A = arith.constant 0 : i32
      %dma_wait3A_69 = tpu.memref_slice %arg11[%mul3A_8, %dma_wait3A] : memref<10240x64xf32, #tpu.memory_space<vmem_shared>> -> memref<640x64xf32, #tpu.memory_space<vmem_shared>>
      %dma_wait3A_70 = arith.constant 0 : i32
      %dma_wait3A_71 = tpu.memref_slice %arg2[%run_scoped3A, %mul3A_6, %dma_wait3A_70] : memref<2x10240x64xf32, #tpu.memory_space<hbm>> -> memref<1x640x64xf32, #tpu.memory_space<hbm>>
      %dma_wait3A_72 = tpu.memref_squeeze %dma_wait3A_71 : memref<1x640x64xf32, #tpu.memory_space<hbm>> -> memref<640x64xf32, #tpu.memory_space<hbm>>
      tpu.wait_dma2 semaphore(%run_scoped3A_63 : memref<!tpu.dma_semaphore, #tpu.memory_space<semaphore_mem>>) src(%dma_wait3A_72 : memref<640x64xf32, #tpu.memory_space<hbm>>) dst(%dma_wait3A_69 : memref<640x64xf32, #tpu.memory_space<vmem_shared>>)
      tpu.yield
    }) : () -> ()
    %barrier3A = arith.constant 0 : index
    tpu.barrier barrier_id(%barrier3A)
    %dma_start3A = arith.constant 0 : i32
    %dma_start3A_9 = arith.constant 0 : i32
    %dma_start3A_10 = arith.constant 0 : i32
    %dma_start3A_11 = arith.constant 0 : i32
    %dma_start3A_12 = tpu.memref_slice %arg9[%dma_start3A_9, %dma_start3A_10, %dma_start3A_11] : memref<2x128x64xf32, #tpu.memory_space<vmem>> -> memref<1x128x64xf32, #tpu.memory_space<vmem>>
    %dma_start3A_13 = tpu.memref_squeeze %dma_start3A_12 : memref<1x128x64xf32, #tpu.memory_space<vmem>> -> memref<128x64xf32, #tpu.memory_space<vmem>>
    %dma_start3A_14 = arith.constant 0 : i32
    %dma_start3A_15 = tpu.memref_slice %arg7[%dma_start3A, %dma_start3A_14] : memref<80x128xi32, #tpu.memory_space<vmem>> -> memref<1x128xi32, #tpu.memory_space<vmem>>
    %dma_start3A_16 = tpu.memref_squeeze %dma_start3A_15 : memref<1x128xi32, #tpu.memory_space<vmem>> -> memref<128xi32, #tpu.memory_space<vmem>>
    %dma_start3A_17 = arith.constant 0 : i32
    %dma_start3A_18 = arith.constant 0 : i32
    %dma_start3A_19 = tpu.memref_slice %arg11[%dma_start3A_17, %dma_start3A_18] : memref<10240x64xf32, #tpu.memory_space<vmem_shared>> -> memref<10240x64xf32, #tpu.memory_space<vmem_shared>>
    tpu.enqueue_indirect_dma source(%dma_start3A_19 : memref<10240x64xf32, #tpu.memory_space<vmem_shared>>) target(%dma_start3A_13 : memref<128x64xf32, #tpu.memory_space<vmem>>) offsets(%dma_start3A_16 : memref<128xi32, #tpu.memory_space<vmem>>) semaphore(%arg12 : memref<!tpu.dma_semaphore, #tpu.memory_space<semaphore_mem>>)
    %scan3A = arith.constant 0 : i32
    %scan3A_20 = arith.constant 40 : i32
    %scan3A_21 = arith.addi %scan3A, %scan3A_20 : i32
    %scan3A_22 = arith.constant 1 : i32
    scf.for %scan3A_63 = %scan3A to %scan3A_21 step %scan3A_22  : i32 {
      %mul3A_64 = arith.constant 2 : i32
      %mul3A_65 = arith.muli %scan3A_63, %mul3A_64 : i32
      %add3A_66 = arith.constant 0 : i32
      %add3A_67 = arith.addi %add3A_66, %mul3A_65 : i32
      %add3A_68 = arith.constant 0 : i32
      %add3A_69 = arith.addi %add3A_67, %add3A_68 : i32
      %add3A_70 = arith.constant 1 : i32
      %add3A_71 = arith.addi %add3A_69, %add3A_70 : i32
      %lt3A = arith.constant 80 : i32
      %lt3A_72 = arith.cmpi slt, %add3A_71, %lt3A : i32
      %convert_element_type3A = arith.extui %lt3A_72 : i1 to i32
      %cond3A = arith.constant 0 : i32
      %cond3A_73 = arith.cmpi ne, %convert_element_type3A, %cond3A : i32
      scf.if %cond3A_73 {
        %dma_start3A_106 = arith.constant 1 : i32
        %dma_start3A_107 = arith.constant 0 : i32
        %dma_start3A_108 = arith.constant 0 : i32
        %dma_start3A_109 = tpu.memref_slice %arg9[%dma_start3A_106, %dma_start3A_107, %dma_start3A_108] : memref<2x128x64xf32, #tpu.memory_space<vmem>> -> memref<1x128x64xf32, #tpu.memory_space<vmem>>
        %dma_start3A_110 = tpu.memref_squeeze %dma_start3A_109 : memref<1x128x64xf32, #tpu.memory_space<vmem>> -> memref<128x64xf32, #tpu.memory_space<vmem>>
        %dma_start3A_111 = arith.constant 0 : i32
        %dma_start3A_112 = tpu.memref_slice %arg7[%add3A_71, %dma_start3A_111] : memref<80x128xi32, #tpu.memory_space<vmem>> -> memref<1x128xi32, #tpu.memory_space<vmem>>
        %dma_start3A_113 = tpu.memref_squeeze %dma_start3A_112 : memref<1x128xi32, #tpu.memory_space<vmem>> -> memref<128xi32, #tpu.memory_space<vmem>>
        %dma_start3A_114 = arith.constant 0 : i32
        %dma_start3A_115 = arith.constant 0 : i32
        %dma_start3A_116 = tpu.memref_slice %arg11[%dma_start3A_114, %dma_start3A_115] : memref<10240x64xf32, #tpu.memory_space<vmem_shared>> -> memref<10240x64xf32, #tpu.memory_space<vmem_shared>>
        tpu.enqueue_indirect_dma source(%dma_start3A_116 : memref<10240x64xf32, #tpu.memory_space<vmem_shared>>) target(%dma_start3A_110 : memref<128x64xf32, #tpu.memory_space<vmem>>) offsets(%dma_start3A_113 : memref<128xi32, #tpu.memory_space<vmem>>) semaphore(%arg13 : memref<!tpu.dma_semaphore, #tpu.memory_space<semaphore_mem>>)
      } else {
      }
      %dma_wait3A = arith.constant 0 : i32
      %dma_wait3A_74 = arith.constant 0 : i32
      %dma_wait3A_75 = arith.constant 0 : i32
      %dma_wait3A_76 = tpu.memref_slice %arg9[%dma_wait3A, %dma_wait3A_74, %dma_wait3A_75] : memref<2x128x64xf32, #tpu.memory_space<vmem>> -> memref<1x128x64xf32, #tpu.memory_space<vmem>>
      %dma_wait3A_77 = tpu.memref_squeeze %dma_wait3A_76 : memref<1x128x64xf32, #tpu.memory_space<vmem>> -> memref<128x64xf32, #tpu.memory_space<vmem>>
      %dma_wait3A_78 = arith.constant 0 : i32
      %dma_wait3A_79 = tpu.memref_slice %arg7[%add3A_69, %dma_wait3A_78] : memref<80x128xi32, #tpu.memory_space<vmem>> -> memref<1x128xi32, #tpu.memory_space<vmem>>
      %dma_wait3A_80 = tpu.memref_squeeze %dma_wait3A_79 : memref<1x128xi32, #tpu.memory_space<vmem>> -> memref<128xi32, #tpu.memory_space<vmem>>
      %dma_wait3A_81 = arith.constant 0 : i32
      %dma_wait3A_82 = arith.constant 0 : i32
      %dma_wait3A_83 = tpu.memref_slice %arg11[%dma_wait3A_81, %dma_wait3A_82] : memref<10240x64xf32, #tpu.memory_space<vmem_shared>> -> memref<10240x64xf32, #tpu.memory_space<vmem_shared>>
      tpu.wait_indirect_dma semaphore(%arg12 : memref<!tpu.dma_semaphore, #tpu.memory_space<semaphore_mem>>) src(%dma_wait3A_83 : memref<10240x64xf32, #tpu.memory_space<vmem_shared>>) dst(%dma_wait3A_77 : memref<128x64xf32, #tpu.memory_space<vmem>>)
      %run_scoped3A_84 = arith.constant 0 : i32
      "tpu.region"() ({
        %run_scoped3A_106 = tpu.sem_alloc : memref<!tpu.dma_semaphore, #tpu.memory_space<semaphore_mem>>
        %dma_start3A_107 = arith.constant 0 : i32
        %dma_start3A_108 = arith.constant 0 : i32
        %dma_start3A_109 = tpu.memref_slice %arg9[%run_scoped3A_84, %dma_start3A_107, %dma_start3A_108] : memref<2x128x64xf32, #tpu.memory_space<vmem>> -> memref<1x128x64xf32, #tpu.memory_space<vmem>>
        %dma_start3A_110 = tpu.memref_squeeze %dma_start3A_109 : memref<1x128x64xf32, #tpu.memory_space<vmem>> -> memref<128x64xf32, #tpu.memory_space<vmem>>
        %dma_start3A_111 = arith.constant 0 : i32
        %dma_start3A_112 = tpu.memref_slice %arg8[%add3A_69, %dma_start3A_111] : memref<80x128xi32, #tpu.memory_space<vmem>> -> memref<1x128xi32, #tpu.memory_space<vmem>>
        %dma_start3A_113 = tpu.memref_squeeze %dma_start3A_112 : memref<1x128xi32, #tpu.memory_space<vmem>> -> memref<128xi32, #tpu.memory_space<vmem>>
        %dma_start3A_114 = arith.constant 0 : i32
        %dma_start3A_115 = arith.constant 0 : i32
        %dma_start3A_116 = tpu.memref_slice %arg10[%dma_start3A_114, %dma_start3A_115] : memref<10240x64xf32, #tpu.memory_space<vmem_shared>> -> memref<10240x64xf32, #tpu.memory_space<vmem_shared>>
        tpu.enqueue_indirect_dma source(%dma_start3A_110 : memref<128x64xf32, #tpu.memory_space<vmem>>) target(%dma_start3A_116 : memref<10240x64xf32, #tpu.memory_space<vmem_shared>>) offsets(%dma_start3A_113 : memref<128xi32, #tpu.memory_space<vmem>>) semaphore(%run_scoped3A_106 : memref<!tpu.dma_semaphore, #tpu.memory_space<semaphore_mem>>) {add = true}
        %dma_wait3A_117 = arith.constant 0 : i32
        %dma_wait3A_118 = arith.constant 0 : i32
        %dma_wait3A_119 = tpu.memref_slice %arg9[%run_scoped3A_84, %dma_wait3A_117, %dma_wait3A_118] : memref<2x128x64xf32, #tpu.memory_space<vmem>> -> memref<1x128x64xf32, #tpu.memory_space<vmem>>
        %dma_wait3A_120 = tpu.memref_squeeze %dma_wait3A_119 : memref<1x128x64xf32, #tpu.memory_space<vmem>> -> memref<128x64xf32, #tpu.memory_space<vmem>>
        %dma_wait3A_121 = arith.constant 0 : i32
        %dma_wait3A_122 = tpu.memref_slice %arg8[%add3A_69, %dma_wait3A_121] : memref<80x128xi32, #tpu.memory_space<vmem>> -> memref<1x128xi32, #tpu.memory_space<vmem>>
        %dma_wait3A_123 = tpu.memref_squeeze %dma_wait3A_122 : memref<1x128xi32, #tpu.memory_space<vmem>> -> memref<128xi32, #tpu.memory_space<vmem>>
        %dma_wait3A_124 = arith.constant 0 : i32
        %dma_wait3A_125 = arith.constant 0 : i32
        %dma_wait3A_126 = tpu.memref_slice %arg10[%dma_wait3A_124, %dma_wait3A_125] : memref<10240x64xf32, #tpu.memory_space<vmem_shared>> -> memref<10240x64xf32, #tpu.memory_space<vmem_shared>>
        tpu.wait_indirect_dma semaphore(%run_scoped3A_106 : memref<!tpu.dma_semaphore, #tpu.memory_space<semaphore_mem>>) src(%dma_wait3A_120 : memref<128x64xf32, #tpu.memory_space<vmem>>) dst(%dma_wait3A_126 : memref<10240x64xf32, #tpu.memory_space<vmem_shared>>)
        tpu.yield
      }) : () -> ()
      %add3A_85 = arith.constant 1 : i32
      %add3A_86 = arith.addi %add3A_67, %add3A_85 : i32
      %add3A_87 = arith.constant 1 : i32
      %add3A_88 = arith.addi %add3A_86, %add3A_87 : i32
      %lt3A_89 = arith.constant 80 : i32
      %lt3A_90 = arith.cmpi slt, %add3A_88, %lt3A_89 : i32
      %convert_element_type3A_91 = arith.extui %lt3A_90 : i1 to i32
      %cond3A_92 = arith.constant 0 : i32
      %cond3A_93 = arith.cmpi ne, %convert_element_type3A_91, %cond3A_92 : i32
      scf.if %cond3A_93 {
        %dma_start3A_106 = arith.constant 0 : i32
        %dma_start3A_107 = arith.constant 0 : i32
        %dma_start3A_108 = arith.constant 0 : i32
        %dma_start3A_109 = tpu.memref_slice %arg9[%dma_start3A_106, %dma_start3A_107, %dma_start3A_108] : memref<2x128x64xf32, #tpu.memory_space<vmem>> -> memref<1x128x64xf32, #tpu.memory_space<vmem>>
        %dma_start3A_110 = tpu.memref_squeeze %dma_start3A_109 : memref<1x128x64xf32, #tpu.memory_space<vmem>> -> memref<128x64xf32, #tpu.memory_space<vmem>>
        %dma_start3A_111 = arith.constant 0 : i32
        %dma_start3A_112 = tpu.memref_slice %arg7[%add3A_88, %dma_start3A_111] : memref<80x128xi32, #tpu.memory_space<vmem>> -> memref<1x128xi32, #tpu.memory_space<vmem>>
        %dma_start3A_113 = tpu.memref_squeeze %dma_start3A_112 : memref<1x128xi32, #tpu.memory_space<vmem>> -> memref<128xi32, #tpu.memory_space<vmem>>
        %dma_start3A_114 = arith.constant 0 : i32
        %dma_start3A_115 = arith.constant 0 : i32
        %dma_start3A_116 = tpu.memref_slice %arg11[%dma_start3A_114, %dma_start3A_115] : memref<10240x64xf32, #tpu.memory_space<vmem_shared>> -> memref<10240x64xf32, #tpu.memory_space<vmem_shared>>
        tpu.enqueue_indirect_dma source(%dma_start3A_116 : memref<10240x64xf32, #tpu.memory_space<vmem_shared>>) target(%dma_start3A_110 : memref<128x64xf32, #tpu.memory_space<vmem>>) offsets(%dma_start3A_113 : memref<128xi32, #tpu.memory_space<vmem>>) semaphore(%arg12 : memref<!tpu.dma_semaphore, #tpu.memory_space<semaphore_mem>>)
      } else {
      }
      %dma_wait3A_94 = arith.constant 1 : i32
      %dma_wait3A_95 = arith.constant 0 : i32
      %dma_wait3A_96 = arith.constant 0 : i32
      %dma_wait3A_97 = tpu.memref_slice %arg9[%dma_wait3A_94, %dma_wait3A_95, %dma_wait3A_96] : memref<2x128x64xf32, #tpu.memory_space<vmem>> -> memref<1x128x64xf32, #tpu.memory_space<vmem>>
      %dma_wait3A_98 = tpu.memref_squeeze %dma_wait3A_97 : memref<1x128x64xf32, #tpu.memory_space<vmem>> -> memref<128x64xf32, #tpu.memory_space<vmem>>
      %dma_wait3A_99 = arith.constant 0 : i32
      %dma_wait3A_100 = tpu.memref_slice %arg7[%add3A_86, %dma_wait3A_99] : memref<80x128xi32, #tpu.memory_space<vmem>> -> memref<1x128xi32, #tpu.memory_space<vmem>>
      %dma_wait3A_101 = tpu.memref_squeeze %dma_wait3A_100 : memref<1x128xi32, #tpu.memory_space<vmem>> -> memref<128xi32, #tpu.memory_space<vmem>>
      %dma_wait3A_102 = arith.constant 0 : i32
      %dma_wait3A_103 = arith.constant 0 : i32
      %dma_wait3A_104 = tpu.memref_slice %arg11[%dma_wait3A_102, %dma_wait3A_103] : memref<10240x64xf32, #tpu.memory_space<vmem_shared>> -> memref<10240x64xf32, #tpu.memory_space<vmem_shared>>
      tpu.wait_indirect_dma semaphore(%arg13 : memref<!tpu.dma_semaphore, #tpu.memory_space<semaphore_mem>>) src(%dma_wait3A_104 : memref<10240x64xf32, #tpu.memory_space<vmem_shared>>) dst(%dma_wait3A_98 : memref<128x64xf32, #tpu.memory_space<vmem>>)
      %run_scoped3A_105 = arith.constant 1 : i32
      "tpu.region"() ({
        %run_scoped3A_106 = tpu.sem_alloc : memref<!tpu.dma_semaphore, #tpu.memory_space<semaphore_mem>>
        %dma_start3A_107 = arith.constant 0 : i32
        %dma_start3A_108 = arith.constant 0 : i32
        %dma_start3A_109 = tpu.memref_slice %arg9[%run_scoped3A_105, %dma_start3A_107, %dma_start3A_108] : memref<2x128x64xf32, #tpu.memory_space<vmem>> -> memref<1x128x64xf32, #tpu.memory_space<vmem>>
        %dma_start3A_110 = tpu.memref_squeeze %dma_start3A_109 : memref<1x128x64xf32, #tpu.memory_space<vmem>> -> memref<128x64xf32, #tpu.memory_space<vmem>>
        %dma_start3A_111 = arith.constant 0 : i32
        %dma_start3A_112 = tpu.memref_slice %arg8[%add3A_86, %dma_start3A_111] : memref<80x128xi32, #tpu.memory_space<vmem>> -> memref<1x128xi32, #tpu.memory_space<vmem>>
        %dma_start3A_113 = tpu.memref_squeeze %dma_start3A_112 : memref<1x128xi32, #tpu.memory_space<vmem>> -> memref<128xi32, #tpu.memory_space<vmem>>
        %dma_start3A_114 = arith.constant 0 : i32
        %dma_start3A_115 = arith.constant 0 : i32
        %dma_start3A_116 = tpu.memref_slice %arg10[%dma_start3A_114, %dma_start3A_115] : memref<10240x64xf32, #tpu.memory_space<vmem_shared>> -> memref<10240x64xf32, #tpu.memory_space<vmem_shared>>
        tpu.enqueue_indirect_dma source(%dma_start3A_110 : memref<128x64xf32, #tpu.memory_space<vmem>>) target(%dma_start3A_116 : memref<10240x64xf32, #tpu.memory_space<vmem_shared>>) offsets(%dma_start3A_113 : memref<128xi32, #tpu.memory_space<vmem>>) semaphore(%run_scoped3A_106 : memref<!tpu.dma_semaphore, #tpu.memory_space<semaphore_mem>>) {add = true}
        %dma_wait3A_117 = arith.constant 0 : i32
        %dma_wait3A_118 = arith.constant 0 : i32
        %dma_wait3A_119 = tpu.memref_slice %arg9[%run_scoped3A_105, %dma_wait3A_117, %dma_wait3A_118] : memref<2x128x64xf32, #tpu.memory_space<vmem>> -> memref<1x128x64xf32, #tpu.memory_space<vmem>>
        %dma_wait3A_120 = tpu.memref_squeeze %dma_wait3A_119 : memref<1x128x64xf32, #tpu.memory_space<vmem>> -> memref<128x64xf32, #tpu.memory_space<vmem>>
        %dma_wait3A_121 = arith.constant 0 : i32
        %dma_wait3A_122 = tpu.memref_slice %arg8[%add3A_86, %dma_wait3A_121] : memref<80x128xi32, #tpu.memory_space<vmem>> -> memref<1x128xi32, #tpu.memory_space<vmem>>
        %dma_wait3A_123 = tpu.memref_squeeze %dma_wait3A_122 : memref<1x128xi32, #tpu.memory_space<vmem>> -> memref<128xi32, #tpu.memory_space<vmem>>
        %dma_wait3A_124 = arith.constant 0 : i32
        %dma_wait3A_125 = arith.constant 0 : i32
        %dma_wait3A_126 = tpu.memref_slice %arg10[%dma_wait3A_124, %dma_wait3A_125] : memref<10240x64xf32, #tpu.memory_space<vmem_shared>> -> memref<10240x64xf32, #tpu.memory_space<vmem_shared>>
        tpu.wait_indirect_dma semaphore(%run_scoped3A_106 : memref<!tpu.dma_semaphore, #tpu.memory_space<semaphore_mem>>) src(%dma_wait3A_120 : memref<128x64xf32, #tpu.memory_space<vmem>>) dst(%dma_wait3A_126 : memref<10240x64xf32, #tpu.memory_space<vmem_shared>>)
        tpu.yield
      }) : () -> ()
    }
    %scan3A_23 = arith.constant 40 : i32
    %barrier3A_24 = arith.constant 0 : index
    tpu.barrier barrier_id(%barrier3A_24)
    %mul3A_25 = arith.constant 640 : i32
    %mul3A_26 = arith.muli %arg1, %mul3A_25 : i32
    %mul3A_27 = arith.constant 640 : i32
    %mul3A_28 = arith.muli %arg1, %mul3A_27 : i32
    %run_scoped3A_29 = arith.constant 0 : i32
    "tpu.region"() ({
      %run_scoped3A_63 = tpu.sem_alloc : memref<!tpu.dma_semaphore, #tpu.memory_space<semaphore_mem>>
      %dma_start3A_64 = arith.constant 0 : i32
      %dma_start3A_65 = tpu.memref_slice %arg6[%arg0, %run_scoped3A_29, %mul3A_28, %dma_start3A_64] : memref<2x2x10240x64xf32, #tpu.memory_space<hbm>> -> memref<1x1x640x64xf32, #tpu.memory_space<hbm>>
      %dma_start3A_66 = tpu.memref_squeeze %dma_start3A_65 : memref<1x1x640x64xf32, #tpu.memory_space<hbm>> -> memref<640x64xf32, #tpu.memory_space<hbm>>
      %dma_start3A_67 = arith.constant 0 : i32
      %dma_start3A_68 = tpu.memref_slice %arg10[%mul3A_26, %dma_start3A_67] : memref<10240x64xf32, #tpu.memory_space<vmem_shared>> -> memref<640x64xf32, #tpu.memory_space<vmem_shared>>
      tpu.enqueue_dma source(%dma_start3A_68 : memref<640x64xf32, #tpu.memory_space<vmem_shared>>) target(%dma_start3A_66 : memref<640x64xf32, #tpu.memory_space<hbm>>) target_semaphore(%run_scoped3A_63 : memref<!tpu.dma_semaphore, #tpu.memory_space<semaphore_mem>>)
      %dma_wait3A = arith.constant 0 : i32
      %dma_wait3A_69 = tpu.memref_slice %arg6[%arg0, %run_scoped3A_29, %mul3A_28, %dma_wait3A] : memref<2x2x10240x64xf32, #tpu.memory_space<hbm>> -> memref<1x1x640x64xf32, #tpu.memory_space<hbm>>
      %dma_wait3A_70 = tpu.memref_squeeze %dma_wait3A_69 : memref<1x1x640x64xf32, #tpu.memory_space<hbm>> -> memref<640x64xf32, #tpu.memory_space<hbm>>
      %dma_wait3A_71 = arith.constant 0 : i32
      %dma_wait3A_72 = tpu.memref_slice %arg10[%mul3A_26, %dma_wait3A_71] : memref<10240x64xf32, #tpu.memory_space<vmem_shared>> -> memref<640x64xf32, #tpu.memory_space<vmem_shared>>
      tpu.wait_dma2 semaphore(%run_scoped3A_63 : memref<!tpu.dma_semaphore, #tpu.memory_space<semaphore_mem>>) src(%dma_wait3A_72 : memref<640x64xf32, #tpu.memory_space<vmem_shared>>) dst(%dma_wait3A_70 : memref<640x64xf32, #tpu.memory_space<hbm>>)
      tpu.yield
    }) : () -> ()
    %mul3A_30 = arith.constant 640 : i32
    %mul3A_31 = arith.muli %arg1, %mul3A_30 : i32
    %mul3A_32 = arith.constant 640 : i32
    %mul3A_33 = arith.muli %arg1, %mul3A_32 : i32
    "tpu.region"() ({
      %run_scoped3A_63 = tpu.sem_alloc : memref<!tpu.dma_semaphore, #tpu.memory_space<semaphore_mem>>
      %dma_start3A_64 = arith.constant 0 : i32
      %dma_start3A_65 = tpu.memref_slice %arg10[%mul3A_33, %dma_start3A_64] : memref<10240x64xf32, #tpu.memory_space<vmem_shared>> -> memref<640x64xf32, #tpu.memory_space<vmem_shared>>
      %dma_start3A_66 = arith.constant 0 : i32
      %dma_start3A_67 = tpu.memref_slice %arg5[%mul3A_31, %dma_start3A_66] : memref<10240x64xf32, #tpu.memory_space<hbm>> -> memref<640x64xf32, #tpu.memory_space<hbm>>
      tpu.enqueue_dma source(%dma_start3A_67 : memref<640x64xf32, #tpu.memory_space<hbm>>) target(%dma_start3A_65 : memref<640x64xf32, #tpu.memory_space<vmem_shared>>) target_semaphore(%run_scoped3A_63 : memref<!tpu.dma_semaphore, #tpu.memory_space<semaphore_mem>>)
      %dma_wait3A = arith.constant 0 : i32
      %dma_wait3A_68 = tpu.memref_slice %arg10[%mul3A_33, %dma_wait3A] : memref<10240x64xf32, #tpu.memory_space<vmem_shared>> -> memref<640x64xf32, #tpu.memory_space<vmem_shared>>
      %dma_wait3A_69 = arith.constant 0 : i32
      %dma_wait3A_70 = tpu.memref_slice %arg5[%mul3A_31, %dma_wait3A_69] : memref<10240x64xf32, #tpu.memory_space<hbm>> -> memref<640x64xf32, #tpu.memory_space<hbm>>
      tpu.wait_dma2 semaphore(%run_scoped3A_63 : memref<!tpu.dma_semaphore, #tpu.memory_space<semaphore_mem>>) src(%dma_wait3A_70 : memref<640x64xf32, #tpu.memory_space<hbm>>) dst(%dma_wait3A_68 : memref<640x64xf32, #tpu.memory_space<vmem_shared>>)
      tpu.yield
    }) : () -> ()
    %mul3A_34 = arith.constant 640 : i32
    %mul3A_35 = arith.muli %arg1, %mul3A_34 : i32
    %mul3A_36 = arith.constant 640 : i32
    %mul3A_37 = arith.muli %arg1, %mul3A_36 : i32
    %run_scoped3A_38 = arith.constant 1 : i32
    "tpu.region"() ({
      %run_scoped3A_63 = tpu.sem_alloc : memref<!tpu.dma_semaphore, #tpu.memory_space<semaphore_mem>>
      %dma_start3A_64 = arith.constant 0 : i32
      %dma_start3A_65 = tpu.memref_slice %arg11[%mul3A_37, %dma_start3A_64] : memref<10240x64xf32, #tpu.memory_space<vmem_shared>> -> memref<640x64xf32, #tpu.memory_space<vmem_shared>>
      %dma_start3A_66 = arith.constant 0 : i32
      %dma_start3A_67 = tpu.memref_slice %arg2[%run_scoped3A_38, %mul3A_35, %dma_start3A_66] : memref<2x10240x64xf32, #tpu.memory_space<hbm>> -> memref<1x640x64xf32, #tpu.memory_space<hbm>>
      %dma_start3A_68 = tpu.memref_squeeze %dma_start3A_67 : memref<1x640x64xf32, #tpu.memory_space<hbm>> -> memref<640x64xf32, #tpu.memory_space<hbm>>
      tpu.enqueue_dma source(%dma_start3A_68 : memref<640x64xf32, #tpu.memory_space<hbm>>) target(%dma_start3A_65 : memref<640x64xf32, #tpu.memory_space<vmem_shared>>) target_semaphore(%run_scoped3A_63 : memref<!tpu.dma_semaphore, #tpu.memory_space<semaphore_mem>>)
      %dma_wait3A = arith.constant 0 : i32
      %dma_wait3A_69 = tpu.memref_slice %arg11[%mul3A_37, %dma_wait3A] : memref<10240x64xf32, #tpu.memory_space<vmem_shared>> -> memref<640x64xf32, #tpu.memory_space<vmem_shared>>
      %dma_wait3A_70 = arith.constant 0 : i32
      %dma_wait3A_71 = tpu.memref_slice %arg2[%run_scoped3A_38, %mul3A_35, %dma_wait3A_70] : memref<2x10240x64xf32, #tpu.memory_space<hbm>> -> memref<1x640x64xf32, #tpu.memory_space<hbm>>
      %dma_wait3A_72 = tpu.memref_squeeze %dma_wait3A_71 : memref<1x640x64xf32, #tpu.memory_space<hbm>> -> memref<640x64xf32, #tpu.memory_space<hbm>>
      tpu.wait_dma2 semaphore(%run_scoped3A_63 : memref<!tpu.dma_semaphore, #tpu.memory_space<semaphore_mem>>) src(%dma_wait3A_72 : memref<640x64xf32, #tpu.memory_space<hbm>>) dst(%dma_wait3A_69 : memref<640x64xf32, #tpu.memory_space<vmem_shared>>)
      tpu.yield
    }) : () -> ()
    %barrier3A_39 = arith.constant 0 : index
    tpu.barrier barrier_id(%barrier3A_39)
    %dma_start3A_40 = arith.constant 0 : i32
    %dma_start3A_41 = arith.constant 0 : i32
    %dma_start3A_42 = arith.constant 0 : i32
    %dma_start3A_43 = arith.constant 0 : i32
    %dma_start3A_44 = tpu.memref_slice %arg9[%dma_start3A_41, %dma_start3A_42, %dma_start3A_43] : memref<2x128x64xf32, #tpu.memory_space<vmem>> -> memref<1x128x64xf32, #tpu.memory_space<vmem>>
    %dma_start3A_45 = tpu.memref_squeeze %dma_start3A_44 : memref<1x128x64xf32, #tpu.memory_space<vmem>> -> memref<128x64xf32, #tpu.memory_space<vmem>>
    %dma_start3A_46 = arith.constant 0 : i32
    %dma_start3A_47 = tpu.memref_slice %arg7[%dma_start3A_40, %dma_start3A_46] : memref<80x128xi32, #tpu.memory_space<vmem>> -> memref<1x128xi32, #tpu.memory_space<vmem>>
    %dma_start3A_48 = tpu.memref_squeeze %dma_start3A_47 : memref<1x128xi32, #tpu.memory_space<vmem>> -> memref<128xi32, #tpu.memory_space<vmem>>
    %dma_start3A_49 = arith.constant 0 : i32
    %dma_start3A_50 = arith.constant 0 : i32
    %dma_start3A_51 = tpu.memref_slice %arg11[%dma_start3A_49, %dma_start3A_50] : memref<10240x64xf32, #tpu.memory_space<vmem_shared>> -> memref<10240x64xf32, #tpu.memory_space<vmem_shared>>
    tpu.enqueue_indirect_dma source(%dma_start3A_51 : memref<10240x64xf32, #tpu.memory_space<vmem_shared>>) target(%dma_start3A_45 : memref<128x64xf32, #tpu.memory_space<vmem>>) offsets(%dma_start3A_48 : memref<128xi32, #tpu.memory_space<vmem>>) semaphore(%arg12 : memref<!tpu.dma_semaphore, #tpu.memory_space<semaphore_mem>>)
    %scan3A_52 = arith.constant 0 : i32
    %scan3A_53 = arith.constant 40 : i32
    %scan3A_54 = arith.addi %scan3A_52, %scan3A_53 : i32
    %scan3A_55 = arith.constant 1 : i32
    scf.for %scan3A_63 = %scan3A_52 to %scan3A_54 step %scan3A_55  : i32 {
      %mul3A_64 = arith.constant 2 : i32
      %mul3A_65 = arith.muli %scan3A_63, %mul3A_64 : i32
      %add3A_66 = arith.constant 0 : i32
      %add3A_67 = arith.addi %add3A_66, %mul3A_65 : i32
      %add3A_68 = arith.constant 0 : i32
      %add3A_69 = arith.addi %add3A_67, %add3A_68 : i32
      %add3A_70 = arith.constant 1 : i32
      %add3A_71 = arith.addi %add3A_69, %add3A_70 : i32
      %lt3A = arith.constant 80 : i32
      %lt3A_72 = arith.cmpi slt, %add3A_71, %lt3A : i32
      %convert_element_type3A = arith.extui %lt3A_72 : i1 to i32
      %cond3A = arith.constant 0 : i32
      %cond3A_73 = arith.cmpi ne, %convert_element_type3A, %cond3A : i32
      scf.if %cond3A_73 {
        %dma_start3A_106 = arith.constant 1 : i32
        %dma_start3A_107 = arith.constant 0 : i32
        %dma_start3A_108 = arith.constant 0 : i32
        %dma_start3A_109 = tpu.memref_slice %arg9[%dma_start3A_106, %dma_start3A_107, %dma_start3A_108] : memref<2x128x64xf32, #tpu.memory_space<vmem>> -> memref<1x128x64xf32, #tpu.memory_space<vmem>>
        %dma_start3A_110 = tpu.memref_squeeze %dma_start3A_109 : memref<1x128x64xf32, #tpu.memory_space<vmem>> -> memref<128x64xf32, #tpu.memory_space<vmem>>
        %dma_start3A_111 = arith.constant 0 : i32
        %dma_start3A_112 = tpu.memref_slice %arg7[%add3A_71, %dma_start3A_111] : memref<80x128xi32, #tpu.memory_space<vmem>> -> memref<1x128xi32, #tpu.memory_space<vmem>>
        %dma_start3A_113 = tpu.memref_squeeze %dma_start3A_112 : memref<1x128xi32, #tpu.memory_space<vmem>> -> memref<128xi32, #tpu.memory_space<vmem>>
        %dma_start3A_114 = arith.constant 0 : i32
        %dma_start3A_115 = arith.constant 0 : i32
        %dma_start3A_116 = tpu.memref_slice %arg11[%dma_start3A_114, %dma_start3A_115] : memref<10240x64xf32, #tpu.memory_space<vmem_shared>> -> memref<10240x64xf32, #tpu.memory_space<vmem_shared>>
        tpu.enqueue_indirect_dma source(%dma_start3A_116 : memref<10240x64xf32, #tpu.memory_space<vmem_shared>>) target(%dma_start3A_110 : memref<128x64xf32, #tpu.memory_space<vmem>>) offsets(%dma_start3A_113 : memref<128xi32, #tpu.memory_space<vmem>>) semaphore(%arg13 : memref<!tpu.dma_semaphore, #tpu.memory_space<semaphore_mem>>)
      } else {
      }
      %dma_wait3A = arith.constant 0 : i32
      %dma_wait3A_74 = arith.constant 0 : i32
      %dma_wait3A_75 = arith.constant 0 : i32
      %dma_wait3A_76 = tpu.memref_slice %arg9[%dma_wait3A, %dma_wait3A_74, %dma_wait3A_75] : memref<2x128x64xf32, #tpu.memory_space<vmem>> -> memref<1x128x64xf32, #tpu.memory_space<vmem>>
      %dma_wait3A_77 = tpu.memref_squeeze %dma_wait3A_76 : memref<1x128x64xf32, #tpu.memory_space<vmem>> -> memref<128x64xf32, #tpu.memory_space<vmem>>
      %dma_wait3A_78 = arith.constant 0 : i32
      %dma_wait3A_79 = tpu.memref_slice %arg7[%add3A_69, %dma_wait3A_78] : memref<80x128xi32, #tpu.memory_space<vmem>> -> memref<1x128xi32, #tpu.memory_space<vmem>>
      %dma_wait3A_80 = tpu.memref_squeeze %dma_wait3A_79 : memref<1x128xi32, #tpu.memory_space<vmem>> -> memref<128xi32, #tpu.memory_space<vmem>>
      %dma_wait3A_81 = arith.constant 0 : i32
      %dma_wait3A_82 = arith.constant 0 : i32
      %dma_wait3A_83 = tpu.memref_slice %arg11[%dma_wait3A_81, %dma_wait3A_82] : memref<10240x64xf32, #tpu.memory_space<vmem_shared>> -> memref<10240x64xf32, #tpu.memory_space<vmem_shared>>
      tpu.wait_indirect_dma semaphore(%arg12 : memref<!tpu.dma_semaphore, #tpu.memory_space<semaphore_mem>>) src(%dma_wait3A_83 : memref<10240x64xf32, #tpu.memory_space<vmem_shared>>) dst(%dma_wait3A_77 : memref<128x64xf32, #tpu.memory_space<vmem>>)
      %run_scoped3A_84 = arith.constant 0 : i32
      "tpu.region"() ({
        %run_scoped3A_106 = tpu.sem_alloc : memref<!tpu.dma_semaphore, #tpu.memory_space<semaphore_mem>>
        %dma_start3A_107 = arith.constant 0 : i32
        %dma_start3A_108 = arith.constant 0 : i32
        %dma_start3A_109 = tpu.memref_slice %arg9[%run_scoped3A_84, %dma_start3A_107, %dma_start3A_108] : memref<2x128x64xf32, #tpu.memory_space<vmem>> -> memref<1x128x64xf32, #tpu.memory_space<vmem>>
        %dma_start3A_110 = tpu.memref_squeeze %dma_start3A_109 : memref<1x128x64xf32, #tpu.memory_space<vmem>> -> memref<128x64xf32, #tpu.memory_space<vmem>>
        %dma_start3A_111 = arith.constant 0 : i32
        %dma_start3A_112 = tpu.memref_slice %arg8[%add3A_69, %dma_start3A_111] : memref<80x128xi32, #tpu.memory_space<vmem>> -> memref<1x128xi32, #tpu.memory_space<vmem>>
        %dma_start3A_113 = tpu.memref_squeeze %dma_start3A_112 : memref<1x128xi32, #tpu.memory_space<vmem>> -> memref<128xi32, #tpu.memory_space<vmem>>
        %dma_start3A_114 = arith.constant 0 : i32
        %dma_start3A_115 = arith.constant 0 : i32
        %dma_start3A_116 = tpu.memref_slice %arg10[%dma_start3A_114, %dma_start3A_115] : memref<10240x64xf32, #tpu.memory_space<vmem_shared>> -> memref<10240x64xf32, #tpu.memory_space<vmem_shared>>
        tpu.enqueue_indirect_dma source(%dma_start3A_110 : memref<128x64xf32, #tpu.memory_space<vmem>>) target(%dma_start3A_116 : memref<10240x64xf32, #tpu.memory_space<vmem_shared>>) offsets(%dma_start3A_113 : memref<128xi32, #tpu.memory_space<vmem>>) semaphore(%run_scoped3A_106 : memref<!tpu.dma_semaphore, #tpu.memory_space<semaphore_mem>>) {add = true}
        %dma_wait3A_117 = arith.constant 0 : i32
        %dma_wait3A_118 = arith.constant 0 : i32
        %dma_wait3A_119 = tpu.memref_slice %arg9[%run_scoped3A_84, %dma_wait3A_117, %dma_wait3A_118] : memref<2x128x64xf32, #tpu.memory_space<vmem>> -> memref<1x128x64xf32, #tpu.memory_space<vmem>>
        %dma_wait3A_120 = tpu.memref_squeeze %dma_wait3A_119 : memref<1x128x64xf32, #tpu.memory_space<vmem>> -> memref<128x64xf32, #tpu.memory_space<vmem>>
        %dma_wait3A_121 = arith.constant 0 : i32
        %dma_wait3A_122 = tpu.memref_slice %arg8[%add3A_69, %dma_wait3A_121] : memref<80x128xi32, #tpu.memory_space<vmem>> -> memref<1x128xi32, #tpu.memory_space<vmem>>
        %dma_wait3A_123 = tpu.memref_squeeze %dma_wait3A_122 : memref<1x128xi32, #tpu.memory_space<vmem>> -> memref<128xi32, #tpu.memory_space<vmem>>
        %dma_wait3A_124 = arith.constant 0 : i32
        %dma_wait3A_125 = arith.constant 0 : i32
        %dma_wait3A_126 = tpu.memref_slice %arg10[%dma_wait3A_124, %dma_wait3A_125] : memref<10240x64xf32, #tpu.memory_space<vmem_shared>> -> memref<10240x64xf32, #tpu.memory_space<vmem_shared>>
        tpu.wait_indirect_dma semaphore(%run_scoped3A_106 : memref<!tpu.dma_semaphore, #tpu.memory_space<semaphore_mem>>) src(%dma_wait3A_120 : memref<128x64xf32, #tpu.memory_space<vmem>>) dst(%dma_wait3A_126 : memref<10240x64xf32, #tpu.memory_space<vmem_shared>>)
        tpu.yield
      }) : () -> ()
      %add3A_85 = arith.constant 1 : i32
      %add3A_86 = arith.addi %add3A_67, %add3A_85 : i32
      %add3A_87 = arith.constant 1 : i32
      %add3A_88 = arith.addi %add3A_86, %add3A_87 : i32
      %lt3A_89 = arith.constant 80 : i32
      %lt3A_90 = arith.cmpi slt, %add3A_88, %lt3A_89 : i32
      %convert_element_type3A_91 = arith.extui %lt3A_90 : i1 to i32
      %cond3A_92 = arith.constant 0 : i32
      %cond3A_93 = arith.cmpi ne, %convert_element_type3A_91, %cond3A_92 : i32
      scf.if %cond3A_93 {
        %dma_start3A_106 = arith.constant 0 : i32
        %dma_start3A_107 = arith.constant 0 : i32
        %dma_start3A_108 = arith.constant 0 : i32
        %dma_start3A_109 = tpu.memref_slice %arg9[%dma_start3A_106, %dma_start3A_107, %dma_start3A_108] : memref<2x128x64xf32, #tpu.memory_space<vmem>> -> memref<1x128x64xf32, #tpu.memory_space<vmem>>
        %dma_start3A_110 = tpu.memref_squeeze %dma_start3A_109 : memref<1x128x64xf32, #tpu.memory_space<vmem>> -> memref<128x64xf32, #tpu.memory_space<vmem>>
        %dma_start3A_111 = arith.constant 0 : i32
        %dma_start3A_112 = tpu.memref_slice %arg7[%add3A_88, %dma_start3A_111] : memref<80x128xi32, #tpu.memory_space<vmem>> -> memref<1x128xi32, #tpu.memory_space<vmem>>
        %dma_start3A_113 = tpu.memref_squeeze %dma_start3A_112 : memref<1x128xi32, #tpu.memory_space<vmem>> -> memref<128xi32, #tpu.memory_space<vmem>>
        %dma_start3A_114 = arith.constant 0 : i32
        %dma_start3A_115 = arith.constant 0 : i32
        %dma_start3A_116 = tpu.memref_slice %arg11[%dma_start3A_114, %dma_start3A_115] : memref<10240x64xf32, #tpu.memory_space<vmem_shared>> -> memref<10240x64xf32, #tpu.memory_space<vmem_shared>>
        tpu.enqueue_indirect_dma source(%dma_start3A_116 : memref<10240x64xf32, #tpu.memory_space<vmem_shared>>) target(%dma_start3A_110 : memref<128x64xf32, #tpu.memory_space<vmem>>) offsets(%dma_start3A_113 : memref<128xi32, #tpu.memory_space<vmem>>) semaphore(%arg12 : memref<!tpu.dma_semaphore, #tpu.memory_space<semaphore_mem>>)
      } else {
      }
      %dma_wait3A_94 = arith.constant 1 : i32
      %dma_wait3A_95 = arith.constant 0 : i32
      %dma_wait3A_96 = arith.constant 0 : i32
      %dma_wait3A_97 = tpu.memref_slice %arg9[%dma_wait3A_94, %dma_wait3A_95, %dma_wait3A_96] : memref<2x128x64xf32, #tpu.memory_space<vmem>> -> memref<1x128x64xf32, #tpu.memory_space<vmem>>
      %dma_wait3A_98 = tpu.memref_squeeze %dma_wait3A_97 : memref<1x128x64xf32, #tpu.memory_space<vmem>> -> memref<128x64xf32, #tpu.memory_space<vmem>>
      %dma_wait3A_99 = arith.constant 0 : i32
      %dma_wait3A_100 = tpu.memref_slice %arg7[%add3A_86, %dma_wait3A_99] : memref<80x128xi32, #tpu.memory_space<vmem>> -> memref<1x128xi32, #tpu.memory_space<vmem>>
      %dma_wait3A_101 = tpu.memref_squeeze %dma_wait3A_100 : memref<1x128xi32, #tpu.memory_space<vmem>> -> memref<128xi32, #tpu.memory_space<vmem>>
      %dma_wait3A_102 = arith.constant 0 : i32
      %dma_wait3A_103 = arith.constant 0 : i32
      %dma_wait3A_104 = tpu.memref_slice %arg11[%dma_wait3A_102, %dma_wait3A_103] : memref<10240x64xf32, #tpu.memory_space<vmem_shared>> -> memref<10240x64xf32, #tpu.memory_space<vmem_shared>>
      tpu.wait_indirect_dma semaphore(%arg13 : memref<!tpu.dma_semaphore, #tpu.memory_space<semaphore_mem>>) src(%dma_wait3A_104 : memref<10240x64xf32, #tpu.memory_space<vmem_shared>>) dst(%dma_wait3A_98 : memref<128x64xf32, #tpu.memory_space<vmem>>)
      %run_scoped3A_105 = arith.constant 1 : i32
      "tpu.region"() ({
        %run_scoped3A_106 = tpu.sem_alloc : memref<!tpu.dma_semaphore, #tpu.memory_space<semaphore_mem>>
        %dma_start3A_107 = arith.constant 0 : i32
        %dma_start3A_108 = arith.constant 0 : i32
        %dma_start3A_109 = tpu.memref_slice %arg9[%run_scoped3A_105, %dma_start3A_107, %dma_start3A_108] : memref<2x128x64xf32, #tpu.memory_space<vmem>> -> memref<1x128x64xf32, #tpu.memory_space<vmem>>
        %dma_start3A_110 = tpu.memref_squeeze %dma_start3A_109 : memref<1x128x64xf32, #tpu.memory_space<vmem>> -> memref<128x64xf32, #tpu.memory_space<vmem>>
        %dma_start3A_111 = arith.constant 0 : i32
        %dma_start3A_112 = tpu.memref_slice %arg8[%add3A_86, %dma_start3A_111] : memref<80x128xi32, #tpu.memory_space<vmem>> -> memref<1x128xi32, #tpu.memory_space<vmem>>
        %dma_start3A_113 = tpu.memref_squeeze %dma_start3A_112 : memref<1x128xi32, #tpu.memory_space<vmem>> -> memref<128xi32, #tpu.memory_space<vmem>>
        %dma_start3A_114 = arith.constant 0 : i32
        %dma_start3A_115 = arith.constant 0 : i32
        %dma_start3A_116 = tpu.memref_slice %arg10[%dma_start3A_114, %dma_start3A_115] : memref<10240x64xf32, #tpu.memory_space<vmem_shared>> -> memref<10240x64xf32, #tpu.memory_space<vmem_shared>>
        tpu.enqueue_indirect_dma source(%dma_start3A_110 : memref<128x64xf32, #tpu.memory_space<vmem>>) target(%dma_start3A_116 : memref<10240x64xf32, #tpu.memory_space<vmem_shared>>) offsets(%dma_start3A_113 : memref<128xi32, #tpu.memory_space<vmem>>) semaphore(%run_scoped3A_106 : memref<!tpu.dma_semaphore, #tpu.memory_space<semaphore_mem>>) {add = true}
        %dma_wait3A_117 = arith.constant 0 : i32
        %dma_wait3A_118 = arith.constant 0 : i32
        %dma_wait3A_119 = tpu.memref_slice %arg9[%run_scoped3A_105, %dma_wait3A_117, %dma_wait3A_118] : memref<2x128x64xf32, #tpu.memory_space<vmem>> -> memref<1x128x64xf32, #tpu.memory_space<vmem>>
        %dma_wait3A_120 = tpu.memref_squeeze %dma_wait3A_119 : memref<1x128x64xf32, #tpu.memory_space<vmem>> -> memref<128x64xf32, #tpu.memory_space<vmem>>
        %dma_wait3A_121 = arith.constant 0 : i32
        %dma_wait3A_122 = tpu.memref_slice %arg8[%add3A_86, %dma_wait3A_121] : memref<80x128xi32, #tpu.memory_space<vmem>> -> memref<1x128xi32, #tpu.memory_space<vmem>>
        %dma_wait3A_123 = tpu.memref_squeeze %dma_wait3A_122 : memref<1x128xi32, #tpu.memory_space<vmem>> -> memref<128xi32, #tpu.memory_space<vmem>>
        %dma_wait3A_124 = arith.constant 0 : i32
        %dma_wait3A_125 = arith.constant 0 : i32
        %dma_wait3A_126 = tpu.memref_slice %arg10[%dma_wait3A_124, %dma_wait3A_125] : memref<10240x64xf32, #tpu.memory_space<vmem_shared>> -> memref<10240x64xf32, #tpu.memory_space<vmem_shared>>
        tpu.wait_indirect_dma semaphore(%run_scoped3A_106 : memref<!tpu.dma_semaphore, #tpu.memory_space<semaphore_mem>>) src(%dma_wait3A_120 : memref<128x64xf32, #tpu.memory_space<vmem>>) dst(%dma_wait3A_126 : memref<10240x64xf32, #tpu.memory_space<vmem_shared>>)
        tpu.yield
      }) : () -> ()
    }
    %scan3A_56 = arith.constant 40 : i32
    %barrier3A_57 = arith.constant 0 : index
    tpu.barrier barrier_id(%barrier3A_57)
    %mul3A_58 = arith.constant 640 : i32
    %mul3A_59 = arith.muli %arg1, %mul3A_58 : i32
    %mul3A_60 = arith.constant 640 : i32
    %mul3A_61 = arith.muli %arg1, %mul3A_60 : i32
    %run_scoped3A_62 = arith.constant 1 : i32
    "tpu.region"() ({
      %run_scoped3A_63 = tpu.sem_alloc : memref<!tpu.dma_semaphore, #tpu.memory_space<semaphore_mem>>
      %dma_start3A_64 = arith.constant 0 : i32
      %dma_start3A_65 = tpu.memref_slice %arg6[%arg0, %run_scoped3A_62, %mul3A_61, %dma_start3A_64] : memref<2x2x10240x64xf32, #tpu.memory_space<hbm>> -> memref<1x1x640x64xf32, #tpu.memory_space<hbm>>
      %dma_start3A_66 = tpu.memref_squeeze %dma_start3A_65 : memref<1x1x640x64xf32, #tpu.memory_space<hbm>> -> memref<640x64xf32, #tpu.memory_space<hbm>>
      %dma_start3A_67 = arith.constant 0 : i32
      %dma_start3A_68 = tpu.memref_slice %arg10[%mul3A_59, %dma_start3A_67] : memref<10240x64xf32, #tpu.memory_space<vmem_shared>> -> memref<640x64xf32, #tpu.memory_space<vmem_shared>>
      tpu.enqueue_dma source(%dma_start3A_68 : memref<640x64xf32, #tpu.memory_space<vmem_shared>>) target(%dma_start3A_66 : memref<640x64xf32, #tpu.memory_space<hbm>>) target_semaphore(%run_scoped3A_63 : memref<!tpu.dma_semaphore, #tpu.memory_space<semaphore_mem>>)
      %dma_wait3A = arith.constant 0 : i32
      %dma_wait3A_69 = tpu.memref_slice %arg6[%arg0, %run_scoped3A_62, %mul3A_61, %dma_wait3A] : memref<2x2x10240x64xf32, #tpu.memory_space<hbm>> -> memref<1x1x640x64xf32, #tpu.memory_space<hbm>>
      %dma_wait3A_70 = tpu.memref_squeeze %dma_wait3A_69 : memref<1x1x640x64xf32, #tpu.memory_space<hbm>> -> memref<640x64xf32, #tpu.memory_space<hbm>>
      %dma_wait3A_71 = arith.constant 0 : i32
      %dma_wait3A_72 = tpu.memref_slice %arg10[%mul3A_59, %dma_wait3A_71] : memref<10240x64xf32, #tpu.memory_space<vmem_shared>> -> memref<640x64xf32, #tpu.memory_space<vmem_shared>>
      tpu.wait_dma2 semaphore(%run_scoped3A_63 : memref<!tpu.dma_semaphore, #tpu.memory_space<semaphore_mem>>) src(%dma_wait3A_72 : memref<640x64xf32, #tpu.memory_space<vmem_shared>>) dst(%dma_wait3A_70 : memref<640x64xf32, #tpu.memory_space<hbm>>)
      tpu.yield
    }) : () -> ()
    return
  }
}

module attributes {stable_mosaic.version = 14 : i64} {
  func.func @_prep_body(%arg0: memref<4x10240xf32, #tpu.memory_space<vmem>>, %arg1: memref<10000x128xf32, #tpu.memory_space<vmem>>, %arg2: memref<2x10240x64xf32, #tpu.memory_space<vmem>>, %arg3: memref<10240x1xf32, #tpu.memory_space<vmem>>, %arg4: memref<10240x1xf32, #tpu.memory_space<vmem>>) attributes {dimension_semantics = [], scalar_prefetch = 0 : i64, scratch_operands = 0 : i64, tpu.core_type = #tpu.core_type<tc>} {
    %get3A = arith.constant 0 : index
    %get3A_0 = arith.constant 0 : index
    %get3A_1 = vector.load %arg0[%get3A, %get3A_0] : memref<4x10240xf32, #tpu.memory_space<vmem>>, vector<4x10240xf32>
    %slice3A = vector.extract_strided_slice %get3A_1 {offsets = [0, 0], sizes = [1, 10240], strides = [1, 1]} : vector<4x10240xf32> to vector<1x10240xf32>
    %slice3A_2 = vector.extract_strided_slice %get3A_1 {offsets = [2, 0], sizes = [1, 10240], strides = [1, 1]} : vector<4x10240xf32> to vector<1x10240xf32>
    %add3A = arith.addf %slice3A, %slice3A_2 : vector<1x10240xf32>
    %transpose3A = tpu.transpose %add3A, [1, 0] : vector<1x10240xf32> -> vector<10240x1xf32>
    %slice3A_3 = vector.extract_strided_slice %get3A_1 {offsets = [1, 0], sizes = [1, 10240], strides = [1, 1]} : vector<4x10240xf32> to vector<1x10240xf32>
    %slice3A_4 = vector.extract_strided_slice %get3A_1 {offsets = [3, 0], sizes = [1, 10240], strides = [1, 1]} : vector<4x10240xf32> to vector<1x10240xf32>
    %add3A_5 = arith.addf %slice3A_3, %slice3A_4 : vector<1x10240xf32>
    %transpose3A_6 = tpu.transpose %add3A_5, [1, 0] : vector<1x10240xf32> -> vector<10240x1xf32>
    %max3A = arith.constant 1.000000e+00 : f32
    %max3A_7 = vector.broadcast %max3A : f32 to vector<10240x1xf32>
    %max3A_8 = arith.maximumf %transpose3A, %max3A_7 : vector<10240x1xf32>
    %rsqrt3A = math.rsqrt %max3A_8 : vector<10240x1xf32>
    %max3A_9 = arith.constant 1.000000e+00 : f32
    %max3A_10 = vector.broadcast %max3A_9 : f32 to vector<10240x1xf32>
    %max3A_11 = arith.maximumf %transpose3A_6, %max3A_10 : vector<10240x1xf32>
    %rsqrt3A_12 = math.rsqrt %max3A_11 : vector<10240x1xf32>
    %swap3A = arith.constant 0 : index
    %swap3A_13 = arith.constant 0 : index
    %swap3A_14 = vector.load %arg3[%swap3A, %swap3A_13] : memref<10240x1xf32, #tpu.memory_space<vmem>>, vector<10240x1xf32>
    tpu.vector_store %arg3[%swap3A, %swap3A_13], %rsqrt3A {strides = array<i32>} : memref<10240x1xf32, #tpu.memory_space<vmem>>, vector<10240x1xf32>,
    %swap3A_15 = arith.constant 0 : index
    %swap3A_16 = arith.constant 0 : index
    %swap3A_17 = vector.load %arg4[%swap3A_15, %swap3A_16] : memref<10240x1xf32, #tpu.memory_space<vmem>>, vector<10240x1xf32>
    tpu.vector_store %arg4[%swap3A_15, %swap3A_16], %rsqrt3A_12 {strides = array<i32>} : memref<10240x1xf32, #tpu.memory_space<vmem>>, vector<10240x1xf32>,
    %get3A_18 = arith.constant 0 : index
    %get3A_19 = arith.constant 0 : index
    %get3A_20 = vector.load %arg1[%get3A_18, %get3A_19] : memref<10000x128xf32, #tpu.memory_space<vmem>>, vector<10000x128xf32>
    %slice3A_21 = vector.extract_strided_slice %rsqrt3A {offsets = [0, 0], sizes = [10000, 1], strides = [1, 1]} : vector<10240x1xf32> to vector<10000x1xf32>
    %mul3A = vector.broadcast %slice3A_21 : vector<10000x1xf32> to vector<10000x128xf32>
    %mul3A_22 = arith.mulf %get3A_20, %mul3A : vector<10000x128xf32>
    %slice3A_23 = vector.extract_strided_slice %mul3A_22 {offsets = [0, 0], sizes = [10000, 64], strides = [1, 1]} : vector<10000x128xf32> to vector<10000x64xf32>
    %swap3A_24 = arith.constant 0 : index
    %swap3A_25 = arith.constant 0 : index
    %swap3A_26 = arith.constant 0 : index
    %swap3A_27 = vector.load %arg2[%swap3A_24, %swap3A_25, %swap3A_26] : memref<2x10240x64xf32, #tpu.memory_space<vmem>>, vector<1x10000x64xf32>
    %swap3A_28 = vector.shape_cast %swap3A_27 : vector<1x10000x64xf32> to vector<10000x64xf32>
    %swap3A_29 = vector.shape_cast %slice3A_23 : vector<10000x64xf32> to vector<1x10000x64xf32>
    tpu.vector_store %arg2[%swap3A_24, %swap3A_25, %swap3A_26], %swap3A_29 {strides = array<i32>} : memref<2x10240x64xf32, #tpu.memory_space<vmem>>, vector<1x10000x64xf32>,
    %slice3A_30 = vector.extract_strided_slice %mul3A_22 {offsets = [0, 64], sizes = [10000, 64], strides = [1, 1]} : vector<10000x128xf32> to vector<10000x64xf32>
    %swap3A_31 = arith.constant 1 : index
    %swap3A_32 = arith.constant 0 : index
    %swap3A_33 = arith.constant 0 : index
    %swap3A_34 = vector.load %arg2[%swap3A_31, %swap3A_32, %swap3A_33] : memref<2x10240x64xf32, #tpu.memory_space<vmem>>, vector<1x10000x64xf32>
    %swap3A_35 = vector.shape_cast %swap3A_34 : vector<1x10000x64xf32> to vector<10000x64xf32>
    %swap3A_36 = vector.shape_cast %slice3A_30 : vector<10000x64xf32> to vector<1x10000x64xf32>
    tpu.vector_store %arg2[%swap3A_31, %swap3A_32, %swap3A_33], %swap3A_36 {strides = array<i32>} : memref<2x10240x64xf32, #tpu.memory_space<vmem>>, vector<1x10000x64xf32>,
    %broadcast_in_dim3A = arith.constant 0.000000e+00 : f32
    %broadcast_in_dim3A_37 = vector.broadcast %broadcast_in_dim3A : f32 to vector<240x64xf32>
    %swap3A_38 = arith.constant 0 : index
    %swap3A_39 = arith.constant 10000 : index
    %swap3A_40 = arith.constant 0 : index
    %swap3A_41 = vector.load %arg2[%swap3A_38, %swap3A_39, %swap3A_40] : memref<2x10240x64xf32, #tpu.memory_space<vmem>>, vector<1x240x64xf32>
    %swap3A_42 = vector.shape_cast %swap3A_41 : vector<1x240x64xf32> to vector<240x64xf32>
    %swap3A_43 = vector.shape_cast %broadcast_in_dim3A_37 : vector<240x64xf32> to vector<1x240x64xf32>
    tpu.vector_store %arg2[%swap3A_38, %swap3A_39, %swap3A_40], %swap3A_43 {strides = array<i32>} : memref<2x10240x64xf32, #tpu.memory_space<vmem>>, vector<1x240x64xf32>,
    %broadcast_in_dim3A_44 = arith.constant 0.000000e+00 : f32
    %broadcast_in_dim3A_45 = vector.broadcast %broadcast_in_dim3A_44 : f32 to vector<240x64xf32>
    %swap3A_46 = arith.constant 1 : index
    %swap3A_47 = arith.constant 10000 : index
    %swap3A_48 = arith.constant 0 : index
    %swap3A_49 = vector.load %arg2[%swap3A_46, %swap3A_47, %swap3A_48] : memref<2x10240x64xf32, #tpu.memory_space<vmem>>, vector<1x240x64xf32>
    %swap3A_50 = vector.shape_cast %swap3A_49 : vector<1x240x64xf32> to vector<240x64xf32>
    %swap3A_51 = vector.shape_cast %broadcast_in_dim3A_45 : vector<240x64xf32> to vector<1x240x64xf32>
    tpu.vector_store %arg2[%swap3A_46, %swap3A_47, %swap3A_48], %swap3A_51 {strides = array<i32>} : memref<2x10240x64xf32, #tpu.memory_space<vmem>>, vector<1x240x64xf32>,
    return
  }
}

module attributes {stable_mosaic.version = 14 : i64} {
  func.func @_mid_body(%arg0: i32, %arg1: memref<2x2x1024x64xf32, #tpu.memory_space<vmem>>, %arg2: memref<1024x1xf32, #tpu.memory_space<vmem>>, %arg3: memref<1024x1xf32, #tpu.memory_space<vmem>>, %arg4: memref<128x256xf32, #tpu.memory_space<vmem>>, %arg5: memref<1x256xf32, #tpu.memory_space<vmem>>, %arg6: memref<256x128xf32, #tpu.memory_space<vmem>>, %arg7: memref<2x1024x64xf32, #tpu.memory_space<vmem>>) attributes {dimension_semantics = [#tpu.dimension_semantics<arbitrary>], iteration_bounds = array<i64: 10>, scalar_prefetch = 0 : i64, scratch_operands = 0 : i64, tpu.core_type = #tpu.core_type<tc>, window_params = [{transform_indices = @transform_0, window_bounds = array<i64: 2, 2, 1024, 64>}, {transform_indices = @transform_1, window_bounds = array<i64: 1024, 1>}, {transform_indices = @transform_2, window_bounds = array<i64: 1024, 1>}, {pipeline_mode = #tpu.pipeline_mode<synchronous>, transform_indices = @transform_3, window_bounds = array<i64: 128, 256>}, {pipeline_mode = #tpu.pipeline_mode<synchronous>, transform_indices = @transform_4, window_bounds = array<i64: 1, 256>}, {pipeline_mode = #tpu.pipeline_mode<synchronous>, transform_indices = @transform_5, window_bounds = array<i64: 256, 128>}, {transform_indices = @transform_6, window_bounds = array<i64: 2, 1024, 64>}]} {
    %get3A = arith.constant 0 : index
    %get3A_0 = arith.constant 0 : index
    %get3A_1 = arith.constant 0 : index
    %get3A_2 = arith.constant 0 : index
    %get3A_3 = vector.load %arg1[%get3A, %get3A_0, %get3A_1, %get3A_2] : memref<2x2x1024x64xf32, #tpu.memory_space<vmem>>, vector<1x1x1024x64xf32>
    %get3A_4 = vector.shape_cast %get3A_3 : vector<1x1x1024x64xf32> to vector<1024x64xf32>
    %get3A_5 = arith.constant 1 : index
    %get3A_6 = arith.constant 0 : index
    %get3A_7 = arith.constant 0 : index
    %get3A_8 = arith.constant 0 : index
    %get3A_9 = vector.load %arg1[%get3A_5, %get3A_6, %get3A_7, %get3A_8] : memref<2x2x1024x64xf32, #tpu.memory_space<vmem>>, vector<1x1x1024x64xf32>
    %get3A_10 = vector.shape_cast %get3A_9 : vector<1x1x1024x64xf32> to vector<1024x64xf32>
    %add3A = arith.addf %get3A_4, %get3A_10 : vector<1024x64xf32>
    %get3A_11 = arith.constant 0 : index
    %get3A_12 = arith.constant 1 : index
    %get3A_13 = arith.constant 0 : index
    %get3A_14 = arith.constant 0 : index
    %get3A_15 = vector.load %arg1[%get3A_11, %get3A_12, %get3A_13, %get3A_14] : memref<2x2x1024x64xf32, #tpu.memory_space<vmem>>, vector<1x1x1024x64xf32>
    %get3A_16 = vector.shape_cast %get3A_15 : vector<1x1x1024x64xf32> to vector<1024x64xf32>
    %get3A_17 = arith.constant 1 : index
    %get3A_18 = arith.constant 1 : index
    %get3A_19 = arith.constant 0 : index
    %get3A_20 = arith.constant 0 : index
    %get3A_21 = vector.load %arg1[%get3A_17, %get3A_18, %get3A_19, %get3A_20] : memref<2x2x1024x64xf32, #tpu.memory_space<vmem>>, vector<1x1x1024x64xf32>
    %get3A_22 = vector.shape_cast %get3A_21 : vector<1x1x1024x64xf32> to vector<1024x64xf32>
    %add3A_23 = arith.addf %get3A_16, %get3A_22 : vector<1024x64xf32>
    %concatenate3A = tpu.concatenate %add3A, %add3A_23 in 1 : vector<1024x64xf32>, vector<1024x64xf32> -> vector<1024x128xf32>
    %get3A_24 = arith.constant 0 : index
    %get3A_25 = arith.constant 0 : index
    %get3A_26 = vector.load %arg3[%get3A_24, %get3A_25] : memref<1024x1xf32, #tpu.memory_space<vmem>>, vector<1024x1xf32>
    %mul3A = vector.broadcast %get3A_26 : vector<1024x1xf32> to vector<1024x128xf32>
    %mul3A_27 = arith.mulf %concatenate3A, %mul3A : vector<1024x128xf32>
    %get3A_28 = arith.constant 0 : index
    %get3A_29 = arith.constant 0 : index
    %get3A_30 = vector.load %arg4[%get3A_28, %get3A_29] : memref<128x256xf32, #tpu.memory_space<vmem>>, vector<128x256xf32>
    %dot_general3A = arith.constant dense<0.000000e+00> : vector<1024x256xf32>
    %dot_general3A_31 = tpu.matmul %mul3A_27, %get3A_30, %dot_general3A {dimension_numbers = #tpu.dot_dimension_numbers<[1], [0], [0], [1], [0, 0, 1, 1], [], []>, transpose_lhs_hint = false} : vector<1024x128xf32>, vector<128x256xf32>, vector<1024x256xf32> -> vector<1024x256xf32>
    %get3A_32 = arith.constant 0 : index
    %get3A_33 = arith.constant 0 : index
    %get3A_34 = vector.load %arg5[%get3A_32, %get3A_33] : memref<1x256xf32, #tpu.memory_space<vmem>>, vector<1x256xf32>
    %add3A_35 = vector.broadcast %get3A_34 : vector<1x256xf32> to vector<1024x256xf32>
    %add3A_36 = arith.addf %dot_general3A_31, %add3A_35 : vector<1024x256xf32>
    %ge3A = arith.constant 0.000000e+00 : f32
    %ge3A_37 = vector.broadcast %ge3A : f32 to vector<1024x256xf32>
    %ge3A_38 = arith.cmpf oge, %add3A_36, %ge3A_37 : vector<1024x256xf32>
    %mul3A_39 = arith.constant 0.00999999977 : f32
    %mul3A_40 = vector.broadcast %mul3A_39 : f32 to vector<1024x256xf32>
    %mul3A_41 = arith.mulf %mul3A_40, %add3A_36 : vector<1024x256xf32>
    %select_n3A = arith.select %ge3A_38, %add3A_36, %mul3A_41 : vector<1024x256xi1>, vector<1024x256xf32>
    %get3A_42 = arith.constant 0 : index
    %get3A_43 = arith.constant 0 : index
    %get3A_44 = vector.load %arg6[%get3A_42, %get3A_43] : memref<256x128xf32, #tpu.memory_space<vmem>>, vector<256x128xf32>
    %dot_general3A_45 = arith.constant dense<0.000000e+00> : vector<1024x128xf32>
    %dot_general3A_46 = tpu.matmul %select_n3A, %get3A_44, %dot_general3A_45 {dimension_numbers = #tpu.dot_dimension_numbers<[1], [0], [0], [1], [0, 0, 1, 1], [], []>, transpose_lhs_hint = false} : vector<1024x256xf32>, vector<256x128xf32>, vector<1024x128xf32> -> vector<1024x128xf32>
    %get3A_47 = arith.constant 0 : index
    %get3A_48 = arith.constant 0 : index
    %get3A_49 = vector.load %arg2[%get3A_47, %get3A_48] : memref<1024x1xf32, #tpu.memory_space<vmem>>, vector<1024x1xf32>
    %mul3A_50 = vector.broadcast %get3A_49 : vector<1024x1xf32> to vector<1024x128xf32>
    %mul3A_51 = arith.mulf %dot_general3A_46, %mul3A_50 : vector<1024x128xf32>
    %slice3A = vector.extract_strided_slice %mul3A_51 {offsets = [0, 0], sizes = [1024, 64], strides = [1, 1]} : vector<1024x128xf32> to vector<1024x64xf32>
    %swap3A = arith.constant 0 : index
    %swap3A_52 = arith.constant 0 : index
    %swap3A_53 = arith.constant 0 : index
    %swap3A_54 = vector.load %arg7[%swap3A, %swap3A_52, %swap3A_53] : memref<2x1024x64xf32, #tpu.memory_space<vmem>>, vector<1x1024x64xf32>
    %swap3A_55 = vector.shape_cast %swap3A_54 : vector<1x1024x64xf32> to vector<1024x64xf32>
    %swap3A_56 = vector.shape_cast %slice3A : vector<1024x64xf32> to vector<1x1024x64xf32>
    tpu.vector_store %arg7[%swap3A, %swap3A_52, %swap3A_53], %swap3A_56 {strides = array<i32>} : memref<2x1024x64xf32, #tpu.memory_space<vmem>>, vector<1x1024x64xf32>,
    %slice3A_57 = vector.extract_strided_slice %mul3A_51 {offsets = [0, 64], sizes = [1024, 64], strides = [1, 1]} : vector<1024x128xf32> to vector<1024x64xf32>
    %swap3A_58 = arith.constant 1 : index
    %swap3A_59 = arith.constant 0 : index
    %swap3A_60 = arith.constant 0 : index
    %swap3A_61 = vector.load %arg7[%swap3A_58, %swap3A_59, %swap3A_60] : memref<2x1024x64xf32, #tpu.memory_space<vmem>>, vector<1x1024x64xf32>
    %swap3A_62 = vector.shape_cast %swap3A_61 : vector<1x1024x64xf32> to vector<1024x64xf32>
    %swap3A_63 = vector.shape_cast %slice3A_57 : vector<1024x64xf32> to vector<1x1024x64xf32>
    tpu.vector_store %arg7[%swap3A_58, %swap3A_59, %swap3A_60], %swap3A_63 {strides = array<i32>} : memref<2x1024x64xf32, #tpu.memory_space<vmem>>, vector<1x1024x64xf32>,
    return
  }
  func.func @transform_0(%arg0: i32) -> (i32, i32, i32, i32) {
    %c0_i32 = arith.constant 0 : i32
    %c0_i32_0 = arith.constant 0 : i32
    %c0_i32_1 = arith.constant 0 : i32
    %c0_i32_2 = arith.constant 0 : i32
    return %c0_i32, %c0_i32_0, %arg0, %c0_i32_1 : i32, i32, i32, i32
  }
  func.func @transform_1(%arg0: i32) -> (i32, i32) {
    %c0_i32 = arith.constant 0 : i32
    %c0_i32_0 = arith.constant 0 : i32
    return %arg0, %c0_i32 : i32, i32
  }
  func.func @transform_2(%arg0: i32) -> (i32, i32) {
    %c0_i32 = arith.constant 0 : i32
    %c0_i32_0 = arith.constant 0 : i32
    return %arg0, %c0_i32 : i32, i32
  }
  func.func @transform_3(%arg0: i32) -> (i32, i32) {
    %c0_i32 = arith.constant 0 : i32
    %c0_i32_0 = arith.constant 0 : i32
    %c0_i32_1 = arith.constant 0 : i32
    return %c0_i32, %c0_i32_0 : i32, i32
  }
  func.func @transform_4(%arg0: i32) -> (i32, i32) {
    %c0_i32 = arith.constant 0 : i32
    %c0_i32_0 = arith.constant 0 : i32
    %c0_i32_1 = arith.constant 0 : i32
    return %c0_i32, %c0_i32_0 : i32, i32
  }
  func.func @transform_5(%arg0: i32) -> (i32, i32) {
    %c0_i32 = arith.constant 0 : i32
    %c0_i32_0 = arith.constant 0 : i32
    %c0_i32_1 = arith.constant 0 : i32
    return %c0_i32, %c0_i32_0 : i32, i32
  }
  func.func @transform_6(%arg0: i32) -> (i32, i32, i32) {
    %c0_i32 = arith.constant 0 : i32
    %c0_i32_0 = arith.constant 0 : i32
    %c0_i32_1 = arith.constant 0 : i32
    return %c0_i32, %arg0, %c0_i32_0 : i32, i32, i32
  }
}

module attributes {stable_mosaic.version = 14 : i64} {
  func.func @_fin_body(%arg0: memref<2x2x10240x64xf32, #tpu.memory_space<vmem>>, %arg1: memref<10240x1xf32, #tpu.memory_space<vmem>>, %arg2: memref<1x128xf32, #tpu.memory_space<vmem>>, %arg3: memref<10000x128xf32, #tpu.memory_space<vmem>>) attributes {dimension_semantics = [], scalar_prefetch = 0 : i64, scratch_operands = 0 : i64, tpu.core_type = #tpu.core_type<tc>} {
    %get3A = arith.constant 0 : index
    %get3A_0 = arith.constant 0 : index
    %get3A_1 = arith.constant 0 : index
    %get3A_2 = arith.constant 0 : index
    %get3A_3 = vector.load %arg0[%get3A, %get3A_0, %get3A_1, %get3A_2] : memref<2x2x10240x64xf32, #tpu.memory_space<vmem>>, vector<1x1x10000x64xf32>
    %get3A_4 = vector.shape_cast %get3A_3 : vector<1x1x10000x64xf32> to vector<10000x64xf32>
    %get3A_5 = arith.constant 1 : index
    %get3A_6 = arith.constant 0 : index
    %get3A_7 = arith.constant 0 : index
    %get3A_8 = arith.constant 0 : index
    %get3A_9 = vector.load %arg0[%get3A_5, %get3A_6, %get3A_7, %get3A_8] : memref<2x2x10240x64xf32, #tpu.memory_space<vmem>>, vector<1x1x10000x64xf32>
    %get3A_10 = vector.shape_cast %get3A_9 : vector<1x1x10000x64xf32> to vector<10000x64xf32>
    %add3A = arith.addf %get3A_4, %get3A_10 : vector<10000x64xf32>
    %get3A_11 = arith.constant 0 : index
    %get3A_12 = arith.constant 1 : index
    %get3A_13 = arith.constant 0 : index
    %get3A_14 = arith.constant 0 : index
    %get3A_15 = vector.load %arg0[%get3A_11, %get3A_12, %get3A_13, %get3A_14] : memref<2x2x10240x64xf32, #tpu.memory_space<vmem>>, vector<1x1x10000x64xf32>
    %get3A_16 = vector.shape_cast %get3A_15 : vector<1x1x10000x64xf32> to vector<10000x64xf32>
    %get3A_17 = arith.constant 1 : index
    %get3A_18 = arith.constant 1 : index
    %get3A_19 = arith.constant 0 : index
    %get3A_20 = arith.constant 0 : index
    %get3A_21 = vector.load %arg0[%get3A_17, %get3A_18, %get3A_19, %get3A_20] : memref<2x2x10240x64xf32, #tpu.memory_space<vmem>>, vector<1x1x10000x64xf32>
    %get3A_22 = vector.shape_cast %get3A_21 : vector<1x1x10000x64xf32> to vector<10000x64xf32>
    %add3A_23 = arith.addf %get3A_16, %get3A_22 : vector<10000x64xf32>
    %concatenate3A = tpu.concatenate %add3A, %add3A_23 in 1 : vector<10000x64xf32>, vector<10000x64xf32> -> vector<10000x128xf32>
    %get3A_24 = arith.constant 0 : index
    %get3A_25 = arith.constant 0 : index
    %get3A_26 = vector.load %arg1[%get3A_24, %get3A_25] : memref<10240x1xf32, #tpu.memory_space<vmem>>, vector<10000x1xf32>
    %mul3A = vector.broadcast %get3A_26 : vector<10000x1xf32> to vector<10000x128xf32>
    %mul3A_27 = arith.mulf %concatenate3A, %mul3A : vector<10000x128xf32>
    %get3A_28 = arith.constant 0 : index
    %get3A_29 = arith.constant 0 : index
    %get3A_30 = vector.load %arg2[%get3A_28, %get3A_29] : memref<1x128xf32, #tpu.memory_space<vmem>>, vector<1x128xf32>
    %add3A_31 = vector.broadcast %get3A_30 : vector<1x128xf32> to vector<10000x128xf32>
    %add3A_32 = arith.addf %mul3A_27, %add3A_31 : vector<10000x128xf32>
    %logistic3A = arith.negf %add3A_32 : vector<10000x128xf32>
    %logistic3A_33 = math.exp %logistic3A : vector<10000x128xf32>
    %logistic3A_34 = arith.constant 1.000000e+00 : f32
    %logistic3A_35 = vector.broadcast %logistic3A_34 : f32 to vector<10000x128xf32>
    %logistic3A_36 = arith.addf %logistic3A_35, %logistic3A_33 : vector<10000x128xf32>
    %logistic3A_37 = arith.divf %logistic3A_35, %logistic3A_36 : vector<10000x128xf32>
    %swap3A = arith.constant 0 : index
    %swap3A_38 = arith.constant 0 : index
    %swap3A_39 = vector.load %arg3[%swap3A, %swap3A_38] : memref<10000x128xf32, #tpu.memory_space<vmem>>, vector<10000x128xf32>
    tpu.vector_store %arg3[%swap3A, %swap3A_38], %logistic3A_37 {strides = array<i32>} : memref<10000x128xf32, #tpu.memory_space<vmem>>, vector<10000x128xf32>,
    return
  }
}

</mosaic_0001>

<sc_bundles>
// kernel: kernel.11.cloned.1.call-start
scs
__scs_entry_jumppad:
0x0: {  	(pc) =	sbr.rel $0x88, $3  }
0x1: {  	(tag) =	ssettag $0x0;
	lr =	simm.s32 $0x1  }
0x2: {  	[smem:$0x3F9B] =	sst lr;
	_ =	strace $0xD0000000  }
0x3: {  	_ = 	snop  }
0x4: {  	_ = 	snop  }
0x5: {  	_ = 	snop  }
0x6: {  	_ = 	snop  }
0x7: {  	_ = 	snop  }
__scs_overlays_trampoline_lowered:
0x8: {  	[smem:$0x3FAA] =	sst s0  }
0x9: {  	[smem:$0x3FAB] =	sst s1  }
0xa: {  	[smem:$0x3FAC] =	sst s2  }
0xb: {  	[smem:$0x3FAD] =	sst s3  }
0xc: {  	[smem:$0x3FAE] =	sst s4  }
0xd: {  	[smem:$0x3FAF] =	sst s5  }
0xe: {  	[smem:$0x3FB0] =	sst s6  }
0xf: {  	[smem:$0x3FB1] =	sst s7  }
0x10: {  	[smem:$0x3FB2] =	sst s8  }
0x11: {  	[smem:$0x3FB3] =	sst s9;
	s0 =	simm.s32 @!p0 $0x0  }
0x12: {  	s1 =	sld [smem:$0x3F99];
	s0 =	simm.s32 @p0 $0x1  }
0x13: {  	[smem:$0x3FB4] =	sst s0;
	s0 =	simm.s32 @!p1 $0x0  }
0x14: {  	s2 =	sld [smem:$0x3F98];
	s0 =	simm.s32 @p1 $0x1  }
0x15: {  	[smem:$0x3FB5] =	sst s0;
	s0 =	simm.s32 @!p2 $0x0  }
0x16: {  	s3 =	sld [smem:$0x3FDB];
	s0 =	simm.s32 @p2 $0x1  }
0x17: {  	s4 =	simm.s32 $0x1BF5;
	[smem:$0x3FB7] =	sst s0  }
0x18: {  	s0 =	sld [smem:$0x3F9A];
	_ =	swait.ge [sflag:s4], $0x0  }
0x19: {  	s7 =	sld [smem:$0x3F9B]  }
0x1a: {  	s8 =	sadd.s32 $0xFFFFE003, lr  }
0x1b: {  	s9 =	sadd.s32 $0xFFFFFEF7, lr;
	s5 =	simm.s32 $0xFFFFFFFF;
	p2 =	slt.u32 s8, $0xFFFFF086  }
0x1c: {  	p1 =	slt.u32 s9, $0xF7A;
	s5 =	simm.s32 @!p2 $0x0  }
0x1d: {  	s5 =	simm.s32 @p1 $0x1;
	p0 =	seq.s32 s7, s2  }
0x1e: {  	s7 =	smul.u32 @!p0 $0xF7A, s2;
	p2 =	seq.s32 @!p0 s5, $0x0  }
0x1f: {  	s9 =	smul.u32 $0xF7A, s1;
	s8 =	simm.s32 @!p0 $0x1BF5;
	p2 =	por !p2, p0  }
0x20: {  	[sflag:s8] =	ssyncset.s32 @!p0 $0xFFFFF086;
	s6 =	sadd.s32 @!p0 s3, s7;
	s7 =	simm.s32 @!p0 $0x108  }
0x21: {  	s3 =	sadd.s32 s3, s9;
	s6 =	sadd.s32 @!p0 $0x88, s6;
	s7 =	simm.s32 @p2 $0x1082  }
0x22: {  	[simem:s7], [sflag:s8] =	dma.local @!p0 [hbm:s6], $0xF7A  }
0x23: {  	s9 =	sor.u32 $0xD0000000, s2;
	s6 =	simm.s32 $0x108;
	_ =	swait.ge @!p0 [sflag:s8], $0x0  }
0x24: {  	s3 =	sadd.s32 $0x88, s3;
	s6 =	simm.s32 @!p1 $0x1082;
	[sflag:s4] =	ssyncset.s32 $0xFFFFF086  }
0x25: {  	[simem:s6], [sflag:s4] =	dma.local [hbm:s3], $0xF7A  }
0x26: {  	[smem:$0x3F9B] =	sst s1;
	(tag) =	ssettag s2;
	_ =	strace s9  }
0x27: {  	s1 =	sld [smem:$0x3FAB]  }
0x28: {  	s2 =	sld [smem:$0x3FAC]  }
0x29: {  	s4 =	sld [smem:$0x3FAE]  }
0x2a: {  	p0 =	seq.s32 s5, $0x0;
	s5 =	sld [smem:$0x3FAF]  }
0x2b: {  	s6 =	sld [smem:$0x3FB0]  }
0x2c: {  	s7 =	sld [smem:$0x3FB1]  }
0x2d: {  	s3 =	simm.s32 $0x108;
	s8 =	sld [smem:$0x3FB2]  }
0x2e: {  	s3 =	simm.s32 @!p0 $0x1082;
	s9 =	sld [smem:$0x3FB3]  }
0x2f: {  	lr =	sadd.s32 s0, s3;
	s0 =	sld [smem:$0x3FAA]  }
0x30: {  	s3 =	sld [smem:$0x3FAD]  }
0x31: {  	[smem:$0x3FB6] =	sst s10  }
0x32: {  	s10 =	sld [smem:$0x3FB4];
	_ =	sdelay $0x3  }
0x33: {  	p0 =	seq.s32 s10, $0x1;
	s10 =	sld [smem:$0x3FB6];
	_ =	sdelay $0x3  }
0x34: {  	[smem:$0x3FB6] =	sst s10  }
0x35: {  	s10 =	sld [smem:$0x3FB5];
	_ =	sdelay $0x3  }
0x36: {  	p1 =	seq.s32 s10, $0x1;
	s10 =	sld [smem:$0x3FB6];
	_ =	sdelay $0x3  }
0x37: {  	[smem:$0x3FB6] =	sst s10  }
0x38: {  	s10 =	sld [smem:$0x3FB7]  }
0x39: {  	_ = 	snop;
	(pc) =	sbr.ind lr, $3  }
0x3a: {  	_ = 	snop  }
0x3b: {  	_ = 	snop  }
0x3c: {  	p2 =	seq.s32 s10, $0x1;
	s10 =	sld [smem:$0x3FB6]  }
0x3d: {  	_ =	shalt  }
0x3e: {  	_ =	shalt  }
0x3f: {  	_ =	shalt  }
0x40: {  	_ =	shalt  }
0x41: {  	_ =	shalt  }
0x42: {  	_ =	shalt  }
0x43: {  	_ =	shalt  }
0x44: {  	_ =	shalt  }
0x45: {  	_ =	shalt  }
0x46: {  	_ =	shalt  }
0x47: {  	_ =	shalt  }
0x48: {  	_ =	shalt  }
0x49: {  	_ =	shalt  }
0x4a: {  	_ =	shalt  }
0x4b: {  	_ =	shalt  }
0x4c: {  	_ =	shalt  }
0x4d: {  	_ =	shalt  }
0x4e: {  	_ =	shalt  }
0x4f: {  	_ =	shalt  }
0x50: {  	_ =	shalt  }
0x51: {  	_ =	shalt  }
0x52: {  	_ =	shalt  }
0x53: {  	_ =	shalt  }
0x54: {  	_ =	shalt  }
0x55: {  	_ =	shalt  }
0x56: {  	_ =	shalt  }
0x57: {  	_ =	shalt  }
0x58: {  	_ =	shalt  }
0x59: {  	_ =	shalt  }
0x5a: {  	_ =	shalt  }
0x5b: {  	_ =	shalt  }
0x5c: {  	_ =	shalt  }
0x5d: {  	_ =	shalt  }
0x5e: {  	_ =	shalt  }
0x5f: {  	_ =	shalt  }
0x60: {  	_ =	shalt  }
0x61: {  	_ =	shalt  }
0x62: {  	_ =	shalt  }
0x63: {  	_ =	shalt  }
0x64: {  	_ =	shalt  }
0x65: {  	_ =	shalt  }
0x66: {  	_ =	shalt  }
0x67: {  	_ =	shalt  }
0x68: {  	_ =	shalt  }
0x69: {  	_ =	shalt  }
0x6a: {  	_ =	shalt  }
0x6b: {  	_ =	shalt  }
0x6c: {  	_ =	shalt  }
0x6d: {  	_ =	shalt  }
0x6e: {  	_ =	shalt  }
0x6f: {  	_ =	shalt  }
0x70: {  	_ =	shalt  }
0x71: {  	_ =	shalt  }
0x72: {  	_ =	shalt  }
0x73: {  	_ =	shalt  }
0x74: {  	_ =	shalt  }
0x75: {  	_ =	shalt  }
0x76: {  	_ =	shalt  }
0x77: {  	_ =	shalt  }
0x78: {  	_ =	shalt  }
0x79: {  	_ =	shalt  }
0x7a: {  	_ =	shalt  }
0x7b: {  	_ =	shalt  }
0x7c: {  	_ =	shalt  }
0x7d: {  	_ =	shalt  }
0x7e: {  	_ =	shalt  }
0x7f: {  	_ =	shalt  }
0x80: {  	_ =	shalt  }
0x81: {  	_ =	shalt  }
0x82: {  	_ =	shalt  }
0x83: {  	_ =	shalt  }
0x84: {  	_ =	shalt  }
0x85: {  	_ =	shalt  }
0x86: {  	_ =	shalt  }
0x87: {  	_ =	shalt  }
.Lfunc_end0:
.L_simem_size_0:
called_computation.1_lowered:
.L_overlay_start_0:
0x88: {  	s2 =	sld [smem:$0x3FD9]  }
0x89: {  	s3 =	sld [smem:$0x3FFE];
	_ =	sdelay $0x1  }
0x8a: {  	s1 =	srdreg.scid  }
0x8b: {  	s0 =	sand.u32 $0x1, s1  }
0x8c: {  	s17 =	sshll.u32 s0, $0xA;
	s2 =	sadd.s32 s3, s2  }
0x8d: {  	s2 =	sadd.s32 s2, s17  }
0x8e: {  	[smem:$0x3FC2] =	sst s2  }
0x8f: {  	_ = 	snop  }
0x90: {  	s2 =	sld [smem:$0x3FD0];
	(tm) =	ssettm $0x1  }
0x91: {  	s18 =	sld [smem:$0x3FFB];
	_ =	sdelay $0x3  }
0x92: {  	_ =	strace s18  }
0x93: {  	s3 =	sld [smem:$0x3FFC];
	_ =	sdelay $0x3  }
0x94: {  	_ =	strace s3  }
0x95: {  	s3 =	sld [smem:$0x3FFD];
	_ =	sdelay $0x3  }
0x96: {  	_ =	strace s3  }
0x97: {  	_ =	strace $0x8FFFFFFF  }
0x98: {  	s19 =	sld [smem:$0x3FDB];
	_ =	sdelay $0x1  }
0x99: {  	s4 =	simm.s32 $_scs_section_size  }
0x9a: {  	s5 =	simm.s32 $_size__tile_overlayer_lowered;
	s6 =	simm.s32 $_tile_overlayer_lowered  }
0x9b: {  	s22 =	simm.s32 $0x1BFF;
	s21 =	sshll.u32 s6, $0x1;
	s3 =	sadd.s32 s4, s19  }
0x9c: {  	s7 =	simm.s32 $0x0;
	s20 =	sshll.u32 s5, $0x1;
	s5 =	sadd.s32 s21, s3  }
0x9d: {  	[timem:s7], [sflag:s22] =	dma.local [hbm:s5], s20  }
0x9e: {  	_ =	swait.ge [sflag:s22], s20  }
0x9f: {  	s4 =	ssub.s32 $0x0, s20;
	[sflag:s22] =	ssyncset.done $0x0  }
0xa0: {  	[sflag:s22] =	ssyncadd.s32 s4;
	_ =	sdelay $0x1  }
0xa1: {  	s23 =	simm.s32 $0x1B8B  }
0xa2: {  	_ =	swait.ge [sflag:s23], $0x1  }
0xa3: {  	[sflag:s23] =	ssyncset.done $0x0  }
0xa4: {  	s25 =	simm.s32 $0x1B8E;
	s24 =	sld [smem:$0x3FFE];
	[sflag:s23] =	ssyncadd.s32 $0xFFFFFFFF  }
0xa5: {  	s26 =	simm.s32 $execute0_lowered;
	[smem:$0x3FD2] =	sst s25  }
0xa6: {  	s5 =	sshll.u32 s26, $0x1;
	_ =	strace $0x80000049;
	[dreg:$0x1] =	wrdreg $0xFFFFFFFF  }
0xa7: {  	s28 =	simm.s32 $_size_execute0_lowered;
	s3 =	sadd.s32 s3, s5;
	[dreg:$0x0] =	wrdreg $0x0  }
0xa8: {  	s5 =	sshll.u32 s28, $0x1;
	[dreg:$0x2] =	wrdreg s3  }
0xa9: {  	[dreg:$0x3] =	wrdreg s5  }
0xaa: {  	[dreg:$0x4] =	wrdreg $0xC0  }
0xab: {  	_ =	task [dreg:s7], $0x5FFFF  }
0xac: {  	[dreg:$0x1] =	wrdreg $0xFFFFFFFF  }
0xad: {  	[dreg:$0x0] =	wrdreg $0x60  }
0xae: {  	[dreg:$0x2] =	wrdreg s24  }
0xaf: {  	[dreg:$0x3] =	wrdreg s2  }
0xb0: {  	[dreg:$0x4] =	wrdreg $0x90000  }
0xb1: {  	[dreg:$0x5] =	wrdreg $0x130000  }
0xb2: {  	[dreg:$0x6] =	wrdreg $0x9  }
0xb3: {  	_ =	task.clear_ibuf [dreg:s7], $0x7FFFF;
	_ =	strace $0x90000049  }
0xb4: {  	s29 =	simm.s32 $0x9;
	_ =	strace $0x8000004B  }
0xb5: {  	_ =	swait.ge [sflag:s29], $0x1  }
0xb6: {  	[sflag:s29] =	ssyncadd.s32 $0xFFFFFFFF  }
0xb7: {  	_ =	strace $0x9000004B  }
0xb8: {  	_ =	sfence  }
0xb9: {  	s30 =	sld [smem:$0x0];
	_ =	sdelay $0x2  }
0xba: {  	s31 =	sshll.u32 s1, $0xD;
	s1 =	sshrl.u32 s1, $0x2  }
0xbb: {  	s3 =	sand.u32 $0x4000, s31;
	s1 =	sadd.s32 s1, s30  }
0xbc: {  	s0 =	sor.u32 s3, s0;
	s1 =	sshll.u32 s1, $0x11  }
0xbd: {  	s0 =	sor.u32 s1, s0  }
0xbe: {  	s0 =	sadd.s32 $0x8F2B, s0  }
0xbf: {  	[sflag:s0] =	ssyncadd.remote.s32 $0x1  }
0xc0: {  	_ =	sfence.sel $0xFFFF  }
0xc1: {  	[dreg:$0x0] =	wrdreg $0xFFFFFFFF;
	(pc) =	sbr.abs _section_cstart, $3  }
0xc2: {  	[dreg:$0x1] =	wrdreg $0xFFFFFFFF  }
0xc3: {  	_ =	task.clear_ibuf [dreg:s7], $0x2FFFF;
	_ =	strace $0x9FFFFFFF  }
0xc4: {  	(tm) =	ssettm $0x7FFFFFFF  }
0xc5: {  	_ =	shalt  }
tec
execute0_lowered:
.L_overlay_start_1:
0x0: {  	(tag) =	ssettag $0x1  }
0x1: {  	s5 =	rddreg [dreg:$0x0]  }
0x2: {  	s7 =	rddreg [dreg:$0x1]  }
0x3: {  	s2 =	rddreg [dreg:$0x2]  }
0x4: {  	s3 =	rddreg [dreg:$0x3]  }
0x5: {  	s4 =	simm.s32 $0x0;
	s1 =	stileid.u32;
	s6 =	srdreg.scid  }
0x6: {  	s18 =	simm.s32 $0x80;
	s19 =	simm.s32 $0x5000;
	s20 =	simm.s32 $0x7000  }
0x7: {  	s21 =	simm.s32 $0x1;
	s22 =	simm.s32 $0x2;
	s23 =	simm.s32 $0x2780  }
0x8: {  	s24 =	simm.s32 $0x4F00;
	s25 =	simm.s32 $0x4F80;
	s26 =	simm.s32 $0x0  }
0x9: {  	s8 =	smul.u32 $0xA000, s1;
	s6 =	sand.u32 $0x1, s6;
	s9 =	sshll.u32 s1, $0x1  }
0xa: {  	[smem:$0x7FF] =	sst s4;
	s15 =	sshll.u32 s1, $0x6;
	s9 =	sor.u32 s6, s9  }
0xb: {  	s10 =	smul.u32 $0x140000, s6;
	_ =	strace $0x8000004A;
	s6 =	ssub.s32 $0x2, s6  }
0xc: {  	s15 =	sor.u32 $0x1C03, s15;
	s11 =	sshrl.u32 s8, $0x3;
	s9 =	smul.u32 $0x500, s9  }
0xd: {  	s13 =	sshrl.u32 s6, $0x1;
	s16 =	sadd.s32 s8, s2;
	s17 =	sadd.s32 s8, s3  }
0xe: {  	s12 =	sadd.s32 s11, s5;
	s10 =	sadd.s32 s8, s10;
	s13 =	ssub.s32 s6, s13  }
0xf: {  	s7 =	sadd.s32 s7, s11;
	s16 =	sshrl.u32 s16, $0x3;
	s17 =	sshrl.u32 s17, $0x3  }
0x10: {  	s9 =	sadd.s32 s9, s5;
	s10 =	sshrl.u32 s10, $0x3;
	s8 =	sadd.s32 $0x65600, s12  }
0x11: {  	s14 =	sadd.s32 s10, s5;
	s5 =	sadd.s32 $0xB600, s9;
	s6 =	sadd.s32 $0x1600, s9  }
0x12: {  	s10 =	sadd.s32 $0x79600, s12;
	s12 =	smax.u32 s13, $0x1;
	s13 =	simm.s32 $0x3  }
0x13: {  	s9 =	sadd.s32 $0x15600, s14;
	s11 =	sadd.s32 $0x29600, s14;
	s14 =	simm.s32 $0x2800  }
.LBB2_1:
0x14: {  	[tilespmem:s4], [sflag:$0x3] =	stream.linear.gather [hbm4b:s5+s4], $0x2800, $0x38;
	[tilespmem:$0x1D000] =	vst v63  }
0x15: {  	_ =	swait.ge [sflag:s13], $0x2800  }
0x16: {  	[sflag:s13] =	ssyncset.done $0x0  }
0x17: {  	[sflag:s13] =	ssyncadd.s32 $0xFFFFD800  }
0x18: {  	[tilespmem:s14], [sflag:$0x3] =	stream.linear.gather [hbm4b:s6+s4], $0x2800, $0x38;
	[tilespmem:$0x1D000] =	vst v63  }
0x19: {  	_ =	swait.ge [sflag:s13], $0x2800  }
0x1a: {  	[sflag:s13] =	ssyncset.done $0x0  }
0x1b: {  	[sflag:s13] =	ssyncadd.s32 $0xFFFFD800  }
0x1c: {  	[spmem:s16], [sflag:s15] =	dma.local [hbm:s7], $0x1400  }
0x1d: {  	_ =	swait.ge [sflag:s13], $0x1400  }
0x1e: {  	[sflag:s13] =	ssyncset.done $0x0  }
0x1f: {  	[sflag:s13] =	ssyncadd.s32 $0xFFFFEC00  }
0x20: {  	[spmem:s17], [sflag:s15] =	dma.local [hbm:s8], $0x1400  }
0x21: {  	_ =	swait.ge [sflag:s13], $0x1400  }
0x22: {  	[sflag:s13] =	ssyncset.done $0x0  }
0x23: {  	[sflag:s13] =	ssyncadd.s32 $0xFFFFEC00  }
0x24: {  	[bflag:$0x0] =	sbarrier.arrive $0xFFFF  }
0x25: {  	[tilespmem:s19], [sflag:$0x1] =	stream.indirect.gather [spmem:s3], $0x40, s4, s18, $0xb8;
	[tilespmem:$0x1D000] =	vst v63  }
0x26: {  	s28 =	simm.s32 $0x80  }
0x27: {  	[tilespmem:s20], [sflag:$0x2] =	stream.indirect.gather [spmem:s3], $0x40, s28, s18, $0xb8;
	[tilespmem:$0x1D000] =	vst v63  }
0x28: {  	_ =	swait.ge [sflag:s21], $0x2000  }
0x29: {  	[sflag:s21] =	ssyncset.done $0x0  }
0x2a: {  	s28 =	simm.s32 $0x2800;
	[sflag:s21] =	ssyncadd.s32 $0xFFFFE000  }
0x2b: {  	[spmem:s2] =	stream.indirect.scatter.add.f32 [tilespmem:s19], [sflag:$0x3], $0x40, s28, s18, $0xb8;
	[tilespmem:$0x1D000] =	vst v63  }
0x2c: {  	_ =	swait.ge [sflag:s13], $0x2000  }
0x2d: {  	[sflag:s13] =	ssyncset.done $0x0  }
0x2e: {  	s28 =	simm.s32 $0x100;
	[sflag:s13] =	ssyncadd.s32 $0xFFFFE000  }
0x2f: {  	[tilespmem:s19], [sflag:$0x1] =	stream.indirect.gather [spmem:s3], $0x40, s28, s18, $0xb8;
	[tilespmem:$0x1D000] =	vst v63  }
0x30: {  	_ =	swait.ge [sflag:s22], $0x2000  }
0x31: {  	[sflag:s22] =	ssyncset.done $0x0  }
0x32: {  	s28 =	simm.s32 $0x2880;
	[sflag:s22] =	ssyncadd.s32 $0xFFFFE000  }
0x33: {  	[spmem:s2] =	stream.indirect.scatter.add.f32 [tilespmem:s20], [sflag:$0x3], $0x40, s28, s18, $0xb8;
	[tilespmem:$0x1D000] =	vst v63  }
0x34: {  	_ =	swait.ge [sflag:s13], $0x2000  }
0x35: {  	s29 =	simm.s32 $0x800;
	s28 =	simm.s32 $0x100;
	[sflag:s13] =	ssyncset.done $0x0  }
.LBB2_2:
0x36: {  	s30 =	sadd.s32 $0x80, s28  }
0x37: {  	[sflag:s13] =	ssyncadd.s32 $0xFFFFE000;
	s31 =	smov.u32 s29;
	s0 =	sadd.s32 $0x400, s29  }
0x38: {  	[tilespmem:s20], [sflag:$0x2] =	stream.indirect.gather [spmem:s3], $0x40, s30, s18, $0xb8;
	[tilespmem:$0x1D000] =	vst v63  }
0x39: {  	p0 =	sne.s32 s29, $0x9800;
	_ =	swait.ge [sflag:s21], $0x2000  }
0x3a: {  	[sflag:s21] =	ssyncset.done $0x0  }
0x3b: {  	s29 =	sadd.s32 $0x2800, s28;
	[sflag:s21] =	ssyncadd.s32 $0xFFFFE000  }
0x3c: {  	[spmem:s2] =	stream.indirect.scatter.add.f32 [tilespmem:s19], [sflag:$0x3], $0x40, s29, s18, $0xb8;
	[tilespmem:$0x1D000] =	vst v63  }
0x3d: {  	_ =	swait.ge [sflag:s13], $0x2000  }
0x3e: {  	[sflag:s13] =	ssyncset.done $0x0  }
0x3f: {  	s29 =	sadd.s32 $0x100, s28;
	[sflag:s13] =	ssyncadd.s32 $0xFFFFE000  }
0x40: {  	[tilespmem:s19], [sflag:$0x1] =	stream.indirect.gather [spmem:s3], $0x40, s29, s18, $0xb8;
	[tilespmem:$0x1D000] =	vst v63  }
0x41: {  	_ =	swait.ge [sflag:s22], $0x2000  }
.Ltmp0:
0x42: {  	[sflag:s22] =	ssyncset.done $0x0;
	(pc) =	sbr.rel @p0 .LBB2_2-.Ltmp0, $4  }
0x43: {  	s28 =	sadd.s32 $0x2880, s28;
	[sflag:s22] =	ssyncadd.s32 $0xFFFFE000  }
0x44: {  	[spmem:s2] =	stream.indirect.scatter.add.f32 [tilespmem:s20], [sflag:$0x3], $0x40, s28, s18, $0xb8;
	[tilespmem:$0x1D000] =	vst v63  }
0x45: {  	_ =	swait.ge [sflag:s13], $0x2000  }
0x46: {  	s29 =	smov.u32 s0;
	s28 =	sshra.s32 s31, $0x2;
	[sflag:s13] =	ssyncset.done $0x0  }
0x47: {  	s0 =	sadd.s32 $0x80, s28;
	[sflag:s13] =	ssyncadd.s32 $0xFFFFE000  }
0x48: {  	[tilespmem:s20], [sflag:$0x2] =	stream.indirect.gather [spmem:s3], $0x40, s0, s18, $0xb8;
	[tilespmem:$0x1D000] =	vst v63  }
0x49: {  	_ =	swait.ge [sflag:s21], $0x2000  }
0x4a: {  	[sflag:s21] =	ssyncset.done $0x0  }
0x4b: {  	s30 =	sadd.s32 $0x2800, s28;
	[sflag:s21] =	ssyncadd.s32 $0xFFFFE000  }
0x4c: {  	[spmem:s2] =	stream.indirect.scatter.add.f32 [tilespmem:s19], [sflag:$0x3], $0x40, s30, s18, $0xb8;
	[tilespmem:$0x1D000] =	vst v63  }
0x4d: {  	_ =	swait.ge [sflag:s13], $0x2000  }
0x4e: {  	[sflag:s13] =	ssyncset.done $0x0  }
0x4f: {  	s31 =	sadd.s32 $0x100, s28;
	[sflag:s13] =	ssyncadd.s32 $0xFFFFE000  }
0x50: {  	[tilespmem:s19], [sflag:$0x1] =	stream.indirect.gather [spmem:s3], $0x40, s31, s18, $0xb8;
	[tilespmem:$0x1D000] =	vst v63  }
0x51: {  	_ =	swait.ge [sflag:s22], $0x2000  }
0x52: {  	[sflag:s22] =	ssyncset.done $0x0  }
0x53: {  	s30 =	sadd.s32 $0x2880, s28;
	[sflag:s22] =	ssyncadd.s32 $0xFFFFE000  }
0x54: {  	[spmem:s2] =	stream.indirect.scatter.add.f32 [tilespmem:s20], [sflag:$0x3], $0x40, s30, s18, $0xb8;
	[tilespmem:$0x1D000] =	vst v63  }
0x55: {  	_ =	swait.ge [sflag:s13], $0x2000  }
0x56: {  	[sflag:s13] =	ssyncset.done $0x0  }
0x57: {  	[sflag:s13] =	ssyncadd.s32 $0xFFFFE000  }
0x58: {  	[tilespmem:s20], [sflag:$0x2] =	stream.indirect.gather [spmem:s3], $0x40, s23, s18, $0xb8;
	[tilespmem:$0x1D000] =	vst v63  }
0x59: {  	_ =	swait.ge [sflag:s21], $0x2000  }
0x5a: {  	[sflag:s21] =	ssyncset.done $0x0  }
0x5b: {  	[sflag:s21] =	ssyncadd.s32 $0xFFFFE000  }
0x5c: {  	[spmem:s2] =	stream.indirect.scatter.add.f32 [tilespmem:s19], [sflag:$0x3], $0x40, s24, s18, $0xb8;
	[tilespmem:$0x1D000] =	vst v63  }
0x5d: {  	_ =	swait.ge [sflag:s13], $0x2000  }
0x5e: {  	[sflag:s13] =	ssyncset.done $0x0  }
0x5f: {  	[sflag:s13] =	ssyncadd.s32 $0xFFFFE000  }
0x60: {  	_ =	swait.ge [sflag:s22], $0x2000  }
0x61: {  	[sflag:s22] =	ssyncset.done $0x0  }
0x62: {  	[sflag:s22] =	ssyncadd.s32 $0xFFFFE000  }
0x63: {  	[spmem:s2] =	stream.indirect.scatter.add.f32 [tilespmem:s20], [sflag:$0x3], $0x40, s25, s18, $0xb8;
	[tilespmem:$0x1D000] =	vst v63  }
0x64: {  	_ =	swait.ge [sflag:s13], $0x2000  }
0x65: {  	[sflag:s13] =	ssyncset.done $0x0  }
0x66: {  	[sflag:s13] =	ssyncadd.s32 $0xFFFFE000  }
0x67: {  	[bflag:$0x0] =	sbarrier.arrive $0xFFFF  }
0x68: {  	[hbm:s9], [sflag:s15] =	dma.local [spmem:s16], $0x1400  }
0x69: {  	_ =	swait.ge [sflag:s13], $0x1400  }
0x6a: {  	[sflag:s13] =	ssyncset.done $0x0  }
0x6b: {  	[sflag:s13] =	ssyncadd.s32 $0xFFFFEC00  }
0x6c: {  	[spmem:s16], [sflag:s15] =	dma.local [hbm:s7], $0x1400  }
0x6d: {  	_ =	swait.ge [sflag:s13], $0x1400  }
0x6e: {  	[sflag:s13] =	ssyncset.done $0x0  }
0x6f: {  	[sflag:s13] =	ssyncadd.s32 $0xFFFFEC00  }
0x70: {  	[spmem:s17], [sflag:s15] =	dma.local [hbm:s10], $0x1400  }
0x71: {  	_ =	swait.ge [sflag:s13], $0x1400  }
0x72: {  	[sflag:s13] =	ssyncset.done $0x0  }
0x73: {  	[sflag:s13] =	ssyncadd.s32 $0xFFFFEC00  }
0x74: {  	s31 =	simm.s32 $0x0;
	[bflag:$0x0] =	sbarrier.arrive $0xFFFF  }
0x75: {  	[tilespmem:s19], [sflag:$0x1] =	stream.indirect.gather [spmem:s3], $0x40, s31, s18, $0xb8;
	[tilespmem:$0x1D000] =	vst v63  }
0x76: {  	s30 =	simm.s32 $0x80  }
0x77: {  	[tilespmem:s20], [sflag:$0x2] =	stream.indirect.gather [spmem:s3], $0x40, s30, s18, $0xb8;
	[tilespmem:$0x1D000] =	vst v63  }
0x78: {  	_ =	swait.ge [sflag:s21], $0x2000  }
0x79: {  	[sflag:s21] =	ssyncset.done $0x0  }
0x7a: {  	s31 =	simm.s32 $0x2800;
	[sflag:s21] =	ssyncadd.s32 $0xFFFFE000  }
0x7b: {  	[spmem:s2] =	stream.indirect.scatter.add.f32 [tilespmem:s19], [sflag:$0x3], $0x40, s31, s18, $0xb8;
	[tilespmem:$0x1D000] =	vst v63  }
0x7c: {  	_ =	swait.ge [sflag:s13], $0x2000  }
0x7d: {  	[sflag:s13] =	ssyncset.done $0x0  }
0x7e: {  	s30 =	simm.s32 $0x100;
	[sflag:s13] =	ssyncadd.s32 $0xFFFFE000  }
0x7f: {  	[tilespmem:s19], [sflag:$0x1] =	stream.indirect.gather [spmem:s3], $0x40, s30, s18, $0xb8;
	[tilespmem:$0x1D000] =	vst v63  }
0x80: {  	_ =	swait.ge [sflag:s22], $0x2000  }
0x81: {  	[sflag:s22] =	ssyncset.done $0x0  }
0x82: {  	s31 =	simm.s32 $0x2880;
	[sflag:s22] =	ssyncadd.s32 $0xFFFFE000  }
0x83: {  	[spmem:s2] =	stream.indirect.scatter.add.f32 [tilespmem:s20], [sflag:$0x3], $0x40, s31, s18, $0xb8;
	[tilespmem:$0x1D000] =	vst v63  }
0x84: {  	_ =	swait.ge [sflag:s13], $0x2000  }
0x85: {  	s29 =	simm.s32 $0x800;
	s28 =	simm.s32 $0x100;
	[sflag:s13] =	ssyncset.done $0x0  }
.LBB2_4:
0x86: {  	s0 =	sadd.s32 $0x80, s28  }
0x87: {  	[sflag:s13] =	ssyncadd.s32 $0xFFFFE000;
	s30 =	smov.u32 s29;
	s31 =	sadd.s32 $0x400, s29  }
0x88: {  	[tilespmem:s20], [sflag:$0x2] =	stream.indirect.gather [spmem:s3], $0x40, s0, s18, $0xb8;
	[tilespmem:$0x1D000] =	vst v63  }
0x89: {  	p0 =	sne.s32 s29, $0x9800;
	_ =	swait.ge [sflag:s21], $0x2000  }
0x8a: {  	[sflag:s21] =	ssyncset.done $0x0  }
0x8b: {  	s0 =	sadd.s32 $0x2800, s28;
	[sflag:s21] =	ssyncadd.s32 $0xFFFFE000  }
0x8c: {  	[spmem:s2] =	stream.indirect.scatter.add.f32 [tilespmem:s19], [sflag:$0x3], $0x40, s0, s18, $0xb8;
	[tilespmem:$0x1D000] =	vst v63  }
0x8d: {  	_ =	swait.ge [sflag:s13], $0x2000  }
0x8e: {  	[sflag:s13] =	ssyncset.done $0x0  }
0x8f: {  	s0 =	sadd.s32 $0x100, s28;
	[sflag:s13] =	ssyncadd.s32 $0xFFFFE000  }
0x90: {  	[tilespmem:s19], [sflag:$0x1] =	stream.indirect.gather [spmem:s3], $0x40, s0, s18, $0xb8;
	[tilespmem:$0x1D000] =	vst v63  }
0x91: {  	_ =	swait.ge [sflag:s22], $0x2000  }
.Ltmp1:
0x92: {  	[sflag:s22] =	ssyncset.done $0x0;
	(pc) =	sbr.rel @p0 .LBB2_4-.Ltmp1, $4  }
0x93: {  	s0 =	sadd.s32 $0x2880, s28;
	[sflag:s22] =	ssyncadd.s32 $0xFFFFE000  }
0x94: {  	[spmem:s2] =	stream.indirect.scatter.add.f32 [tilespmem:s20], [sflag:$0x3], $0x40, s0, s18, $0xb8;
	[tilespmem:$0x1D000] =	vst v63  }
0x95: {  	_ =	swait.ge [sflag:s13], $0x2000  }
0x96: {  	s29 =	smov.u32 s31;
	s28 =	sshra.s32 s30, $0x2;
	[sflag:s13] =	ssyncset.done $0x0  }
0x97: {  	s0 =	sadd.s32 $0x80, s28;
	[sflag:s13] =	ssyncadd.s32 $0xFFFFE000  }
0x98: {  	[tilespmem:s20], [sflag:$0x2] =	stream.indirect.gather [spmem:s3], $0x40, s0, s18, $0xb8;
	[tilespmem:$0x1D000] =	vst v63  }
0x99: {  	_ =	swait.ge [sflag:s21], $0x2000  }
0x9a: {  	[sflag:s21] =	ssyncset.done $0x0  }
0x9b: {  	s29 =	sadd.s32 $0x2800, s28;
	[sflag:s21] =	ssyncadd.s32 $0xFFFFE000  }
0x9c: {  	[spmem:s2] =	stream.indirect.scatter.add.f32 [tilespmem:s19], [sflag:$0x3], $0x40, s29, s18, $0xb8;
	[tilespmem:$0x1D000] =	vst v63  }
0x9d: {  	_ =	swait.ge [sflag:s13], $0x2000  }
0x9e: {  	[sflag:s13] =	ssyncset.done $0x0  }
0x9f: {  	s30 =	sadd.s32 $0x100, s28;
	[sflag:s13] =	ssyncadd.s32 $0xFFFFE000  }
0xa0: {  	[tilespmem:s19], [sflag:$0x1] =	stream.indirect.gather [spmem:s3], $0x40, s30, s18, $0xb8;
	[tilespmem:$0x1D000] =	vst v63  }
0xa1: {  	_ =	swait.ge [sflag:s22], $0x2000  }
0xa2: {  	[sflag:s22] =	ssyncset.done $0x0  }
0xa3: {  	s31 =	sadd.s32 $0x2880, s28;
	[sflag:s22] =	ssyncadd.s32 $0xFFFFE000  }
0xa4: {  	[spmem:s2] =	stream.indirect.scatter.add.f32 [tilespmem:s20], [sflag:$0x3], $0x40, s31, s18, $0xb8;
	[tilespmem:$0x1D000] =	vst v63  }
0xa5: {  	_ =	swait.ge [sflag:s13], $0x2000  }
0xa6: {  	[sflag:s13] =	ssyncset.done $0x0  }
0xa7: {  	[sflag:s13] =	ssyncadd.s32 $0xFFFFE000  }
0xa8: {  	[tilespmem:s20], [sflag:$0x2] =	stream.indirect.gather [spmem:s3], $0x40, s23, s18, $0xb8;
	[tilespmem:$0x1D000] =	vst v63  }
0xa9: {  	_ =	swait.ge [sflag:s21], $0x2000  }
0xaa: {  	[sflag:s21] =	ssyncset.done $0x0  }
0xab: {  	[sflag:s21] =	ssyncadd.s32 $0xFFFFE000  }
0xac: {  	[spmem:s2] =	stream.indirect.scatter.add.f32 [tilespmem:s19], [sflag:$0x3], $0x40, s24, s18, $0xb8;
	[tilespmem:$0x1D000] =	vst v63  }
0xad: {  	_ =	swait.ge [sflag:s13], $0x2000  }
0xae: {  	[sflag:s13] =	ssyncset.done $0x0  }
0xaf: {  	[sflag:s13] =	ssyncadd.s32 $0xFFFFE000  }
0xb0: {  	_ =	swait.ge [sflag:s22], $0x2000  }
0xb1: {  	[sflag:s22] =	ssyncset.done $0x0  }
0xb2: {  	[sflag:s22] =	ssyncadd.s32 $0xFFFFE000  }
0xb3: {  	[spmem:s2] =	stream.indirect.scatter.add.f32 [tilespmem:s20], [sflag:$0x3], $0x40, s25, s18, $0xb8;
	[tilespmem:$0x1D000] =	vst v63  }
0xb4: {  	_ =	swait.ge [sflag:s13], $0x2000  }
0xb5: {  	s26 =	sadd.s32 $0x1, s26;
	[sflag:s13] =	ssyncset.done $0x0  }
0xb6: {  	p0 =	sne.s32 s26, s12;
	[sflag:s13] =	ssyncadd.s32 $0xFFFFE000  }
.Ltmp2:
0xb7: {  	[bflag:$0x0] =	sbarrier.arrive $0xFFFF;
	(pc) =	sbr.rel @p0 .LBB2_1-.Ltmp2, $4  }
0xb8: {  	[hbm:s11], [sflag:s15] =	dma.local [spmem:s16], $0x1400  }
0xb9: {  	_ =	swait.ge [sflag:s13], $0x1400  }
0xba: {  	[sflag:s13] =	ssyncset.done $0x0  }
0xbb: {  	[sflag:s13] =	ssyncadd.s32 $0xFFFFEC00  }
0xbc: {  	_ =	sfence.sel $0x180000  }
0xbd: {  	[bflag:$0x0] =	sbarrier.arrive $0xFFFF  }
0xbe: {  	_ =	strace $0x9000004A  }
0xbf: {  	[bflag:$0x2] =	sbarrier.arrive $0xFFFF  }
0xc0: {  	p0 =	sne.s32 s1, $0x0;
	s0 =	rddreg [dreg:$0x4]  }
0xc1: {  	s0 =	sadd.s32 @!p0 $0x100000, s0  }
0xc2: {  	[sflag:s0] =	ssyncadd.tile.s32 @!p0 $0x1;
	_ =	shalt  }
.Lfunc_end2:
_tile_overlayer_lowered:
.L_overlay_start_2:
0xc3: {  	(tag) =	ssettag $0x2  }
0xc4: {  	s0 =	rddreg [dreg:$0x0];
	s2 =	stileid.u32  }
0xc5: {  	s1 =	rddreg [dreg:$0x1];
	p0 =	sne.s32 s2, $0x0  }
0xc6: {  	s3 =	rddreg [dreg:$0x2];
	[bflag:$0x3] =	sbarrier.arrive $0xFFFF;
	s2 =	simm.s32 @!p0 $0x1C03  }
0xc7: {  	[timem:s3], [sflag:s2] =	dma.local @!p0 [hbm:s0], s1  }
0xc8: {  	s0 =	simm.s32 @!p0 $0x3  }
0xc9: {  	_ =	swait.ge @!p0 [sflag:s0], s1  }
0xca: {  	s1 =	ssub.s32 @!p0 $0x0, s1;
	[sflag:s0] =	ssyncset.done @!p0 $0x0  }
0xcb: {  	[sflag:s0] =	ssyncadd.s32 @!p0 s1  }
0xcc: {  	[bflag:$0x3] =	sbarrier.arrive $0xFFFF  }
0xcd: {  	_ =	shalt  }

// kernel: kernel.14.cloned.1.call-start
scs
__scs_entry_jumppad:
0x0: {  	(pc) =	sbr.rel $0x88, $3  }
0x1: {  	(tag) =	ssettag $0x0;
	lr =	simm.s32 $0x1  }
0x2: {  	[smem:$0x3F9B] =	sst lr;
	_ =	strace $0xD0000000  }
0x3: {  	_ = 	snop  }
0x4: {  	_ = 	snop  }
0x5: {  	_ = 	snop  }
0x6: {  	_ = 	snop  }
0x7: {  	_ = 	snop  }
__scs_overlays_trampoline_lowered:
0x8: {  	[smem:$0x3FAA] =	sst s0  }
0x9: {  	[smem:$0x3FAB] =	sst s1  }
0xa: {  	[smem:$0x3FAC] =	sst s2  }
0xb: {  	[smem:$0x3FAD] =	sst s3  }
0xc: {  	[smem:$0x3FAE] =	sst s4  }
0xd: {  	[smem:$0x3FAF] =	sst s5  }
0xe: {  	[smem:$0x3FB0] =	sst s6  }
0xf: {  	[smem:$0x3FB1] =	sst s7  }
0x10: {  	[smem:$0x3FB2] =	sst s8  }
0x11: {  	[smem:$0x3FB3] =	sst s9;
	s0 =	simm.s32 @!p0 $0x0  }
0x12: {  	s1 =	sld [smem:$0x3F99];
	s0 =	simm.s32 @p0 $0x1  }
0x13: {  	[smem:$0x3FB4] =	sst s0;
	s0 =	simm.s32 @!p1 $0x0  }
0x14: {  	s2 =	sld [smem:$0x3F98];
	s0 =	simm.s32 @p1 $0x1  }
0x15: {  	[smem:$0x3FB5] =	sst s0;
	s0 =	simm.s32 @!p2 $0x0  }
0x16: {  	s3 =	sld [smem:$0x3FDB];
	s0 =	simm.s32 @p2 $0x1  }
0x17: {  	s4 =	simm.s32 $0x1BF5;
	[smem:$0x3FB7] =	sst s0  }
0x18: {  	s0 =	sld [smem:$0x3F9A];
	_ =	swait.ge [sflag:s4], $0x0  }
0x19: {  	s7 =	sld [smem:$0x3F9B]  }
0x1a: {  	s8 =	sadd.s32 $0xFFFFE003, lr  }
0x1b: {  	s9 =	sadd.s32 $0xFFFFFEF7, lr;
	s5 =	simm.s32 $0xFFFFFFFF;
	p2 =	slt.u32 s8, $0xFFFFF086  }
0x1c: {  	p1 =	slt.u32 s9, $0xF7A;
	s5 =	simm.s32 @!p2 $0x0  }
0x1d: {  	s5 =	simm.s32 @p1 $0x1;
	p0 =	seq.s32 s7, s2  }
0x1e: {  	s7 =	smul.u32 @!p0 $0xF7A, s2;
	p2 =	seq.s32 @!p0 s5, $0x0  }
0x1f: {  	s9 =	smul.u32 $0xF7A, s1;
	s8 =	simm.s32 @!p0 $0x1BF5;
	p2 =	por !p2, p0  }
0x20: {  	[sflag:s8] =	ssyncset.s32 @!p0 $0xFFFFF086;
	s6 =	sadd.s32 @!p0 s3, s7;
	s7 =	simm.s32 @!p0 $0x108  }
0x21: {  	s3 =	sadd.s32 s3, s9;
	s6 =	sadd.s32 @!p0 $0x88, s6;
	s7 =	simm.s32 @p2 $0x1082  }
0x22: {  	[simem:s7], [sflag:s8] =	dma.local @!p0 [hbm:s6], $0xF7A  }
0x23: {  	s9 =	sor.u32 $0xD0000000, s2;
	s6 =	simm.s32 $0x108;
	_ =	swait.ge @!p0 [sflag:s8], $0x0  }
0x24: {  	s3 =	sadd.s32 $0x88, s3;
	s6 =	simm.s32 @!p1 $0x1082;
	[sflag:s4] =	ssyncset.s32 $0xFFFFF086  }
0x25: {  	[simem:s6], [sflag:s4] =	dma.local [hbm:s3], $0xF7A  }
0x26: {  	[smem:$0x3F9B] =	sst s1;
	(tag) =	ssettag s2;
	_ =	strace s9  }
0x27: {  	s1 =	sld [smem:$0x3FAB]  }
0x28: {  	s2 =	sld [smem:$0x3FAC]  }
0x29: {  	s4 =	sld [smem:$0x3FAE]  }
0x2a: {  	p0 =	seq.s32 s5, $0x0;
	s5 =	sld [smem:$0x3FAF]  }
0x2b: {  	s6 =	sld [smem:$0x3FB0]  }
0x2c: {  	s7 =	sld [smem:$0x3FB1]  }
0x2d: {  	s3 =	simm.s32 $0x108;
	s8 =	sld [smem:$0x3FB2]  }
0x2e: {  	s3 =	simm.s32 @!p0 $0x1082;
	s9 =	sld [smem:$0x3FB3]  }
0x2f: {  	lr =	sadd.s32 s0, s3;
	s0 =	sld [smem:$0x3FAA]  }
0x30: {  	s3 =	sld [smem:$0x3FAD]  }
0x31: {  	[smem:$0x3FB6] =	sst s10  }
0x32: {  	s10 =	sld [smem:$0x3FB4];
	_ =	sdelay $0x3  }
0x33: {  	p0 =	seq.s32 s10, $0x1;
	s10 =	sld [smem:$0x3FB6];
	_ =	sdelay $0x3  }
0x34: {  	[smem:$0x3FB6] =	sst s10  }
0x35: {  	s10 =	sld [smem:$0x3FB5];
	_ =	sdelay $0x3  }
0x36: {  	p1 =	seq.s32 s10, $0x1;
	s10 =	sld [smem:$0x3FB6];
	_ =	sdelay $0x3  }
0x37: {  	[smem:$0x3FB6] =	sst s10  }
0x38: {  	s10 =	sld [smem:$0x3FB7]  }
0x39: {  	_ = 	snop;
	(pc) =	sbr.ind lr, $3  }
0x3a: {  	_ = 	snop  }
0x3b: {  	_ = 	snop  }
0x3c: {  	p2 =	seq.s32 s10, $0x1;
	s10 =	sld [smem:$0x3FB6]  }
0x3d: {  	_ =	shalt  }
0x3e: {  	_ =	shalt  }
0x3f: {  	_ =	shalt  }
0x40: {  	_ =	shalt  }
0x41: {  	_ =	shalt  }
0x42: {  	_ =	shalt  }
0x43: {  	_ =	shalt  }
0x44: {  	_ =	shalt  }
0x45: {  	_ =	shalt  }
0x46: {  	_ =	shalt  }
0x47: {  	_ =	shalt  }
0x48: {  	_ =	shalt  }
0x49: {  	_ =	shalt  }
0x4a: {  	_ =	shalt  }
0x4b: {  	_ =	shalt  }
0x4c: {  	_ =	shalt  }
0x4d: {  	_ =	shalt  }
0x4e: {  	_ =	shalt  }
0x4f: {  	_ =	shalt  }
0x50: {  	_ =	shalt  }
0x51: {  	_ =	shalt  }
0x52: {  	_ =	shalt  }
0x53: {  	_ =	shalt  }
0x54: {  	_ =	shalt  }
0x55: {  	_ =	shalt  }
0x56: {  	_ =	shalt  }
0x57: {  	_ =	shalt  }
0x58: {  	_ =	shalt  }
0x59: {  	_ =	shalt  }
0x5a: {  	_ =	shalt  }
0x5b: {  	_ =	shalt  }
0x5c: {  	_ =	shalt  }
0x5d: {  	_ =	shalt  }
0x5e: {  	_ =	shalt  }
0x5f: {  	_ =	shalt  }
0x60: {  	_ =	shalt  }
0x61: {  	_ =	shalt  }
0x62: {  	_ =	shalt  }
0x63: {  	_ =	shalt  }
0x64: {  	_ =	shalt  }
0x65: {  	_ =	shalt  }
0x66: {  	_ =	shalt  }
0x67: {  	_ =	shalt  }
0x68: {  	_ =	shalt  }
0x69: {  	_ =	shalt  }
0x6a: {  	_ =	shalt  }
0x6b: {  	_ =	shalt  }
0x6c: {  	_ =	shalt  }
0x6d: {  	_ =	shalt  }
0x6e: {  	_ =	shalt  }
0x6f: {  	_ =	shalt  }
0x70: {  	_ =	shalt  }
0x71: {  	_ =	shalt  }
0x72: {  	_ =	shalt  }
0x73: {  	_ =	shalt  }
0x74: {  	_ =	shalt  }
0x75: {  	_ =	shalt  }
0x76: {  	_ =	shalt  }
0x77: {  	_ =	shalt  }
0x78: {  	_ =	shalt  }
0x79: {  	_ =	shalt  }
0x7a: {  	_ =	shalt  }
0x7b: {  	_ =	shalt  }
0x7c: {  	_ =	shalt  }
0x7d: {  	_ =	shalt  }
0x7e: {  	_ =	shalt  }
0x7f: {  	_ =	shalt  }
0x80: {  	_ =	shalt  }
0x81: {  	_ =	shalt  }
0x82: {  	_ =	shalt  }
0x83: {  	_ =	shalt  }
0x84: {  	_ =	shalt  }
0x85: {  	_ =	shalt  }
0x86: {  	_ =	shalt  }
0x87: {  	_ =	shalt  }
.Lfunc_end0:
.L_simem_size_0:
called_computation.2_lowered:
.L_overlay_start_0:
0x88: {  	s2 =	sld [smem:$0x3FD9]  }
0x89: {  	s3 =	sld [smem:$0x3FFE];
	_ =	sdelay $0x1  }
0x8a: {  	s1 =	srdreg.scid  }
0x8b: {  	s0 =	sand.u32 $0x1, s1  }
0x8c: {  	s17 =	sshll.u32 s0, $0xA;
	s2 =	sadd.s32 s3, s2  }
0x8d: {  	s2 =	sadd.s32 s2, s17  }
0x8e: {  	[smem:$0x3FC2] =	sst s2  }
0x8f: {  	_ = 	snop  }
0x90: {  	s2 =	sld [smem:$0x3FD0];
	(tm) =	ssettm $0x1  }
0x91: {  	s18 =	sld [smem:$0x3FFB];
	_ =	sdelay $0x3  }
0x92: {  	_ =	strace s18  }
0x93: {  	s3 =	sld [smem:$0x3FFC];
	_ =	sdelay $0x3  }
0x94: {  	_ =	strace s3  }
0x95: {  	s3 =	sld [smem:$0x3FFD];
	_ =	sdelay $0x3  }
0x96: {  	_ =	strace s3  }
0x97: {  	_ =	strace $0x8FFFFFFF  }
0x98: {  	s19 =	sld [smem:$0x3FDB];
	_ =	sdelay $0x1  }
0x99: {  	s4 =	simm.s32 $_scs_section_size  }
0x9a: {  	s5 =	simm.s32 $_size__tile_overlayer_lowered;
	s6 =	simm.s32 $_tile_overlayer_lowered  }
0x9b: {  	s22 =	simm.s32 $0x1BFF;
	s21 =	sshll.u32 s6, $0x1;
	s3 =	sadd.s32 s4, s19  }
0x9c: {  	s7 =	simm.s32 $0x0;
	s20 =	sshll.u32 s5, $0x1;
	s5 =	sadd.s32 s21, s3  }
0x9d: {  	[timem:s7], [sflag:s22] =	dma.local [hbm:s5], s20  }
0x9e: {  	_ =	swait.ge [sflag:s22], s20  }
0x9f: {  	s4 =	ssub.s32 $0x0, s20;
	[sflag:s22] =	ssyncset.done $0x0  }
0xa0: {  	[sflag:s22] =	ssyncadd.s32 s4;
	_ =	sdelay $0x1  }
0xa1: {  	s23 =	simm.s32 $0x1B8B  }
0xa2: {  	_ =	swait.ge [sflag:s23], $0x1  }
0xa3: {  	[sflag:s23] =	ssyncset.done $0x0  }
0xa4: {  	s25 =	simm.s32 $0x1B8E;
	s24 =	sld [smem:$0x3FFE];
	[sflag:s23] =	ssyncadd.s32 $0xFFFFFFFF  }
0xa5: {  	s26 =	simm.s32 $execute0_lowered;
	[smem:$0x3FD2] =	sst s25  }
0xa6: {  	s5 =	sshll.u32 s26, $0x1;
	_ =	strace $0x8000004C;
	[dreg:$0x1] =	wrdreg $0xFFFFFFFF  }
0xa7: {  	s28 =	simm.s32 $_size_execute0_lowered;
	s3 =	sadd.s32 s3, s5;
	[dreg:$0x0] =	wrdreg $0x0  }
0xa8: {  	s5 =	sshll.u32 s28, $0x1;
	[dreg:$0x2] =	wrdreg s3  }
0xa9: {  	[dreg:$0x3] =	wrdreg s5  }
0xaa: {  	[dreg:$0x4] =	wrdreg $0xC0  }
0xab: {  	_ =	task [dreg:s7], $0x5FFFF  }
0xac: {  	[dreg:$0x1] =	wrdreg $0xFFFFFFFF  }
0xad: {  	[dreg:$0x0] =	wrdreg $0x60  }
0xae: {  	[dreg:$0x2] =	wrdreg s24  }
0xaf: {  	[dreg:$0x3] =	wrdreg s2  }
0xb0: {  	[dreg:$0x4] =	wrdreg $0x90000  }
0xb1: {  	[dreg:$0x5] =	wrdreg $0x130000  }
0xb2: {  	[dreg:$0x6] =	wrdreg $0x9  }
0xb3: {  	_ =	task.clear_ibuf [dreg:s7], $0x7FFFF;
	_ =	strace $0x9000004C  }
0xb4: {  	s29 =	simm.s32 $0x9;
	_ =	strace $0x8000004E  }
0xb5: {  	_ =	swait.ge [sflag:s29], $0x1  }
0xb6: {  	[sflag:s29] =	ssyncadd.s32 $0xFFFFFFFF  }
0xb7: {  	_ =	strace $0x9000004E  }
0xb8: {  	_ =	sfence  }
0xb9: {  	s30 =	sld [smem:$0x0];
	_ =	sdelay $0x2  }
0xba: {  	s31 =	sshll.u32 s1, $0xD;
	s1 =	sshrl.u32 s1, $0x2  }
0xbb: {  	s3 =	sand.u32 $0x4000, s31;
	s1 =	sadd.s32 s1, s30  }
0xbc: {  	s0 =	sor.u32 s3, s0;
	s1 =	sshll.u32 s1, $0x11  }
0xbd: {  	s0 =	sor.u32 s1, s0  }
0xbe: {  	s0 =	sadd.s32 $0x8F2B, s0  }
0xbf: {  	[sflag:s0] =	ssyncadd.remote.s32 $0x1  }
0xc0: {  	_ =	sfence.sel $0xFFFF  }
0xc1: {  	[dreg:$0x0] =	wrdreg $0xFFFFFFFF;
	(pc) =	sbr.abs _section_cstart, $3  }
0xc2: {  	[dreg:$0x1] =	wrdreg $0xFFFFFFFF  }
0xc3: {  	_ =	task.clear_ibuf [dreg:s7], $0x2FFFF;
	_ =	strace $0x9FFFFFFF  }
0xc4: {  	(tm) =	ssettm $0x7FFFFFFF  }
0xc5: {  	_ =	shalt  }
tec
execute0_lowered:
.L_overlay_start_1:
0x0: {  	(tag) =	ssettag $0x1  }
0x1: {  	s5 =	rddreg [dreg:$0x0]  }
0x2: {  	s7 =	rddreg [dreg:$0x1]  }
0x3: {  	s2 =	rddreg [dreg:$0x2]  }
0x4: {  	s3 =	rddreg [dreg:$0x3]  }
0x5: {  	s4 =	simm.s32 $0x0;
	s1 =	stileid.u32;
	s6 =	srdreg.scid  }
0x6: {  	s18 =	simm.s32 $0x80;
	s19 =	simm.s32 $0x5000;
	s20 =	simm.s32 $0x7000  }
0x7: {  	s21 =	simm.s32 $0x1;
	s22 =	simm.s32 $0x2;
	s23 =	simm.s32 $0x2780  }
0x8: {  	s24 =	simm.s32 $0x4F00;
	s25 =	simm.s32 $0x4F80;
	s26 =	simm.s32 $0x0  }
0x9: {  	s8 =	smul.u32 $0xA000, s1;
	s6 =	sand.u32 $0x1, s6;
	s9 =	sshll.u32 s1, $0x1  }
0xa: {  	[smem:$0x7FF] =	sst s4;
	s15 =	sshll.u32 s1, $0x6;
	s9 =	sor.u32 s6, s9  }
0xb: {  	s10 =	smul.u32 $0x140000, s6;
	_ =	strace $0x8000004D;
	s6 =	ssub.s32 $0x2, s6  }
0xc: {  	s15 =	sor.u32 $0x1C03, s15;
	s11 =	sshrl.u32 s8, $0x3;
	s9 =	smul.u32 $0x500, s9  }
0xd: {  	s13 =	sshrl.u32 s6, $0x1;
	s16 =	sadd.s32 s8, s2;
	s17 =	sadd.s32 s8, s3  }
0xe: {  	s12 =	sadd.s32 s11, s5;
	s10 =	sadd.s32 s8, s10;
	s13 =	ssub.s32 s6, s13  }
0xf: {  	s7 =	sadd.s32 s7, s11;
	s16 =	sshrl.u32 s16, $0x3;
	s17 =	sshrl.u32 s17, $0x3  }
0x10: {  	s9 =	sadd.s32 s9, s5;
	s10 =	sshrl.u32 s10, $0x3;
	s8 =	sadd.s32 $0x15600, s12  }
0x11: {  	s14 =	sadd.s32 s10, s5;
	s5 =	sadd.s32 $0xB600, s9;
	s6 =	sadd.s32 $0x1600, s9  }
0x12: {  	s10 =	sadd.s32 $0x29600, s12;
	s12 =	smax.u32 s13, $0x1;
	s13 =	simm.s32 $0x3  }
0x13: {  	s9 =	sadd.s32 $0x3D600, s14;
	s11 =	sadd.s32 $0x51600, s14;
	s14 =	simm.s32 $0x2800  }
.LBB2_1:
0x14: {  	[tilespmem:s4], [sflag:$0x3] =	stream.linear.gather [hbm4b:s5+s4], $0x2800, $0x38;
	[tilespmem:$0x1D000] =	vst v63  }
0x15: {  	_ =	swait.ge [sflag:s13], $0x2800  }
0x16: {  	[sflag:s13] =	ssyncset.done $0x0  }
0x17: {  	[sflag:s13] =	ssyncadd.s32 $0xFFFFD800  }
0x18: {  	[tilespmem:s14], [sflag:$0x3] =	stream.linear.gather [hbm4b:s6+s4], $0x2800, $0x38;
	[tilespmem:$0x1D000] =	vst v63  }
0x19: {  	_ =	swait.ge [sflag:s13], $0x2800  }
0x1a: {  	[sflag:s13] =	ssyncset.done $0x0  }
0x1b: {  	[sflag:s13] =	ssyncadd.s32 $0xFFFFD800  }
0x1c: {  	[spmem:s16], [sflag:s15] =	dma.local [hbm:s7], $0x1400  }
0x1d: {  	_ =	swait.ge [sflag:s13], $0x1400  }
0x1e: {  	[sflag:s13] =	ssyncset.done $0x0  }
0x1f: {  	[sflag:s13] =	ssyncadd.s32 $0xFFFFEC00  }
0x20: {  	[spmem:s17], [sflag:s15] =	dma.local [hbm:s8], $0x1400  }
0x21: {  	_ =	swait.ge [sflag:s13], $0x1400  }
0x22: {  	[sflag:s13] =	ssyncset.done $0x0  }
0x23: {  	[sflag:s13] =	ssyncadd.s32 $0xFFFFEC00  }
0x24: {  	[bflag:$0x0] =	sbarrier.arrive $0xFFFF  }
0x25: {  	[tilespmem:s19], [sflag:$0x1] =	stream.indirect.gather [spmem:s3], $0x40, s4, s18, $0xb8;
	[tilespmem:$0x1D000] =	vst v63  }
0x26: {  	s28 =	simm.s32 $0x80  }
0x27: {  	[tilespmem:s20], [sflag:$0x2] =	stream.indirect.gather [spmem:s3], $0x40, s28, s18, $0xb8;
	[tilespmem:$0x1D000] =	vst v63  }
0x28: {  	_ =	swait.ge [sflag:s21], $0x2000  }
0x29: {  	[sflag:s21] =	ssyncset.done $0x0  }
0x2a: {  	s28 =	simm.s32 $0x2800;
	[sflag:s21] =	ssyncadd.s32 $0xFFFFE000  }
0x2b: {  	[spmem:s2] =	stream.indirect.scatter.add.f32 [tilespmem:s19], [sflag:$0x3], $0x40, s28, s18, $0xb8;
	[tilespmem:$0x1D000] =	vst v63  }
0x2c: {  	_ =	swait.ge [sflag:s13], $0x2000  }
0x2d: {  	[sflag:s13] =	ssyncset.done $0x0  }
0x2e: {  	s28 =	simm.s32 $0x100;
	[sflag:s13] =	ssyncadd.s32 $0xFFFFE000  }
0x2f: {  	[tilespmem:s19], [sflag:$0x1] =	stream.indirect.gather [spmem:s3], $0x40, s28, s18, $0xb8;
	[tilespmem:$0x1D000] =	vst v63  }
0x30: {  	_ =	swait.ge [sflag:s22], $0x2000  }
0x31: {  	[sflag:s22] =	ssyncset.done $0x0  }
0x32: {  	s28 =	simm.s32 $0x2880;
	[sflag:s22] =	ssyncadd.s32 $0xFFFFE000  }
0x33: {  	[spmem:s2] =	stream.indirect.scatter.add.f32 [tilespmem:s20], [sflag:$0x3], $0x40, s28, s18, $0xb8;
	[tilespmem:$0x1D000] =	vst v63  }
0x34: {  	_ =	swait.ge [sflag:s13], $0x2000  }
0x35: {  	s29 =	simm.s32 $0x800;
	s28 =	simm.s32 $0x100;
	[sflag:s13] =	ssyncset.done $0x0  }
.LBB2_2:
0x36: {  	s30 =	sadd.s32 $0x80, s28  }
0x37: {  	[sflag:s13] =	ssyncadd.s32 $0xFFFFE000;
	s31 =	smov.u32 s29;
	s0 =	sadd.s32 $0x400, s29  }
0x38: {  	[tilespmem:s20], [sflag:$0x2] =	stream.indirect.gather [spmem:s3], $0x40, s30, s18, $0xb8;
	[tilespmem:$0x1D000] =	vst v63  }
0x39: {  	p0 =	sne.s32 s29, $0x9800;
	_ =	swait.ge [sflag:s21], $0x2000  }
0x3a: {  	[sflag:s21] =	ssyncset.done $0x0  }
0x3b: {  	s29 =	sadd.s32 $0x2800, s28;
	[sflag:s21] =	ssyncadd.s32 $0xFFFFE000  }
0x3c: {  	[spmem:s2] =	stream.indirect.scatter.add.f32 [tilespmem:s19], [sflag:$0x3], $0x40, s29, s18, $0xb8;
	[tilespmem:$0x1D000] =	vst v63  }
0x3d: {  	_ =	swait.ge [sflag:s13], $0x2000  }
0x3e: {  	[sflag:s13] =	ssyncset.done $0x0  }
0x3f: {  	s29 =	sadd.s32 $0x100, s28;
	[sflag:s13] =	ssyncadd.s32 $0xFFFFE000  }
0x40: {  	[tilespmem:s19], [sflag:$0x1] =	stream.indirect.gather [spmem:s3], $0x40, s29, s18, $0xb8;
	[tilespmem:$0x1D000] =	vst v63  }
0x41: {  	_ =	swait.ge [sflag:s22], $0x2000  }
.Ltmp0:
0x42: {  	[sflag:s22] =	ssyncset.done $0x0;
	(pc) =	sbr.rel @p0 .LBB2_2-.Ltmp0, $4  }
0x43: {  	s28 =	sadd.s32 $0x2880, s28;
	[sflag:s22] =	ssyncadd.s32 $0xFFFFE000  }
0x44: {  	[spmem:s2] =	stream.indirect.scatter.add.f32 [tilespmem:s20], [sflag:$0x3], $0x40, s28, s18, $0xb8;
	[tilespmem:$0x1D000] =	vst v63  }
0x45: {  	_ =	swait.ge [sflag:s13], $0x2000  }
0x46: {  	s29 =	smov.u32 s0;
	s28 =	sshra.s32 s31, $0x2;
	[sflag:s13] =	ssyncset.done $0x0  }
0x47: {  	s0 =	sadd.s32 $0x80, s28;
	[sflag:s13] =	ssyncadd.s32 $0xFFFFE000  }
0x48: {  	[tilespmem:s20], [sflag:$0x2] =	stream.indirect.gather [spmem:s3], $0x40, s0, s18, $0xb8;
	[tilespmem:$0x1D000] =	vst v63  }
0x49: {  	_ =	swait.ge [sflag:s21], $0x2000  }
0x4a: {  	[sflag:s21] =	ssyncset.done $0x0  }
0x4b: {  	s30 =	sadd.s32 $0x2800, s28;
	[sflag:s21] =	ssyncadd.s32 $0xFFFFE000  }
0x4c: {  	[spmem:s2] =	stream.indirect.scatter.add.f32 [tilespmem:s19], [sflag:$0x3], $0x40, s30, s18, $0xb8;
	[tilespmem:$0x1D000] =	vst v63  }
0x4d: {  	_ =	swait.ge [sflag:s13], $0x2000  }
0x4e: {  	[sflag:s13] =	ssyncset.done $0x0  }
0x4f: {  	s31 =	sadd.s32 $0x100, s28;
	[sflag:s13] =	ssyncadd.s32 $0xFFFFE000  }
0x50: {  	[tilespmem:s19], [sflag:$0x1] =	stream.indirect.gather [spmem:s3], $0x40, s31, s18, $0xb8;
	[tilespmem:$0x1D000] =	vst v63  }
0x51: {  	_ =	swait.ge [sflag:s22], $0x2000  }
0x52: {  	[sflag:s22] =	ssyncset.done $0x0  }
0x53: {  	s30 =	sadd.s32 $0x2880, s28;
	[sflag:s22] =	ssyncadd.s32 $0xFFFFE000  }
0x54: {  	[spmem:s2] =	stream.indirect.scatter.add.f32 [tilespmem:s20], [sflag:$0x3], $0x40, s30, s18, $0xb8;
	[tilespmem:$0x1D000] =	vst v63  }
0x55: {  	_ =	swait.ge [sflag:s13], $0x2000  }
0x56: {  	[sflag:s13] =	ssyncset.done $0x0  }
0x57: {  	[sflag:s13] =	ssyncadd.s32 $0xFFFFE000  }
0x58: {  	[tilespmem:s20], [sflag:$0x2] =	stream.indirect.gather [spmem:s3], $0x40, s23, s18, $0xb8;
	[tilespmem:$0x1D000] =	vst v63  }
0x59: {  	_ =	swait.ge [sflag:s21], $0x2000  }
0x5a: {  	[sflag:s21] =	ssyncset.done $0x0  }
0x5b: {  	[sflag:s21] =	ssyncadd.s32 $0xFFFFE000  }
0x5c: {  	[spmem:s2] =	stream.indirect.scatter.add.f32 [tilespmem:s19], [sflag:$0x3], $0x40, s24, s18, $0xb8;
	[tilespmem:$0x1D000] =	vst v63  }
0x5d: {  	_ =	swait.ge [sflag:s13], $0x2000  }
0x5e: {  	[sflag:s13] =	ssyncset.done $0x0  }
0x5f: {  	[sflag:s13] =	ssyncadd.s32 $0xFFFFE000  }
0x60: {  	_ =	swait.ge [sflag:s22], $0x2000  }
0x61: {  	[sflag:s22] =	ssyncset.done $0x0  }
0x62: {  	[sflag:s22] =	ssyncadd.s32 $0xFFFFE000  }
0x63: {  	[spmem:s2] =	stream.indirect.scatter.add.f32 [tilespmem:s20], [sflag:$0x3], $0x40, s25, s18, $0xb8;
	[tilespmem:$0x1D000] =	vst v63  }
0x64: {  	_ =	swait.ge [sflag:s13], $0x2000  }
0x65: {  	[sflag:s13] =	ssyncset.done $0x0  }
0x66: {  	[sflag:s13] =	ssyncadd.s32 $0xFFFFE000  }
0x67: {  	[bflag:$0x0] =	sbarrier.arrive $0xFFFF  }
0x68: {  	[hbm:s9], [sflag:s15] =	dma.local [spmem:s16], $0x1400  }
0x69: {  	_ =	swait.ge [sflag:s13], $0x1400  }
0x6a: {  	[sflag:s13] =	ssyncset.done $0x0  }
0x6b: {  	[sflag:s13] =	ssyncadd.s32 $0xFFFFEC00  }
0x6c: {  	[spmem:s16], [sflag:s15] =	dma.local [hbm:s7], $0x1400  }
0x6d: {  	_ =	swait.ge [sflag:s13], $0x1400  }
0x6e: {  	[sflag:s13] =	ssyncset.done $0x0  }
0x6f: {  	[sflag:s13] =	ssyncadd.s32 $0xFFFFEC00  }
0x70: {  	[spmem:s17], [sflag:s15] =	dma.local [hbm:s10], $0x1400  }
0x71: {  	_ =	swait.ge [sflag:s13], $0x1400  }
0x72: {  	[sflag:s13] =	ssyncset.done $0x0  }
0x73: {  	[sflag:s13] =	ssyncadd.s32 $0xFFFFEC00  }
0x74: {  	s31 =	simm.s32 $0x0;
	[bflag:$0x0] =	sbarrier.arrive $0xFFFF  }
0x75: {  	[tilespmem:s19], [sflag:$0x1] =	stream.indirect.gather [spmem:s3], $0x40, s31, s18, $0xb8;
	[tilespmem:$0x1D000] =	vst v63  }
0x76: {  	s30 =	simm.s32 $0x80  }
0x77: {  	[tilespmem:s20], [sflag:$0x2] =	stream.indirect.gather [spmem:s3], $0x40, s30, s18, $0xb8;
	[tilespmem:$0x1D000] =	vst v63  }
0x78: {  	_ =	swait.ge [sflag:s21], $0x2000  }
0x79: {  	[sflag:s21] =	ssyncset.done $0x0  }
0x7a: {  	s31 =	simm.s32 $0x2800;
	[sflag:s21] =	ssyncadd.s32 $0xFFFFE000  }
0x7b: {  	[spmem:s2] =	stream.indirect.scatter.add.f32 [tilespmem:s19], [sflag:$0x3], $0x40, s31, s18, $0xb8;
	[tilespmem:$0x1D000] =	vst v63  }
0x7c: {  	_ =	swait.ge [sflag:s13], $0x2000  }
0x7d: {  	[sflag:s13] =	ssyncset.done $0x0  }
0x7e: {  	s30 =	simm.s32 $0x100;
	[sflag:s13] =	ssyncadd.s32 $0xFFFFE000  }
0x7f: {  	[tilespmem:s19], [sflag:$0x1] =	stream.indirect.gather [spmem:s3], $0x40, s30, s18, $0xb8;
	[tilespmem:$0x1D000] =	vst v63  }
0x80: {  	_ =	swait.ge [sflag:s22], $0x2000  }
0x81: {  	[sflag:s22] =	ssyncset.done $0x0  }
0x82: {  	s31 =	simm.s32 $0x2880;
	[sflag:s22] =	ssyncadd.s32 $0xFFFFE000  }
0x83: {  	[spmem:s2] =	stream.indirect.scatter.add.f32 [tilespmem:s20], [sflag:$0x3], $0x40, s31, s18, $0xb8;
	[tilespmem:$0x1D000] =	vst v63  }
0x84: {  	_ =	swait.ge [sflag:s13], $0x2000  }
0x85: {  	s29 =	simm.s32 $0x800;
	s28 =	simm.s32 $0x100;
	[sflag:s13] =	ssyncset.done $0x0  }
.LBB2_4:
0x86: {  	s0 =	sadd.s32 $0x80, s28  }
0x87: {  	[sflag:s13] =	ssyncadd.s32 $0xFFFFE000;
	s30 =	smov.u32 s29;
	s31 =	sadd.s32 $0x400, s29  }
0x88: {  	[tilespmem:s20], [sflag:$0x2] =	stream.indirect.gather [spmem:s3], $0x40, s0, s18, $0xb8;
	[tilespmem:$0x1D000] =	vst v63  }
0x89: {  	p0 =	sne.s32 s29, $0x9800;
	_ =	swait.ge [sflag:s21], $0x2000  }
0x8a: {  	[sflag:s21] =	ssyncset.done $0x0  }
0x8b: {  	s0 =	sadd.s32 $0x2800, s28;
	[sflag:s21] =	ssyncadd.s32 $0xFFFFE000  }
0x8c: {  	[spmem:s2] =	stream.indirect.scatter.add.f32 [tilespmem:s19], [sflag:$0x3], $0x40, s0, s18, $0xb8;
	[tilespmem:$0x1D000] =	vst v63  }
0x8d: {  	_ =	swait.ge [sflag:s13], $0x2000  }
0x8e: {  	[sflag:s13] =	ssyncset.done $0x0  }
0x8f: {  	s0 =	sadd.s32 $0x100, s28;
	[sflag:s13] =	ssyncadd.s32 $0xFFFFE000  }
0x90: {  	[tilespmem:s19], [sflag:$0x1] =	stream.indirect.gather [spmem:s3], $0x40, s0, s18, $0xb8;
	[tilespmem:$0x1D000] =	vst v63  }
0x91: {  	_ =	swait.ge [sflag:s22], $0x2000  }
.Ltmp1:
0x92: {  	[sflag:s22] =	ssyncset.done $0x0;
	(pc) =	sbr.rel @p0 .LBB2_4-.Ltmp1, $4  }
0x93: {  	s0 =	sadd.s32 $0x2880, s28;
	[sflag:s22] =	ssyncadd.s32 $0xFFFFE000  }
0x94: {  	[spmem:s2] =	stream.indirect.scatter.add.f32 [tilespmem:s20], [sflag:$0x3], $0x40, s0, s18, $0xb8;
	[tilespmem:$0x1D000] =	vst v63  }
0x95: {  	_ =	swait.ge [sflag:s13], $0x2000  }
0x96: {  	s29 =	smov.u32 s31;
	s28 =	sshra.s32 s30, $0x2;
	[sflag:s13] =	ssyncset.done $0x0  }
0x97: {  	s0 =	sadd.s32 $0x80, s28;
	[sflag:s13] =	ssyncadd.s32 $0xFFFFE000  }
0x98: {  	[tilespmem:s20], [sflag:$0x2] =	stream.indirect.gather [spmem:s3], $0x40, s0, s18, $0xb8;
	[tilespmem:$0x1D000] =	vst v63  }
0x99: {  	_ =	swait.ge [sflag:s21], $0x2000  }
0x9a: {  	[sflag:s21] =	ssyncset.done $0x0  }
0x9b: {  	s29 =	sadd.s32 $0x2800, s28;
	[sflag:s21] =	ssyncadd.s32 $0xFFFFE000  }
0x9c: {  	[spmem:s2] =	stream.indirect.scatter.add.f32 [tilespmem:s19], [sflag:$0x3], $0x40, s29, s18, $0xb8;
	[tilespmem:$0x1D000] =	vst v63  }
0x9d: {  	_ =	swait.ge [sflag:s13], $0x2000  }
0x9e: {  	[sflag:s13] =	ssyncset.done $0x0  }
0x9f: {  	s30 =	sadd.s32 $0x100, s28;
	[sflag:s13] =	ssyncadd.s32 $0xFFFFE000  }
0xa0: {  	[tilespmem:s19], [sflag:$0x1] =	stream.indirect.gather [spmem:s3], $0x40, s30, s18, $0xb8;
	[tilespmem:$0x1D000] =	vst v63  }
0xa1: {  	_ =	swait.ge [sflag:s22], $0x2000  }
0xa2: {  	[sflag:s22] =	ssyncset.done $0x0  }
0xa3: {  	s31 =	sadd.s32 $0x2880, s28;
	[sflag:s22] =	ssyncadd.s32 $0xFFFFE000  }
0xa4: {  	[spmem:s2] =	stream.indirect.scatter.add.f32 [tilespmem:s20], [sflag:$0x3], $0x40, s31, s18, $0xb8;
	[tilespmem:$0x1D000] =	vst v63  }
0xa5: {  	_ =	swait.ge [sflag:s13], $0x2000  }
0xa6: {  	[sflag:s13] =	ssyncset.done $0x0  }
0xa7: {  	[sflag:s13] =	ssyncadd.s32 $0xFFFFE000  }
0xa8: {  	[tilespmem:s20], [sflag:$0x2] =	stream.indirect.gather [spmem:s3], $0x40, s23, s18, $0xb8;
	[tilespmem:$0x1D000] =	vst v63  }
0xa9: {  	_ =	swait.ge [sflag:s21], $0x2000  }
0xaa: {  	[sflag:s21] =	ssyncset.done $0x0  }
0xab: {  	[sflag:s21] =	ssyncadd.s32 $0xFFFFE000  }
0xac: {  	[spmem:s2] =	stream.indirect.scatter.add.f32 [tilespmem:s19], [sflag:$0x3], $0x40, s24, s18, $0xb8;
	[tilespmem:$0x1D000] =	vst v63  }
0xad: {  	_ =	swait.ge [sflag:s13], $0x2000  }
0xae: {  	[sflag:s13] =	ssyncset.done $0x0  }
0xaf: {  	[sflag:s13] =	ssyncadd.s32 $0xFFFFE000  }
0xb0: {  	_ =	swait.ge [sflag:s22], $0x2000  }
0xb1: {  	[sflag:s22] =	ssyncset.done $0x0  }
0xb2: {  	[sflag:s22] =	ssyncadd.s32 $0xFFFFE000  }
0xb3: {  	[spmem:s2] =	stream.indirect.scatter.add.f32 [tilespmem:s20], [sflag:$0x3], $0x40, s25, s18, $0xb8;
	[tilespmem:$0x1D000] =	vst v63  }
0xb4: {  	_ =	swait.ge [sflag:s13], $0x2000  }
0xb5: {  	s26 =	sadd.s32 $0x1, s26;
	[sflag:s13] =	ssyncset.done $0x0  }
0xb6: {  	p0 =	sne.s32 s26, s12;
	[sflag:s13] =	ssyncadd.s32 $0xFFFFE000  }
.Ltmp2:
0xb7: {  	[bflag:$0x0] =	sbarrier.arrive $0xFFFF;
	(pc) =	sbr.rel @p0 .LBB2_1-.Ltmp2, $4  }
0xb8: {  	[hbm:s11], [sflag:s15] =	dma.local [spmem:s16], $0x1400  }
0xb9: {  	_ =	swait.ge [sflag:s13], $0x1400  }
0xba: {  	[sflag:s13] =	ssyncset.done $0x0  }
0xbb: {  	[sflag:s13] =	ssyncadd.s32 $0xFFFFEC00  }
0xbc: {  	_ =	sfence.sel $0x180000  }
0xbd: {  	[bflag:$0x0] =	sbarrier.arrive $0xFFFF  }
0xbe: {  	_ =	strace $0x9000004D  }
0xbf: {  	[bflag:$0x2] =	sbarrier.arrive $0xFFFF  }
0xc0: {  	p0 =	sne.s32 s1, $0x0;
	s0 =	rddreg [dreg:$0x4]  }
0xc1: {  	s0 =	sadd.s32 @!p0 $0x100000, s0  }
0xc2: {  	[sflag:s0] =	ssyncadd.tile.s32 @!p0 $0x1;
	_ =	shalt  }
.Lfunc_end2:
_tile_overlayer_lowered:
.L_overlay_start_2:
0xc3: {  	(tag) =	ssettag $0x2  }
0xc4: {  	s0 =	rddreg [dreg:$0x0];
	s2 =	stileid.u32  }
0xc5: {  	s1 =	rddreg [dreg:$0x1];
	p0 =	sne.s32 s2, $0x0  }
0xc6: {  	s3 =	rddreg [dreg:$0x2];
	[bflag:$0x3] =	sbarrier.arrive $0xFFFF;
	s2 =	simm.s32 @!p0 $0x1C03  }
0xc7: {  	[timem:s3], [sflag:s2] =	dma.local @!p0 [hbm:s0], s1  }
0xc8: {  	s0 =	simm.s32 @!p0 $0x3  }
0xc9: {  	_ =	swait.ge @!p0 [sflag:s0], s1  }
0xca: {  	s1 =	ssub.s32 @!p0 $0x0, s1;
	[sflag:s0] =	ssyncset.done @!p0 $0x0  }
0xcb: {  	[sflag:s0] =	ssyncadd.s32 @!p0 s1  }
0xcc: {  	[bflag:$0x3] =	sbarrier.arrive $0xFFFF  }
0xcd: {  	_ =	shalt  }

// kernel: kernel.8.cloned.1.call-start
scs
__scs_entry_jumppad:
0x0: {  	(pc) =	sbr.rel $0x88, $3  }
0x1: {  	(tag) =	ssettag $0x0;
	lr =	simm.s32 $0x1  }
0x2: {  	[smem:$0x3F9B] =	sst lr;
	_ =	strace $0xD0000000  }
0x3: {  	_ = 	snop  }
0x4: {  	_ = 	snop  }
0x5: {  	_ = 	snop  }
0x6: {  	_ = 	snop  }
0x7: {  	_ = 	snop  }
__scs_overlays_trampoline_lowered:
0x8: {  	[smem:$0x3FAA] =	sst s0  }
0x9: {  	[smem:$0x3FAB] =	sst s1  }
0xa: {  	[smem:$0x3FAC] =	sst s2  }
0xb: {  	[smem:$0x3FAD] =	sst s3  }
0xc: {  	[smem:$0x3FAE] =	sst s4  }
0xd: {  	[smem:$0x3FAF] =	sst s5  }
0xe: {  	[smem:$0x3FB0] =	sst s6  }
0xf: {  	[smem:$0x3FB1] =	sst s7  }
0x10: {  	[smem:$0x3FB2] =	sst s8  }
0x11: {  	[smem:$0x3FB3] =	sst s9;
	s0 =	simm.s32 @!p0 $0x0  }
0x12: {  	s1 =	sld [smem:$0x3F99];
	s0 =	simm.s32 @p0 $0x1  }
0x13: {  	[smem:$0x3FB4] =	sst s0;
	s0 =	simm.s32 @!p1 $0x0  }
0x14: {  	s2 =	sld [smem:$0x3F98];
	s0 =	simm.s32 @p1 $0x1  }
0x15: {  	[smem:$0x3FB5] =	sst s0;
	s0 =	simm.s32 @!p2 $0x0  }
0x16: {  	s3 =	sld [smem:$0x3FDB];
	s0 =	simm.s32 @p2 $0x1  }
0x17: {  	s4 =	simm.s32 $0x1BF5;
	[smem:$0x3FB7] =	sst s0  }
0x18: {  	s0 =	sld [smem:$0x3F9A];
	_ =	swait.ge [sflag:s4], $0x0  }
0x19: {  	s7 =	sld [smem:$0x3F9B]  }
0x1a: {  	s8 =	sadd.s32 $0xFFFFE003, lr  }
0x1b: {  	s9 =	sadd.s32 $0xFFFFFEF7, lr;
	s5 =	simm.s32 $0xFFFFFFFF;
	p2 =	slt.u32 s8, $0xFFFFF086  }
0x1c: {  	p1 =	slt.u32 s9, $0xF7A;
	s5 =	simm.s32 @!p2 $0x0  }
0x1d: {  	s5 =	simm.s32 @p1 $0x1;
	p0 =	seq.s32 s7, s2  }
0x1e: {  	s7 =	smul.u32 @!p0 $0xF7A, s2;
	p2 =	seq.s32 @!p0 s5, $0x0  }
0x1f: {  	s9 =	smul.u32 $0xF7A, s1;
	s8 =	simm.s32 @!p0 $0x1BF5;
	p2 =	por !p2, p0  }
0x20: {  	[sflag:s8] =	ssyncset.s32 @!p0 $0xFFFFF086;
	s6 =	sadd.s32 @!p0 s3, s7;
	s7 =	simm.s32 @!p0 $0x108  }
0x21: {  	s3 =	sadd.s32 s3, s9;
	s6 =	sadd.s32 @!p0 $0x88, s6;
	s7 =	simm.s32 @p2 $0x1082  }
0x22: {  	[simem:s7], [sflag:s8] =	dma.local @!p0 [hbm:s6], $0xF7A  }
0x23: {  	s9 =	sor.u32 $0xD0000000, s2;
	s6 =	simm.s32 $0x108;
	_ =	swait.ge @!p0 [sflag:s8], $0x0  }
0x24: {  	s3 =	sadd.s32 $0x88, s3;
	s6 =	simm.s32 @!p1 $0x1082;
	[sflag:s4] =	ssyncset.s32 $0xFFFFF086  }
0x25: {  	[simem:s6], [sflag:s4] =	dma.local [hbm:s3], $0xF7A  }
0x26: {  	[smem:$0x3F9B] =	sst s1;
	(tag) =	ssettag s2;
	_ =	strace s9  }
0x27: {  	s1 =	sld [smem:$0x3FAB]  }
0x28: {  	s2 =	sld [smem:$0x3FAC]  }
0x29: {  	s4 =	sld [smem:$0x3FAE]  }
0x2a: {  	p0 =	seq.s32 s5, $0x0;
	s5 =	sld [smem:$0x3FAF]  }
0x2b: {  	s6 =	sld [smem:$0x3FB0]  }
0x2c: {  	s7 =	sld [smem:$0x3FB1]  }
0x2d: {  	s3 =	simm.s32 $0x108;
	s8 =	sld [smem:$0x3FB2]  }
0x2e: {  	s3 =	simm.s32 @!p0 $0x1082;
	s9 =	sld [smem:$0x3FB3]  }
0x2f: {  	lr =	sadd.s32 s0, s3;
	s0 =	sld [smem:$0x3FAA]  }
0x30: {  	s3 =	sld [smem:$0x3FAD]  }
0x31: {  	[smem:$0x3FB6] =	sst s10  }
0x32: {  	s10 =	sld [smem:$0x3FB4];
	_ =	sdelay $0x3  }
0x33: {  	p0 =	seq.s32 s10, $0x1;
	s10 =	sld [smem:$0x3FB6];
	_ =	sdelay $0x3  }
0x34: {  	[smem:$0x3FB6] =	sst s10  }
0x35: {  	s10 =	sld [smem:$0x3FB5];
	_ =	sdelay $0x3  }
0x36: {  	p1 =	seq.s32 s10, $0x1;
	s10 =	sld [smem:$0x3FB6];
	_ =	sdelay $0x3  }
0x37: {  	[smem:$0x3FB6] =	sst s10  }
0x38: {  	s10 =	sld [smem:$0x3FB7]  }
0x39: {  	_ = 	snop;
	(pc) =	sbr.ind lr, $3  }
0x3a: {  	_ = 	snop  }
0x3b: {  	_ = 	snop  }
0x3c: {  	p2 =	seq.s32 s10, $0x1;
	s10 =	sld [smem:$0x3FB6]  }
0x3d: {  	_ =	shalt  }
0x3e: {  	_ =	shalt  }
0x3f: {  	_ =	shalt  }
0x40: {  	_ =	shalt  }
0x41: {  	_ =	shalt  }
0x42: {  	_ =	shalt  }
0x43: {  	_ =	shalt  }
0x44: {  	_ =	shalt  }
0x45: {  	_ =	shalt  }
0x46: {  	_ =	shalt  }
0x47: {  	_ =	shalt  }
0x48: {  	_ =	shalt  }
0x49: {  	_ =	shalt  }
0x4a: {  	_ =	shalt  }
0x4b: {  	_ =	shalt  }
0x4c: {  	_ =	shalt  }
0x4d: {  	_ =	shalt  }
0x4e: {  	_ =	shalt  }
0x4f: {  	_ =	shalt  }
0x50: {  	_ =	shalt  }
0x51: {  	_ =	shalt  }
0x52: {  	_ =	shalt  }
0x53: {  	_ =	shalt  }
0x54: {  	_ =	shalt  }
0x55: {  	_ =	shalt  }
0x56: {  	_ =	shalt  }
0x57: {  	_ =	shalt  }
0x58: {  	_ =	shalt  }
0x59: {  	_ =	shalt  }
0x5a: {  	_ =	shalt  }
0x5b: {  	_ =	shalt  }
0x5c: {  	_ =	shalt  }
0x5d: {  	_ =	shalt  }
0x5e: {  	_ =	shalt  }
0x5f: {  	_ =	shalt  }
0x60: {  	_ =	shalt  }
0x61: {  	_ =	shalt  }
0x62: {  	_ =	shalt  }
0x63: {  	_ =	shalt  }
0x64: {  	_ =	shalt  }
0x65: {  	_ =	shalt  }
0x66: {  	_ =	shalt  }
0x67: {  	_ =	shalt  }
0x68: {  	_ =	shalt  }
0x69: {  	_ =	shalt  }
0x6a: {  	_ =	shalt  }
0x6b: {  	_ =	shalt  }
0x6c: {  	_ =	shalt  }
0x6d: {  	_ =	shalt  }
0x6e: {  	_ =	shalt  }
0x6f: {  	_ =	shalt  }
0x70: {  	_ =	shalt  }
0x71: {  	_ =	shalt  }
0x72: {  	_ =	shalt  }
0x73: {  	_ =	shalt  }
0x74: {  	_ =	shalt  }
0x75: {  	_ =	shalt  }
0x76: {  	_ =	shalt  }
0x77: {  	_ =	shalt  }
0x78: {  	_ =	shalt  }
0x79: {  	_ =	shalt  }
0x7a: {  	_ =	shalt  }
0x7b: {  	_ =	shalt  }
0x7c: {  	_ =	shalt  }
0x7d: {  	_ =	shalt  }
0x7e: {  	_ =	shalt  }
0x7f: {  	_ =	shalt  }
0x80: {  	_ =	shalt  }
0x81: {  	_ =	shalt  }
0x82: {  	_ =	shalt  }
0x83: {  	_ =	shalt  }
0x84: {  	_ =	shalt  }
0x85: {  	_ =	shalt  }
0x86: {  	_ =	shalt  }
0x87: {  	_ =	shalt  }
.Lfunc_end0:
.L_simem_size_0:
called_computation_lowered:
.L_overlay_start_0:
0x88: {  	s2 =	sld [smem:$0x3FD9]  }
0x89: {  	s3 =	sld [smem:$0x3FFE];
	_ =	sdelay $0x1  }
0x8a: {  	s1 =	srdreg.scid  }
0x8b: {  	s0 =	sand.u32 $0x1, s1  }
0x8c: {  	s17 =	sshll.u32 s0, $0xA;
	s2 =	sadd.s32 s3, s2  }
0x8d: {  	s2 =	sadd.s32 s2, s17  }
0x8e: {  	[smem:$0x3FC2] =	sst s2  }
0x8f: {  	_ = 	snop  }
0x90: {  	s2 =	sld [smem:$0x3FD0];
	(tm) =	ssettm $0x1  }
0x91: {  	s18 =	sld [smem:$0x3FFB];
	_ =	sdelay $0x3  }
0x92: {  	_ =	strace s18  }
0x93: {  	s3 =	sld [smem:$0x3FFC];
	_ =	sdelay $0x3  }
0x94: {  	_ =	strace s3  }
0x95: {  	s3 =	sld [smem:$0x3FFD];
	_ =	sdelay $0x3  }
0x96: {  	_ =	strace s3  }
0x97: {  	_ =	strace $0x8FFFFFFF  }
0x98: {  	s19 =	sld [smem:$0x3FDB];
	_ =	sdelay $0x1  }
0x99: {  	s4 =	simm.s32 $_scs_section_size  }
0x9a: {  	s5 =	simm.s32 $_size__tile_overlayer_lowered;
	s6 =	simm.s32 $_tile_overlayer_lowered  }
0x9b: {  	s22 =	simm.s32 $0x1BFF;
	s21 =	sshll.u32 s6, $0x1;
	s3 =	sadd.s32 s4, s19  }
0x9c: {  	s7 =	simm.s32 $0x0;
	s20 =	sshll.u32 s5, $0x1;
	s5 =	sadd.s32 s21, s3  }
0x9d: {  	[timem:s7], [sflag:s22] =	dma.local [hbm:s5], s20  }
0x9e: {  	_ =	swait.ge [sflag:s22], s20  }
0x9f: {  	s4 =	ssub.s32 $0x0, s20;
	[sflag:s22] =	ssyncset.done $0x0  }
0xa0: {  	[sflag:s22] =	ssyncadd.s32 s4;
	_ =	sdelay $0x1  }
0xa1: {  	s23 =	simm.s32 $0x1B8B  }
0xa2: {  	_ =	swait.ge [sflag:s23], $0x1  }
0xa3: {  	[sflag:s23] =	ssyncset.done $0x0  }
0xa4: {  	s25 =	simm.s32 $0x1B8E;
	s24 =	sld [smem:$0x3FFE];
	[sflag:s23] =	ssyncadd.s32 $0xFFFFFFFF  }
0xa5: {  	s26 =	simm.s32 $execute0_lowered;
	[smem:$0x3FD2] =	sst s25  }
0xa6: {  	s5 =	sshll.u32 s26, $0x1;
	_ =	strace $0x80000046;
	[dreg:$0x1] =	wrdreg $0xFFFFFFFF  }
0xa7: {  	s28 =	simm.s32 $_size_execute0_lowered;
	s3 =	sadd.s32 s3, s5;
	[dreg:$0x0] =	wrdreg $0x0  }
0xa8: {  	s5 =	sshll.u32 s28, $0x1;
	[dreg:$0x2] =	wrdreg s3  }
0xa9: {  	[dreg:$0x3] =	wrdreg s5  }
0xaa: {  	[dreg:$0x4] =	wrdreg $0xC0  }
0xab: {  	_ =	task [dreg:s7], $0x5FFFF  }
0xac: {  	[dreg:$0x1] =	wrdreg $0xFFFFFFFF  }
0xad: {  	[dreg:$0x0] =	wrdreg $0x60  }
0xae: {  	[dreg:$0x2] =	wrdreg s24  }
0xaf: {  	[dreg:$0x3] =	wrdreg s2  }
0xb0: {  	[dreg:$0x4] =	wrdreg $0x50800  }
0xb1: {  	[dreg:$0x5] =	wrdreg $0x53000  }
0xb2: {  	[dreg:$0x6] =	wrdreg $0x9  }
0xb3: {  	_ =	task.clear_ibuf [dreg:s7], $0x7FFFF;
	_ =	strace $0x90000046  }
0xb4: {  	s29 =	simm.s32 $0x9;
	_ =	strace $0x80000048  }
0xb5: {  	_ =	swait.ge [sflag:s29], $0x1  }
0xb6: {  	[sflag:s29] =	ssyncadd.s32 $0xFFFFFFFF  }
0xb7: {  	_ =	strace $0x90000048  }
0xb8: {  	_ =	sfence  }
0xb9: {  	s30 =	sld [smem:$0x0];
	_ =	sdelay $0x2  }
0xba: {  	s31 =	sshll.u32 s1, $0xD;
	s1 =	sshrl.u32 s1, $0x2  }
0xbb: {  	s3 =	sand.u32 $0x4000, s31;
	s1 =	sadd.s32 s1, s30  }
0xbc: {  	s0 =	sor.u32 s3, s0;
	s1 =	sshll.u32 s1, $0x11  }
0xbd: {  	s0 =	sor.u32 s1, s0  }
0xbe: {  	s0 =	sadd.s32 $0x8F2B, s0  }
0xbf: {  	[sflag:s0] =	ssyncadd.remote.s32 $0x1  }
0xc0: {  	_ =	sfence.sel $0xFFFF  }
0xc1: {  	[dreg:$0x0] =	wrdreg $0xFFFFFFFF;
	(pc) =	sbr.abs _section_cstart, $3  }
0xc2: {  	[dreg:$0x1] =	wrdreg $0xFFFFFFFF  }
0xc3: {  	_ =	task.clear_ibuf [dreg:s7], $0x2FFFF;
	_ =	strace $0x9FFFFFFF  }
0xc4: {  	(tm) =	ssettm $0x7FFFFFFF  }
0xc5: {  	_ =	shalt  }
tec
execute0_lowered:
.L_overlay_start_1:
0x0: {  	(tag) =	ssettag $0x1  }
0x1: {  	s5 =	rddreg [dreg:$0x0]  }
0x2: {  	s8 =	rddreg [dreg:$0x1]  }
0x3: {  	s1 =	srdreg.scid;
	s2 =	rddreg [dreg:$0x2]  }
0x4: {  	s0 =	stileid.u32;
	s3 =	rddreg [dreg:$0x3];
	s4 =	simm.s32 $0x0  }
0x5: {  	s16 =	simm.s32 $0x80;
	s17 =	simm.s32 $0x5000;
	s18 =	simm.s32 $0x1  }
0x6: {  	s19 =	simm.s32 $0x2;
	s20 =	simm.s32 $0x20;
	s21 =	simm.s32 $0x10  }
0x7: {  	s22 =	simm.s32 $0x0;
	s6 =	sand.u32 $0x1, s1;
	s1 =	rddreg [dreg:$0x4]  }
0x8: {  	s29 =	sshll.u32 s0, $0x1;
	[smem:$0x7FF] =	sst s4;
	s9 =	smul.u32 $0x280, s0  }
0x9: {  	s12 =	smul.u32 $0x500, s0;
	s31 =	sshll.u32 s0, $0x6;
	s7 =	sor.u32 s6, s29  }
0xa: {  	_ =	strace $0x80000047;
	s10 =	smul.u32 $0x5000, s6;
	s6 =	ssub.s32 $0x2, s6  }
0xb: {  	s7 =	smul.u32 $0x500, s7;
	s11 =	sshrl.u32 s9, $0x3;
	s30 =	sshrl.u32 s6, $0x1  }
0xc: {  	s14 =	sadd.s32 s9, s2;
	s15 =	sadd.s32 s9, s3;
	s11 =	sadd.s32 s11, s5  }
0xd: {  	s13 =	ssub.s32 s6, s30;
	s10 =	sadd.s32 s12, s10;
	s12 =	simm.s32 $0x2800  }
0xe: {  	s14 =	sshrl.u32 s14, $0x3;
	s15 =	sshrl.u32 s15, $0x3;
	s7 =	sadd.s32 s7, s5  }
0xf: {  	s10 =	sshrl.u32 s10, $0x3;
	s5 =	sadd.s32 $0xB600, s7;
	s6 =	sadd.s32 $0x1600, s7  }
0x10: {  	s7 =	sadd.s32 $0x15600, s11;
	s8 =	sadd.s32 s8, s10;
	s10 =	smax.u32 s13, $0x1  }
0x11: {  	v0 =	vimm.f32 $1.000000000e+00;
	s11 =	simm.s32 $0x3;
	s13 =	sor.u32 $0x1C03, s31;
	s9 =	sadd.s32 $0x10, s8  }
.LBB2_1:
0x12: {  	[tilespmem:s4], [sflag:$0x3] =	stream.linear.gather [hbm4b:s5+s4], $0x2800, $0x38;
	[tilespmem:$0x5580] =	vst v63  }
0x13: {  	_ =	swait.ge [sflag:s11], $0x2800  }
0x14: {  	[sflag:s11] =	ssyncset.done $0x0  }
0x15: {  	[sflag:s11] =	ssyncadd.s32 $0xFFFFD800  }
0x16: {  	[tilespmem:s12], [sflag:$0x3] =	stream.linear.gather [hbm4b:s6+s4], $0x2800, $0x38;
	[tilespmem:$0x5580] =	vst v63  }
0x17: {  	_ =	swait.ge [sflag:s11], $0x2800  }
0x18: {  	[sflag:s11] =	ssyncset.done $0x0  }
0x19: {  	[sflag:s11] =	ssyncadd.s32 $0xFFFFD800  }
0x1a: {  	[tilespmem:$0x5000] =	vst v0  }
0x1b: {  	[tilespmem:$0x5010] =	vst v0  }
0x1c: {  	[tilespmem:$0x5020] =	vst v0  }
0x1d: {  	[tilespmem:$0x5030] =	vst v0  }
0x1e: {  	[tilespmem:$0x5040] =	vst v0  }
0x1f: {  	[tilespmem:$0x5050] =	vst v0  }
0x20: {  	[tilespmem:$0x5060] =	vst v0  }
0x21: {  	[tilespmem:$0x5070] =	vst v0  }
0x22: {  	[spmem:s14], [sflag:s13] =	dma.local [hbm:s7], $0x50  }
0x23: {  	_ =	swait.ge [sflag:s11], $0x50  }
0x24: {  	[sflag:s11] =	ssyncset.done $0x0  }
0x25: {  	[sflag:s11] =	ssyncadd.s32 $0xFFFFFFB0  }
0x26: {  	[spmem:s15], [sflag:s13] =	dma.local [hbm:s7], $0x50  }
0x27: {  	_ =	swait.ge [sflag:s11], $0x50  }
0x28: {  	[sflag:s11] =	ssyncset.done $0x0  }
0x29: {  	[sflag:s11] =	ssyncadd.s32 $0xFFFFFFB0  }
0x2a: {  	s23 =	simm.s32 $0x0;
	[bflag:$0x0] =	sbarrier.arrive $0xFFFF  }
0x2b: {  	[spmem:s2] =	stream.indirect.scatter.add.f32 [tilespmem:s17], [sflag:$0x1], $0x1, s23, s16, $0xb8;
	[tilespmem:$0x5580] =	vst v63  }
0x2c: {  	s24 =	simm.s32 $0x2800;
	s23 =	simm.s32 $0x200  }
.LBB2_2:
0x2d: {  	[spmem:s3] =	stream.indirect.scatter.add.f32 [tilespmem:s17], [sflag:$0x2], $0x1, s24, s16, $0xb8;
	[tilespmem:$0x5580] =	vst v63  }
0x2e: {  	s24 =	smov.u32 s23;
	p0 =	sne.s32 s23, $0x9E00  }
.Ltmp0:
0x2f: {  	s23 =	sadd.s32 $0x200, s23;
	(pc) =	sbr.rel @p0 .LBB2_2-.Ltmp0, $4  }
0x30: {  	_ = 	snop  }
0x31: {  	s24 =	sshra.s32 s24, $0x2  }
0x32: {  	[spmem:s2] =	stream.indirect.scatter.add.f32 [tilespmem:s17], [sflag:$0x1], $0x1, s24, s16, $0xb8;
	[tilespmem:$0x5580] =	vst v63  }
0x33: {  	s24 =	sadd.s32 $0x2800, s24  }
0x34: {  	[spmem:s3] =	stream.indirect.scatter.add.f32 [tilespmem:s17], [sflag:$0x2], $0x1, s24, s16, $0xb8;
	[tilespmem:$0x5580] =	vst v63  }
0x35: {  	_ =	swait.ge [sflag:s18], $0x80  }
0x36: {  	[sflag:s18] =	ssyncset.done $0x0  }
0x37: {  	[sflag:s18] =	ssyncadd.s32 $0xFFFFFF80  }
0x38: {  	_ =	swait.ge [sflag:s19], $0x80  }
0x39: {  	s23 =	simm.s32 $0x4F;
	[sflag:s19] =	ssyncset.done $0x0  }
.LBB2_4:
0x3a: {  	p0 =	sne.s32 s23, $0x1;
	s23 =	sadd.s32 $0xFFFFFFFF, s23;
	[sflag:s19] =	ssyncadd.s32 $0xFFFFFF80  }
.Ltmp1:
0x3b: {  	_ =	swait.ge [sflag:s18], $0x80;
	(pc) =	sbr.rel @p0 .LBB2_4-.Ltmp1, $4  }
0x3c: {  	[sflag:s18] =	ssyncset.done $0x0  }
0x3d: {  	[sflag:s18] =	ssyncadd.s32 $0xFFFFFF80  }
0x3e: {  	_ =	swait.ge [sflag:s19], $0x80  }
0x3f: {  	[sflag:s19] =	ssyncset.done $0x0  }
0x40: {  	[sflag:s19] =	ssyncadd.s32 $0xFFFFFF80  }
0x41: {  	[bflag:$0x0] =	sbarrier.arrive $0xFFFF  }
0x42: {  	[hbm:s8@s20], [sflag:s13] =	dma.strided [spmem:s14@s21], $0x50, s18, $0x10   }
0x43: {  	s22 =	sadd.s32 $0x1, s22;
	_ =	swait.ge [sflag:s11], $0x50  }
0x44: {  	p0 =	sne.s32 s22, s10;
	[sflag:s11] =	ssyncset.done $0x0  }
.Ltmp2:
0x45: {  	[sflag:s11] =	ssyncadd.s32 $0xFFFFFFB0;
	(pc) =	sbr.rel @p0 .LBB2_1-.Ltmp2, $4  }
0x46: {  	[hbm:s9@s20], [sflag:s13] =	dma.strided [spmem:s15@s21], $0x50, s18, $0x10   }
0x47: {  	_ =	swait.ge [sflag:s11], $0x50  }
0x48: {  	[sflag:s11] =	ssyncset.done $0x0  }
0x49: {  	[sflag:s11] =	ssyncadd.s32 $0xFFFFFFB0  }
0x4a: {  	_ =	sfence.sel $0x180000  }
0x4b: {  	[bflag:$0x0] =	sbarrier.arrive $0xFFFF  }
0x4c: {  	p0 =	sne.s32 s0, $0x0;
	_ =	strace $0x90000047  }
0x4d: {  	s0 =	sadd.s32 @!p0 $0x100000, s1;
	[bflag:$0x2] =	sbarrier.arrive $0xFFFF  }
0x4e: {  	[sflag:s0] =	ssyncadd.tile.s32 @!p0 $0x1;
	_ =	shalt  }
.Lfunc_end2:
_tile_overlayer_lowered:
.L_overlay_start_2:
0x4f: {  	(tag) =	ssettag $0x2  }
0x50: {  	s0 =	rddreg [dreg:$0x0];
	s2 =	stileid.u32  }
0x51: {  	s1 =	rddreg [dreg:$0x1];
	p0 =	sne.s32 s2, $0x0  }
0x52: {  	s3 =	rddreg [dreg:$0x2];
	[bflag:$0x3] =	sbarrier.arrive $0xFFFF;
	s2 =	simm.s32 @!p0 $0x1C03  }
0x53: {  	[timem:s3], [sflag:s2] =	dma.local @!p0 [hbm:s0], s1  }
0x54: {  	s0 =	simm.s32 @!p0 $0x3  }
0x55: {  	_ =	swait.ge @!p0 [sflag:s0], s1  }
0x56: {  	s1 =	ssub.s32 @!p0 $0x0, s1;
	[sflag:s0] =	ssyncset.done @!p0 $0x0  }
0x57: {  	[sflag:s0] =	ssyncadd.s32 @!p0 s1  }
0x58: {  	[bflag:$0x3] =	sbarrier.arrive $0xFFFF  }
0x59: {  	_ =	shalt  }

</sc_bundles>
